<compile_context>
chip_gen: v7x
topology: tpu7x:2x2x1
jax: 0.10.2.dev20260603
libtpu: 0.0.44.dev20260713+nightly
codegen_flags: <defaults>
</compile_context>

<pallas_src>
import functools

import jax
import jax.numpy as jnp
from jax import lax
from jax.experimental import pallas as pl
from jax.experimental.pallas import tpu as pltpu
from jax.experimental.pallas import tpu_sc as plsc

N_NODES = 10000
N_EDGES = 160000
D_EDGE = 16
LANES = 16
N_WORKERS = 16
EPW = N_EDGES // N_WORKERS
GROUPS = EPW // LANES
UNROLL = 5
NPAD = 10240
SEG_PW = NPAD // N_WORKERS
NEG_INF = float("-inf")


def _prep_body(w_ref, x_ref, idx_ref, a_ref, src_ref):
    y = lax.dot_general(w_ref[...], x_ref[...], (((0,), (0,)), ((), ())),
                        preferred_element_type=jnp.float32)
    a_ref[...] = y[0]
    src_ref[...] = idx_ref[0]


def _edge_prep(edge_features, edge_index, W_attn):
    eft = edge_features.T
    return pl.pallas_call(
        _prep_body,
        out_shape=[
            jax.ShapeDtypeStruct((N_EDGES,), jnp.float32),
            jax.ShapeDtypeStruct((N_EDGES,), jnp.int32),
        ],
    )(W_attn, eft, edge_index)


def _sc_body(a_hbm, src_hbm, out_hbm,
             a_v, src_v, ex_v, pmax_v, glob_v, red_v, gseg_v,
             kb0, kb1, kb2, kb3, kb4, vb0, vb1, vb2, vb3, vb4, accb,
             pmax_sh, gmax_sh, den_sh):
    kbufs = (kb0, kb1, kb2, kb3, kb4)
    vbufs = (vb0, vb1, vb2, vb3, vb4)
    wid = lax.axis_index("s")
    base_e = wid * EPW
    with jax.named_scope("sc_dma_in"):
        pltpu.sync_copy(a_hbm.at[pl.ds(base_e, EPW)], a_v)
        pltpu.sync_copy(src_hbm.at[pl.ds(base_e, EPW)], src_v)

    neg = jnp.full((LANES,), NEG_INF, jnp.float32)
    iot = lax.iota(jnp.int32, LANES)

    with jax.named_scope("sc_init"):
        def init_body(i, _):
            for u in range(8):
                pmax_v[pl.ds((i * 8 + u) * LANES, LANES)] = neg
            return _
        lax.fori_loop(0, NPAD // LANES // 8, init_body, None)

    with jax.named_scope("sc_phase_a"):
        def phase_a(i, _):
            for u in range(UNROLL):
                kbuf, vbuf = kbufs[u], vbufs[u]
                b = (i * UNROLL + u) * LANES
                s16 = src_v[pl.ds(b, LANES)]
                a16 = a_v[pl.ds(b, LANES)]
                sk, sv = plsc.sort_key_val(s16, a16)
                kbuf[...] = sk
                m = sv
                for k in (1, 2, 4, 8):
                    j = jnp.maximum(iot - k, 0)
                    vbuf[...] = m
                    pm = plsc.load_gather(vbuf, [j])
                    ps = plsc.load_gather(kbuf, [j])
                    take = (ps == sk) & (iot >= k)
                    m = jnp.where(take, jnp.maximum(m, pm), m)
                ns = plsc.load_gather(kbuf, [jnp.minimum(iot + 1, LANES - 1)])
                last = (ns != sk) | (iot == LANES - 1)
                old = plsc.load_gather(pmax_v, [sk])
                plsc.store_scatter(pmax_v, [sk], jnp.maximum(old, m),
                                   mask=last)
            return _
        lax.fori_loop(0, GROUPS // UNROLL, phase_a, None)

    with jax.named_scope("sc_combine_max"):
        pltpu.sync_copy(pmax_v, pmax_sh.at[wid])
        plsc.subcore_barrier()
        seg_lo = wid * SEG_PW
        pltpu.sync_copy(pmax_sh.at[:, pl.ds(seg_lo, SEG_PW)], red_v)

        def red_body(j, _):
            cc = j * LANES
            m = red_v[0, pl.ds(cc, LANES)]
            for r in range(1, N_WORKERS):
                m = jnp.maximum(m, red_v[r, pl.ds(cc, LANES)])
            gseg_v[pl.ds(cc, LANES)] = m
            return _
        lax.fori_loop(0, SEG_PW // LANES, red_body, None)
        pltpu.sync_copy(gseg_v, gmax_sh.at[pl.ds(seg_lo, SEG_PW)])

        zeros = jnp.zeros((LANES,), jnp.float32)

        def zero_body(j, _):
            for u in range(8):
                gseg_v[pl.ds((j * 8 + u) * LANES, LANES)] = zeros
            return _
        lax.fori_loop(0, SEG_PW // LANES // 8, zero_body, None)
        pltpu.sync_copy(gseg_v, den_sh.at[pl.ds(seg_lo, SEG_PW)])
        plsc.subcore_barrier()
        pltpu.sync_copy(gmax_sh, glob_v)

    with jax.named_scope("sc_phase_b"):
        def phase_b(i, _):
            for u in range(UNROLL):
                b = (i * UNROLL + u) * LANES
                s16 = src_v[pl.ds(b, LANES)]
                a16 = a_v[pl.ds(b, LANES)]
                mx = plsc.load_gather(glob_v, [s16])
                ex_v[pl.ds(b, LANES)] = jnp.exp(a16 - mx)
            return _
        lax.fori_loop(0, GROUPS // UNROLL, phase_b, None)
    with jax.named_scope("sc_scatter_add"):
        pltpu.sync_copy(ex_v, den_sh.at[src_v], add=True)
        plsc.subcore_barrier()
        pltpu.sync_copy(den_sh, glob_v)

    with jax.named_scope("sc_phase_c"):
        def phase_c(i, acc):
            for u in range(UNROLL):
                b = (i * UNROLL + u) * LANES
                s16 = src_v[pl.ds(b, LANES)]
                e16 = ex_v[pl.ds(b, LANES)]
                d16 = plsc.load_gather(glob_v, [s16])
                acc = acc + e16 / d16
            return acc
        acc = lax.fori_loop(0, GROUPS // UNROLL, phase_c,
                            jnp.zeros((LANES,), jnp.float32))
        accb[...] = acc
        pltpu.sync_copy(accb, out_hbm.at[wid])


_sc_softmax_partials = functools.partial(
    pl.kernel,
    mesh=plsc.VectorSubcoreMesh(core_axis_name="c", subcore_axis_name="s",
                                num_cores=1),
    compiler_params=pltpu.CompilerParams(needs_layout_passes=False),
    out_type=jax.ShapeDtypeStruct((N_WORKERS, LANES), jnp.float32),
    scratch_types=[
        pltpu.VMEM((EPW,), jnp.float32),
        pltpu.VMEM((EPW,), jnp.int32),
        pltpu.VMEM((EPW,), jnp.float32),
        pltpu.VMEM((NPAD,), jnp.float32),
        pltpu.VMEM((NPAD,), jnp.float32),
        pltpu.VMEM((N_WORKERS, SEG_PW), jnp.float32),
        pltpu.VMEM((SEG_PW,), jnp.float32),
        pltpu.VMEM((LANES,), jnp.int32),
        pltpu.VMEM((LANES,), jnp.int32),
        pltpu.VMEM((LANES,), jnp.int32),
        pltpu.VMEM((LANES,), jnp.int32),
        pltpu.VMEM((LANES,), jnp.int32),
        pltpu.VMEM((LANES,), jnp.float32),
        pltpu.VMEM((LANES,), jnp.float32),
        pltpu.VMEM((LANES,), jnp.float32),
        pltpu.VMEM((LANES,), jnp.float32),
        pltpu.VMEM((LANES,), jnp.float32),
        pltpu.VMEM((LANES,), jnp.float32),
        pltpu.VMEM_SHARED((N_WORKERS, NPAD), jnp.float32),
        pltpu.VMEM_SHARED((NPAD,), jnp.float32),
        pltpu.VMEM_SHARED((NPAD,), jnp.float32),
    ],
)(_sc_body)


def _sc_quick_body(a_hbm, src_hbm, out_hbm, bad_hbm,
                   a_v, src_v, ex_v, glob_v, gseg_v, vbuf, accb, badb, gmx_v,
                   gmax16_sh, den_sh):
    wid = lax.axis_index("s")
    base_e = wid * EPW
    pltpu.sync_copy(a_hbm.at[pl.ds(base_e, EPW)], a_v)
    pltpu.sync_copy(src_hbm.at[pl.ds(base_e, EPW)], src_v)

    neg = jnp.full((LANES,), NEG_INF, jnp.float32)
    zeros = jnp.zeros((LANES,), jnp.float32)

    def lmax_body(i, m):
        for u in range(UNROLL):
            m = jnp.maximum(m, a_v[pl.ds((i * UNROLL + u) * LANES, LANES)])
        return m
    m16 = lax.fori_loop(0, GROUPS // UNROLL, lmax_body, neg)
    vbuf[...] = m16
    pltpu.sync_copy(vbuf, gmax16_sh.at[wid])

    def zero_body(j, _):
        for u in range(8):
            gseg_v[pl.ds((j * 8 + u) * LANES, LANES)] = zeros
        return _
    lax.fori_loop(0, SEG_PW // LANES // 8, zero_body, None)
    pltpu.sync_copy(gseg_v, den_sh.at[pl.ds(wid * SEG_PW, SEG_PW)])
    plsc.subcore_barrier()
    pltpu.sync_copy(gmax16_sh, gmx_v)
    cm = neg
    for r in range(N_WORKERS):
        cm = jnp.maximum(cm, gmx_v[r, :])
    c_glob = lax.reduce_max(cm, axes=(0,))

    def qb_body(i, _):
        for u in range(UNROLL):
            b = (i * UNROLL + u) * LANES
            ex_v[pl.ds(b, LANES)] = jnp.exp(a_v[pl.ds(b, LANES)] - c_glob)
        return _
    lax.fori_loop(0, GROUPS // UNROLL, qb_body, None)
    pltpu.sync_copy(ex_v, den_sh.at[src_v], add=True)
    plsc.subcore_barrier()
    pltpu.sync_copy(den_sh, glob_v)

    def qc_body(i, carry):
        acc, bad = carry
        for u in range(UNROLL):
            b = (i * UNROLL + u) * LANES
            s16 = src_v[pl.ds(b, LANES)]
            e16 = ex_v[pl.ds(b, LANES)]
            d16 = plsc.load_gather(glob_v, [s16])
            ok = d16 > 0.0
            acc = acc + jnp.where(ok, e16 / d16, 0.0)
            bad = bad | ~ok
        return acc, bad
    acc, bad = lax.fori_loop(0, GROUPS // UNROLL, qc_body,
                             (jnp.zeros((LANES,), jnp.float32),
                              jnp.zeros((LANES,), jnp.bool_)))
    accb[...] = acc
    badb[...] = jnp.where(bad, 1.0, 0.0)
    pltpu.sync_copy(accb, out_hbm.at[wid])
    pltpu.sync_copy(badb, bad_hbm.at[wid])


_sc_quick = functools.partial(
    pl.kernel,
    mesh=plsc.VectorSubcoreMesh(core_axis_name="c", subcore_axis_name="s",
                                num_cores=1),
    compiler_params=pltpu.CompilerParams(needs_layout_passes=False),
    out_type=[
        jax.ShapeDtypeStruct((N_WORKERS, LANES), jnp.float32),
        jax.ShapeDtypeStruct((N_WORKERS, LANES), jnp.float32),
    ],
    scratch_types=[
        pltpu.VMEM((EPW,), jnp.float32),
        pltpu.VMEM((EPW,), jnp.int32),
        pltpu.VMEM((EPW,), jnp.float32),
        pltpu.VMEM((NPAD,), jnp.float32),
        pltpu.VMEM((SEG_PW,), jnp.float32),
        pltpu.VMEM((LANES,), jnp.float32),
        pltpu.VMEM((LANES,), jnp.float32),
        pltpu.VMEM((LANES,), jnp.float32),
        pltpu.VMEM((N_WORKERS, LANES), jnp.float32),
        pltpu.VMEM_SHARED((N_WORKERS, LANES), jnp.float32),
        pltpu.VMEM_SHARED((NPAD,), jnp.float32),
    ],
)(_sc_quick_body)


def _h_body(p_ref, x_ref, o_ref):
    o_ref[...] = x_ref[...] + 0.0 * jnp.sum(p_ref[...])


def kernel(node_features, edge_features, edge_index, W_attn):
    a, src = _edge_prep(edge_features, edge_index.astype(jnp.int32), W_attn)
    q_partials, badm = _sc_quick(a, src)
    partials = lax.cond(jnp.max(badm) > 0.0,
                        lambda: _sc_softmax_partials(a, src),
                        lambda: q_partials)

    rows, cols = node_features.shape
    blk = 2000
    h = pl.pallas_call(
        _h_body,
        grid=(rows // blk,),
        in_specs=[
            pl.BlockSpec((N_WORKERS, LANES), lambda i: (0, 0)),
            pl.BlockSpec((blk, cols), lambda i: (i, 0)),
        ],
        out_specs=pl.BlockSpec((blk, cols), lambda i: (i, 0)),
        out_shape=jax.ShapeDtypeStruct(node_features.shape,
                                       node_features.dtype),
    )(partials, node_features)
    return h

# --- scband reference (transcript-rebuilt; emitter-appended) ---
"""Pipeline reference for scband-s-layer-36189394436362 (READ-ONLY COPY).

The authoritative reference and input builder live on the scoring server;
editing this copy changes nothing except your own understanding.
"""

import jax, jax.numpy as jnp
import numpy as np

N_NODES = 10000
N_EDGES = 160000
D_FEAT = 256
D_EDGE = 16


def setup_inputs(seed: int = 0) -> dict:
    key = jax.random.key(seed)
    k1, k2, k3, k4 = jax.random.split(key, 4)
    node_features = jax.random.normal(k1, (N_NODES, D_FEAT), dtype=jnp.float32)
    edge_features = jax.random.normal(k2, (N_EDGES, D_EDGE), dtype=jnp.float32)
    edge_index = jax.random.randint(k3, (2, N_EDGES), 0, N_NODES, dtype=jnp.int64)
    # learned parameter of e_group_attn_fc: Linear(edge_dim, 1, bias=False)
    W_attn = jax.random.normal(k4, (D_EDGE, 1), dtype=jnp.float32) * (1.0 / np.sqrt(D_EDGE))
    return {"node_features": node_features, "edge_features": edge_features,
            "edge_index": edge_index, "W_attn": W_attn}


def reference(node_features, edge_features, edge_index, W_attn):
    # Faithful translation of sLayer.forward:
    #   g.ndata['z'] = node_features; g.edata['e'] = edge_features
    #   group_apply_edges(edge_weight, group_by='src'):
    #     per src-group: a = e_group_attn_fc(e); alpha = softmax(a) over edges in group
    #     (alpha is computed but never written back to the graph)
    #   h = g.ndata.pop('z')  -> returns node_features unchanged
    src = edge_index[0]
    a = (edge_features @ W_attn)[:, 0]  # (E,)
    # segment softmax grouped by src node (the per-group softmax from edge_weight)
    amax = jax.ops.segment_max(a, src, num_segments=N_NODES)
    ex = jnp.exp(a - amax[src])
    denom = jax.ops.segment_sum(ex, src, num_segments=N_NODES)
    alpha = ex / denom[src]
    # The original layer discards alpha; output is the unchanged node features.
    # Multiply-by-zero keeps the attention computation alive without changing math.
    h = node_features + 0.0 * jnp.sum(alpha)
    return h

if __name__ == "__main__":
    import jax
    _d = setup_inputs()
    print(jax.jit(kernel)(*tuple(_d.values())))

</pallas_src>

<mosaic_0001>
#map = affine_map<(d0, d1) -> (0)>
#map1 = affine_map<(d0, d1) -> (0, 0)>
module attributes {stable_mosaic.version = 14 : i64} {
  func.func @_sc_body(%arg0: i32, %arg1: i32, %arg2: memref<160000xf32, #tpu.memory_space<hbm>>, %arg3: memref<160000xi32, #tpu.memory_space<hbm>>, %arg4: memref<16x16xf32, #tpu.memory_space<hbm>>, %arg5: memref<10000xf32, #tpu.memory_space<vmem>>, %arg6: memref<10000xi32, #tpu.memory_space<vmem>>, %arg7: memref<10000xf32, #tpu.memory_space<vmem>>, %arg8: memref<10240xf32, #tpu.memory_space<vmem>>, %arg9: memref<10240xf32, #tpu.memory_space<vmem>>, %arg10: memref<16x640xf32, #tpu.memory_space<vmem>>, %arg11: memref<640xf32, #tpu.memory_space<vmem>>, %arg12: memref<16xi32, #tpu.memory_space<vmem>>, %arg13: memref<16xi32, #tpu.memory_space<vmem>>, %arg14: memref<16xi32, #tpu.memory_space<vmem>>, %arg15: memref<16xi32, #tpu.memory_space<vmem>>, %arg16: memref<16xi32, #tpu.memory_space<vmem>>, %arg17: memref<16xf32, #tpu.memory_space<vmem>>, %arg18: memref<16xf32, #tpu.memory_space<vmem>>, %arg19: memref<16xf32, #tpu.memory_space<vmem>>, %arg20: memref<16xf32, #tpu.memory_space<vmem>>, %arg21: memref<16xf32, #tpu.memory_space<vmem>>, %arg22: memref<16xf32, #tpu.memory_space<vmem>>, %arg23: memref<16x10240xf32, #tpu.memory_space<vmem_shared>>, %arg24: memref<10240xf32, #tpu.memory_space<vmem_shared>>, %arg25: memref<10240xf32, #tpu.memory_space<vmem_shared>>) attributes {dimension_semantics = [#tpu.dimension_semantics<core_parallel>, #tpu.dimension_semantics<subcore_parallel>], iteration_bounds = array<i64: 1, 16>, scalar_prefetch = 0 : i64, scratch_operands = 21 : i64, tpu.core_type = #tpu.core_type<sc_vector_subcore>, window_params = [{transform_indices = #map}, {transform_indices = #map}, {transform_indices = #map1}]} {
    %mul3A = arith.constant 10000 : i32
    %mul3A_0 = arith.muli %arg1, %mul3A : i32
    "tpu.trace_start"() <{level = 10 : i32, message = "sc_dma_in"}> : () -> ()
    "tpu.region"() ({
      %run_scoped3A = tpu.sem_alloc : memref<!tpu.dma_semaphore, #tpu.memory_space<semaphore_mem>>
      %dma_start3A = tpu.memref_slice %arg2[%mul3A_0] : memref<160000xf32, #tpu.memory_space<hbm>> -> memref<10000xf32, #tpu.memory_space<hbm>>
      %dma_start3A_41 = tpu.memref_slice %arg2[%mul3A_0] : memref<160000xf32, #tpu.memory_space<hbm>> -> memref<10000xf32, #tpu.memory_space<hbm>>
      tpu.enqueue_dma source(%dma_start3A_41 : memref<10000xf32, #tpu.memory_space<hbm>>) target(%arg5 : memref<10000xf32, #tpu.memory_space<vmem>>) target_semaphore(%run_scoped3A : memref<!tpu.dma_semaphore, #tpu.memory_space<semaphore_mem>>)
      %dma_wait3A = tpu.memref_slice %arg2[%mul3A_0] : memref<160000xf32, #tpu.memory_space<hbm>> -> memref<10000xf32, #tpu.memory_space<hbm>>
      %dma_wait3A_42 = tpu.memref_slice %arg2[%mul3A_0] : memref<160000xf32, #tpu.memory_space<hbm>> -> memref<10000xf32, #tpu.memory_space<hbm>>
      tpu.wait_dma2 semaphore(%run_scoped3A : memref<!tpu.dma_semaphore, #tpu.memory_space<semaphore_mem>>) src(%dma_wait3A_42 : memref<10000xf32, #tpu.memory_space<hbm>>) dst(%arg5 : memref<10000xf32, #tpu.memory_space<vmem>>)
      tpu.yield
    }) : () -> ()
    "tpu.region"() ({
      %run_scoped3A = tpu.sem_alloc : memref<!tpu.dma_semaphore, #tpu.memory_space<semaphore_mem>>
      %dma_start3A = tpu.memref_slice %arg3[%mul3A_0] : memref<160000xi32, #tpu.memory_space<hbm>> -> memref<10000xi32, #tpu.memory_space<hbm>>
      %dma_start3A_41 = tpu.memref_slice %arg3[%mul3A_0] : memref<160000xi32, #tpu.memory_space<hbm>> -> memref<10000xi32, #tpu.memory_space<hbm>>
      tpu.enqueue_dma source(%dma_start3A_41 : memref<10000xi32, #tpu.memory_space<hbm>>) target(%arg6 : memref<10000xi32, #tpu.memory_space<vmem>>) target_semaphore(%run_scoped3A : memref<!tpu.dma_semaphore, #tpu.memory_space<semaphore_mem>>)
      %dma_wait3A = tpu.memref_slice %arg3[%mul3A_0] : memref<160000xi32, #tpu.memory_space<hbm>> -> memref<10000xi32, #tpu.memory_space<hbm>>
      %dma_wait3A_42 = tpu.memref_slice %arg3[%mul3A_0] : memref<160000xi32, #tpu.memory_space<hbm>> -> memref<10000xi32, #tpu.memory_space<hbm>>
      tpu.wait_dma2 semaphore(%run_scoped3A : memref<!tpu.dma_semaphore, #tpu.memory_space<semaphore_mem>>) src(%dma_wait3A_42 : memref<10000xi32, #tpu.memory_space<hbm>>) dst(%arg6 : memref<10000xi32, #tpu.memory_space<vmem>>)
      tpu.yield
    }) : () -> ()
    %broadcast_in_dim3A = arith.constant 0xFF800000 : f32
    "tpu.trace_stop"() : () -> ()
    %broadcast_in_dim3A_1 = vector.broadcast %broadcast_in_dim3A : f32 to vector<16xf32>
    %iota3A = tpu.iota {dimensions = array<i32: 0>} : vector<16xi32>
    "tpu.trace_start"() <{level = 10 : i32, message = "sc_init"}> : () -> ()
    %scan3A = arith.constant 0 : i32
    %scan3A_2 = arith.constant 80 : i32
    %scan3A_3 = arith.addi %scan3A, %scan3A_2 : i32
    %scan3A_4 = arith.constant 1 : i32
    scf.for %scan3A_41 = %scan3A to %scan3A_3 step %scan3A_4  : i32 {
      %mul3A_42 = arith.constant 8 : i32
      %mul3A_43 = arith.muli %scan3A_41, %mul3A_42 : i32
      %add3A = arith.constant 0 : i32
      %add3A_44 = arith.addi %mul3A_43, %add3A : i32
      %mul3A_45 = arith.constant 16 : i32
      %mul3A_46 = arith.muli %add3A_44, %mul3A_45 : i32
      %swap3A_47 = arith.index_cast %mul3A_46 : i32 to index
      %swap3A_48 = tpu.vector_load %arg8[%swap3A_47] {strides = array<i32>} : memref<10240xf32, #tpu.memory_space<vmem>>, vector<16xf32>,
      tpu.vector_store %arg8[%swap3A_47], %broadcast_in_dim3A_1 {strides = array<i32>} : memref<10240xf32, #tpu.memory_space<vmem>>, vector<16xf32>,
      %mul3A_49 = arith.constant 8 : i32
      %mul3A_50 = arith.muli %scan3A_41, %mul3A_49 : i32
      %add3A_51 = arith.constant 1 : i32
      %add3A_52 = arith.addi %mul3A_50, %add3A_51 : i32
      %mul3A_53 = arith.constant 16 : i32
      %mul3A_54 = arith.muli %add3A_52, %mul3A_53 : i32
      %swap3A_55 = arith.index_cast %mul3A_54 : i32 to index
      %swap3A_56 = tpu.vector_load %arg8[%swap3A_55] {strides = array<i32>} : memref<10240xf32, #tpu.memory_space<vmem>>, vector<16xf32>,
      tpu.vector_store %arg8[%swap3A_55], %broadcast_in_dim3A_1 {strides = array<i32>} : memref<10240xf32, #tpu.memory_space<vmem>>, vector<16xf32>,
      %mul3A_57 = arith.constant 8 : i32
      %mul3A_58 = arith.muli %scan3A_41, %mul3A_57 : i32
      %add3A_59 = arith.constant 2 : i32
      %add3A_60 = arith.addi %mul3A_58, %add3A_59 : i32
      %mul3A_61 = arith.constant 16 : i32
      %mul3A_62 = arith.muli %add3A_60, %mul3A_61 : i32
      %swap3A_63 = arith.index_cast %mul3A_62 : i32 to index
      %swap3A_64 = tpu.vector_load %arg8[%swap3A_63] {strides = array<i32>} : memref<10240xf32, #tpu.memory_space<vmem>>, vector<16xf32>,
      tpu.vector_store %arg8[%swap3A_63], %broadcast_in_dim3A_1 {strides = array<i32>} : memref<10240xf32, #tpu.memory_space<vmem>>, vector<16xf32>,
      %mul3A_65 = arith.constant 8 : i32
      %mul3A_66 = arith.muli %scan3A_41, %mul3A_65 : i32
      %add3A_67 = arith.constant 3 : i32
      %add3A_68 = arith.addi %mul3A_66, %add3A_67 : i32
      %mul3A_69 = arith.constant 16 : i32
      %mul3A_70 = arith.muli %add3A_68, %mul3A_69 : i32
      %swap3A_71 = arith.index_cast %mul3A_70 : i32 to index
      %swap3A_72 = tpu.vector_load %arg8[%swap3A_71] {strides = array<i32>} : memref<10240xf32, #tpu.memory_space<vmem>>, vector<16xf32>,
      tpu.vector_store %arg8[%swap3A_71], %broadcast_in_dim3A_1 {strides = array<i32>} : memref<10240xf32, #tpu.memory_space<vmem>>, vector<16xf32>,
      %mul3A_73 = arith.constant 8 : i32
      %mul3A_74 = arith.muli %scan3A_41, %mul3A_73 : i32
      %add3A_75 = arith.constant 4 : i32
      %add3A_76 = arith.addi %mul3A_74, %add3A_75 : i32
      %mul3A_77 = arith.constant 16 : i32
      %mul3A_78 = arith.muli %add3A_76, %mul3A_77 : i32
      %swap3A_79 = arith.index_cast %mul3A_78 : i32 to index
      %swap3A_80 = tpu.vector_load %arg8[%swap3A_79] {strides = array<i32>} : memref<10240xf32, #tpu.memory_space<vmem>>, vector<16xf32>,
      tpu.vector_store %arg8[%swap3A_79], %broadcast_in_dim3A_1 {strides = array<i32>} : memref<10240xf32, #tpu.memory_space<vmem>>, vector<16xf32>,
      %mul3A_81 = arith.constant 8 : i32
      %mul3A_82 = arith.muli %scan3A_41, %mul3A_81 : i32
      %add3A_83 = arith.constant 5 : i32
      %add3A_84 = arith.addi %mul3A_82, %add3A_83 : i32
      %mul3A_85 = arith.constant 16 : i32
      %mul3A_86 = arith.muli %add3A_84, %mul3A_85 : i32
      %swap3A_87 = arith.index_cast %mul3A_86 : i32 to index
      %swap3A_88 = tpu.vector_load %arg8[%swap3A_87] {strides = array<i32>} : memref<10240xf32, #tpu.memory_space<vmem>>, vector<16xf32>,
      tpu.vector_store %arg8[%swap3A_87], %broadcast_in_dim3A_1 {strides = array<i32>} : memref<10240xf32, #tpu.memory_space<vmem>>, vector<16xf32>,
      %mul3A_89 = arith.constant 8 : i32
      %mul3A_90 = arith.muli %scan3A_41, %mul3A_89 : i32
      %add3A_91 = arith.constant 6 : i32
      %add3A_92 = arith.addi %mul3A_90, %add3A_91 : i32
      %mul3A_93 = arith.constant 16 : i32
      %mul3A_94 = arith.muli %add3A_92, %mul3A_93 : i32
      %swap3A_95 = arith.index_cast %mul3A_94 : i32 to index
      %swap3A_96 = tpu.vector_load %arg8[%swap3A_95] {strides = array<i32>} : memref<10240xf32, #tpu.memory_space<vmem>>, vector<16xf32>,
      tpu.vector_store %arg8[%swap3A_95], %broadcast_in_dim3A_1 {strides = array<i32>} : memref<10240xf32, #tpu.memory_space<vmem>>, vector<16xf32>,
      %mul3A_97 = arith.constant 8 : i32
      %mul3A_98 = arith.muli %scan3A_41, %mul3A_97 : i32
      %add3A_99 = arith.constant 7 : i32
      %add3A_100 = arith.addi %mul3A_98, %add3A_99 : i32
      %mul3A_101 = arith.constant 16 : i32
      %mul3A_102 = arith.muli %add3A_100, %mul3A_101 : i32
      %swap3A_103 = arith.index_cast %mul3A_102 : i32 to index
      %swap3A_104 = tpu.vector_load %arg8[%swap3A_103] {strides = array<i32>} : memref<10240xf32, #tpu.memory_space<vmem>>, vector<16xf32>,
      tpu.vector_store %arg8[%swap3A_103], %broadcast_in_dim3A_1 {strides = array<i32>} : memref<10240xf32, #tpu.memory_space<vmem>>, vector<16xf32>,
    }
    %scan3A_5 = arith.constant 80 : i32
    "tpu.trace_stop"() : () -> ()
    "tpu.trace_start"() <{level = 10 : i32, message = "sc_phase_a"}> : () -> ()
    %scan3A_6 = arith.constant 0 : i32
    %scan3A_7 = arith.constant 125 : i32
    %scan3A_8 = arith.addi %scan3A_6, %scan3A_7 : i32
    %scan3A_9 = arith.constant 1 : i32
    scf.for %scan3A_41 = %scan3A_6 to %scan3A_8 step %scan3A_9  : i32 {
      %mul3A_42 = arith.constant 5 : i32
      %mul3A_43 = arith.muli %scan3A_41, %mul3A_42 : i32
      %add3A = arith.constant 0 : i32
      %add3A_44 = arith.addi %mul3A_43, %add3A : i32
      %mul3A_45 = arith.constant 16 : i32
      %mul3A_46 = arith.muli %add3A_44, %mul3A_45 : i32
      %get3A = arith.index_cast %mul3A_46 : i32 to index
      %get3A_47 = tpu.vector_load %arg6[%get3A] {strides = array<i32>} : memref<10000xi32, #tpu.memory_space<vmem>>, vector<16xi32>,
      %get3A_48 = arith.index_cast %mul3A_46 : i32 to index
      %get3A_49 = tpu.vector_load %arg5[%get3A_48] {strides = array<i32>} : memref<10000xf32, #tpu.memory_space<vmem>>, vector<16xf32>,
      %masked_sort3A = arith.constant dense<true> : vector<16xi1>
      %masked_sort3A_50 = arith.constant -2147483648 : i32
      %masked_sort3A_51 = vector.broadcast %masked_sort3A_50 : i32 to vector<16xi32>
      %masked_sort3A_52 = arith.xori %get3A_47, %masked_sort3A_51 : vector<16xi32>
      %masked_sort3A_53, %masked_sort3A_54, %masked_sort3A_55 = tpu.sort %masked_sort3A_52, %get3A_49 masked %masked_sort3A : (vector<16xi32>, vector<16xf32>, vector<16xi1>) -> (vector<16xi1>, vector<16xi32>, vector<16xf32>)
      %masked_sort3A_56 = arith.xori %masked_sort3A_54, %masked_sort3A_51 : vector<16xi32>
      %swap3A_57 = arith.constant 0 : index
      %swap3A_58 = tpu.vector_load %arg12[%swap3A_57] {strides = array<i32>} : memref<16xi32, #tpu.memory_space<vmem>>, vector<16xi32>,
      tpu.vector_store %arg12[%swap3A_57], %masked_sort3A_56 {strides = array<i32>} : memref<16xi32, #tpu.memory_space<vmem>>, vector<16xi32>,
      %sub3A = arith.constant 1 : i32
      %sub3A_59 = vector.broadcast %sub3A : i32 to vector<16xi32>
      %sub3A_60 = arith.subi %iota3A, %sub3A_59 : vector<16xi32>
      %max3A = arith.constant 0 : i32
      %max3A_61 = vector.broadcast %max3A : i32 to vector<16xi32>
      %max3A_62 = arith.maxsi %sub3A_60, %max3A_61 : vector<16xi32>
      %swap3A_63 = arith.constant 0 : index
      %swap3A_64 = tpu.vector_load %arg17[%swap3A_63] {strides = array<i32>} : memref<16xf32, #tpu.memory_space<vmem>>, vector<16xf32>,
      tpu.vector_store %arg17[%swap3A_63], %masked_sort3A_55 {strides = array<i32>} : memref<16xf32, #tpu.memory_space<vmem>>, vector<16xf32>,
      %gather3A = tpu.vector_load_idx %arg17[%max3A_62] : memref<16xf32, #tpu.memory_space<vmem>>[vector<16xi32>], vector<16xf32>,
      %gather3A_65 = tpu.vector_load_idx %arg12[%max3A_62] : memref<16xi32, #tpu.memory_space<vmem>>[vector<16xi32>], vector<16xi32>,
      %eq3A = arith.cmpi eq, %gather3A_65, %masked_sort3A_56 : vector<16xi32>
      %ge3A = arith.constant 1 : i32
      %ge3A_66 = vector.broadcast %ge3A : i32 to vector<16xi32>
      %ge3A_67 = arith.cmpi sge, %iota3A, %ge3A_66 : vector<16xi32>
      %and3A = arith.andi %eq3A, %ge3A_67 : vector<16xi1>
      %max3A_68 = arith.maximumf %masked_sort3A_55, %gather3A : vector<16xf32>
      %select_n3A = arith.select %and3A, %max3A_68, %masked_sort3A_55 : vector<16xi1>, vector<16xf32>
      %sub3A_69 = arith.constant 2 : i32
      %sub3A_70 = vector.broadcast %sub3A_69 : i32 to vector<16xi32>
      %sub3A_71 = arith.subi %iota3A, %sub3A_70 : vector<16xi32>
      %max3A_72 = arith.constant 0 : i32
      %max3A_73 = vector.broadcast %max3A_72 : i32 to vector<16xi32>
      %max3A_74 = arith.maxsi %sub3A_71, %max3A_73 : vector<16xi32>
      %swap3A_75 = arith.constant 0 : index
      %swap3A_76 = tpu.vector_load %arg17[%swap3A_75] {strides = array<i32>} : memref<16xf32, #tpu.memory_space<vmem>>, vector<16xf32>,
      tpu.vector_store %arg17[%swap3A_75], %select_n3A {strides = array<i32>} : memref<16xf32, #tpu.memory_space<vmem>>, vector<16xf32>,
      %gather3A_77 = tpu.vector_load_idx %arg17[%max3A_74] : memref<16xf32, #tpu.memory_space<vmem>>[vector<16xi32>], vector<16xf32>,
      %gather3A_78 = tpu.vector_load_idx %arg12[%max3A_74] : memref<16xi32, #tpu.memory_space<vmem>>[vector<16xi32>], vector<16xi32>,
      %eq3A_79 = arith.cmpi eq, %gather3A_78, %masked_sort3A_56 : vector<16xi32>
      %ge3A_80 = arith.constant 2 : i32
      %ge3A_81 = vector.broadcast %ge3A_80 : i32 to vector<16xi32>
      %ge3A_82 = arith.cmpi sge, %iota3A, %ge3A_81 : vector<16xi32>
      %and3A_83 = arith.andi %eq3A_79, %ge3A_82 : vector<16xi1>
      %max3A_84 = arith.maximumf %select_n3A, %gather3A_77 : vector<16xf32>
      %select_n3A_85 = arith.select %and3A_83, %max3A_84, %select_n3A : vector<16xi1>, vector<16xf32>
      %sub3A_86 = arith.constant 4 : i32
      %sub3A_87 = vector.broadcast %sub3A_86 : i32 to vector<16xi32>
      %sub3A_88 = arith.subi %iota3A, %sub3A_87 : vector<16xi32>
      %max3A_89 = arith.constant 0 : i32
      %max3A_90 = vector.broadcast %max3A_89 : i32 to vector<16xi32>
      %max3A_91 = arith.maxsi %sub3A_88, %max3A_90 : vector<16xi32>
      %swap3A_92 = arith.constant 0 : index
      %swap3A_93 = tpu.vector_load %arg17[%swap3A_92] {strides = array<i32>} : memref<16xf32, #tpu.memory_space<vmem>>, vector<16xf32>,
      tpu.vector_store %arg17[%swap3A_92], %select_n3A_85 {strides = array<i32>} : memref<16xf32, #tpu.memory_space<vmem>>, vector<16xf32>,
      %gather3A_94 = tpu.vector_load_idx %arg17[%max3A_91] : memref<16xf32, #tpu.memory_space<vmem>>[vector<16xi32>], vector<16xf32>,
      %gather3A_95 = tpu.vector_load_idx %arg12[%max3A_91] : memref<16xi32, #tpu.memory_space<vmem>>[vector<16xi32>], vector<16xi32>,
      %eq3A_96 = arith.cmpi eq, %gather3A_95, %masked_sort3A_56 : vector<16xi32>
      %ge3A_97 = arith.constant 4 : i32
      %ge3A_98 = vector.broadcast %ge3A_97 : i32 to vector<16xi32>
      %ge3A_99 = arith.cmpi sge, %iota3A, %ge3A_98 : vector<16xi32>
      %and3A_100 = arith.andi %eq3A_96, %ge3A_99 : vector<16xi1>
      %max3A_101 = arith.maximumf %select_n3A_85, %gather3A_94 : vector<16xf32>
      %select_n3A_102 = arith.select %and3A_100, %max3A_101, %select_n3A_85 : vector<16xi1>, vector<16xf32>
      %sub3A_103 = arith.constant 8 : i32
      %sub3A_104 = vector.broadcast %sub3A_103 : i32 to vector<16xi32>
      %sub3A_105 = arith.subi %iota3A, %sub3A_104 : vector<16xi32>
      %max3A_106 = arith.constant 0 : i32
      %max3A_107 = vector.broadcast %max3A_106 : i32 to vector<16xi32>
      %max3A_108 = arith.maxsi %sub3A_105, %max3A_107 : vector<16xi32>
      %swap3A_109 = arith.constant 0 : index
      %swap3A_110 = tpu.vector_load %arg17[%swap3A_109] {strides = array<i32>} : memref<16xf32, #tpu.memory_space<vmem>>, vector<16xf32>,
      tpu.vector_store %arg17[%swap3A_109], %select_n3A_102 {strides = array<i32>} : memref<16xf32, #tpu.memory_space<vmem>>, vector<16xf32>,
      %gather3A_111 = tpu.vector_load_idx %arg17[%max3A_108] : memref<16xf32, #tpu.memory_space<vmem>>[vector<16xi32>], vector<16xf32>,
      %gather3A_112 = tpu.vector_load_idx %arg12[%max3A_108] : memref<16xi32, #tpu.memory_space<vmem>>[vector<16xi32>], vector<16xi32>,
      %eq3A_113 = arith.cmpi eq, %gather3A_112, %masked_sort3A_56 : vector<16xi32>
      %ge3A_114 = arith.constant 8 : i32
      %ge3A_115 = vector.broadcast %ge3A_114 : i32 to vector<16xi32>
      %ge3A_116 = arith.cmpi sge, %iota3A, %ge3A_115 : vector<16xi32>
      %and3A_117 = arith.andi %eq3A_113, %ge3A_116 : vector<16xi1>
      %max3A_118 = arith.maximumf %select_n3A_102, %gather3A_111 : vector<16xf32>
      %select_n3A_119 = arith.select %and3A_117, %max3A_118, %select_n3A_102 : vector<16xi1>, vector<16xf32>
      %add3A_120 = arith.constant 1 : i32
      %add3A_121 = vector.broadcast %add3A_120 : i32 to vector<16xi32>
      %add3A_122 = arith.addi %iota3A, %add3A_121 : vector<16xi32>
      %min3A = arith.constant 15 : i32
      %min3A_123 = vector.broadcast %min3A : i32 to vector<16xi32>
      %min3A_124 = arith.minsi %add3A_122, %min3A_123 : vector<16xi32>
      %gather3A_125 = tpu.vector_load_idx %arg12[%min3A_124] : memref<16xi32, #tpu.memory_space<vmem>>[vector<16xi32>], vector<16xi32>,
      %ne3A = arith.cmpi ne, %gather3A_125, %masked_sort3A_56 : vector<16xi32>
      %eq3A_126 = arith.constant 15 : i32
      %eq3A_127 = vector.broadcast %eq3A_126 : i32 to vector<16xi32>
      %eq3A_128 = arith.cmpi eq, %iota3A, %eq3A_127 : vector<16xi32>
      %or3A = arith.ori %ne3A, %eq3A_128 : vector<16xi1>
      %gather3A_129 = tpu.vector_load_idx %arg8[%masked_sort3A_56] : memref<10240xf32, #tpu.memory_space<vmem>>[vector<16xi32>], vector<16xf32>,
      %max3A_130 = arith.maximumf %gather3A_129, %select_n3A_119 : vector<16xf32>
      tpu.vector_store_idx %arg8[%masked_sort3A_56], %max3A_130 masked %or3A : memref<10240xf32, #tpu.memory_space<vmem>>[vector<16xi32>], vector<16xf32>, vector<16xi1>
      %mul3A_131 = arith.constant 5 : i32
      %mul3A_132 = arith.muli %scan3A_41, %mul3A_131 : i32
      %add3A_133 = arith.constant 1 : i32
      %add3A_134 = arith.addi %mul3A_132, %add3A_133 : i32
      %mul3A_135 = arith.constant 16 : i32
      %mul3A_136 = arith.muli %add3A_134, %mul3A_135 : i32
      %get3A_137 = arith.index_cast %mul3A_136 : i32 to index
      %get3A_138 = tpu.vector_load %arg6[%get3A_137] {strides = array<i32>} : memref<10000xi32, #tpu.memory_space<vmem>>, vector<16xi32>,
      %get3A_139 = arith.index_cast %mul3A_136 : i32 to index
      %get3A_140 = tpu.vector_load %arg5[%get3A_139] {strides = array<i32>} : memref<10000xf32, #tpu.memory_space<vmem>>, vector<16xf32>,
      %masked_sort3A_141 = arith.constant dense<true> : vector<16xi1>
      %masked_sort3A_142 = arith.constant -2147483648 : i32
      %masked_sort3A_143 = vector.broadcast %masked_sort3A_142 : i32 to vector<16xi32>
      %masked_sort3A_144 = arith.xori %get3A_138, %masked_sort3A_143 : vector<16xi32>
      %masked_sort3A_145, %masked_sort3A_146, %masked_sort3A_147 = tpu.sort %masked_sort3A_144, %get3A_140 masked %masked_sort3A_141 : (vector<16xi32>, vector<16xf32>, vector<16xi1>) -> (vector<16xi1>, vector<16xi32>, vector<16xf32>)
      %masked_sort3A_148 = arith.xori %masked_sort3A_146, %masked_sort3A_143 : vector<16xi32>
      %swap3A_149 = arith.constant 0 : index
      %swap3A_150 = tpu.vector_load %arg13[%swap3A_149] {strides = array<i32>} : memref<16xi32, #tpu.memory_space<vmem>>, vector<16xi32>,
      tpu.vector_store %arg13[%swap3A_149], %masked_sort3A_148 {strides = array<i32>} : memref<16xi32, #tpu.memory_space<vmem>>, vector<16xi32>,
      %sub3A_151 = arith.constant 1 : i32
      %sub3A_152 = vector.broadcast %sub3A_151 : i32 to vector<16xi32>
      %sub3A_153 = arith.subi %iota3A, %sub3A_152 : vector<16xi32>
      %max3A_154 = arith.constant 0 : i32
      %max3A_155 = vector.broadcast %max3A_154 : i32 to vector<16xi32>
      %max3A_156 = arith.maxsi %sub3A_153, %max3A_155 : vector<16xi32>
      %swap3A_157 = arith.constant 0 : index
      %swap3A_158 = tpu.vector_load %arg18[%swap3A_157] {strides = array<i32>} : memref<16xf32, #tpu.memory_space<vmem>>, vector<16xf32>,
      tpu.vector_store %arg18[%swap3A_157], %masked_sort3A_147 {strides = array<i32>} : memref<16xf32, #tpu.memory_space<vmem>>, vector<16xf32>,
      %gather3A_159 = tpu.vector_load_idx %arg18[%max3A_156] : memref<16xf32, #tpu.memory_space<vmem>>[vector<16xi32>], vector<16xf32>,
      %gather3A_160 = tpu.vector_load_idx %arg13[%max3A_156] : memref<16xi32, #tpu.memory_space<vmem>>[vector<16xi32>], vector<16xi32>,
      %eq3A_161 = arith.cmpi eq, %gather3A_160, %masked_sort3A_148 : vector<16xi32>
      %ge3A_162 = arith.constant 1 : i32
      %ge3A_163 = vector.broadcast %ge3A_162 : i32 to vector<16xi32>
      %ge3A_164 = arith.cmpi sge, %iota3A, %ge3A_163 : vector<16xi32>
      %and3A_165 = arith.andi %eq3A_161, %ge3A_164 : vector<16xi1>
      %max3A_166 = arith.maximumf %masked_sort3A_147, %gather3A_159 : vector<16xf32>
      %select_n3A_167 = arith.select %and3A_165, %max3A_166, %masked_sort3A_147 : vector<16xi1>, vector<16xf32>
      %sub3A_168 = arith.constant 2 : i32
      %sub3A_169 = vector.broadcast %sub3A_168 : i32 to vector<16xi32>
      %sub3A_170 = arith.subi %iota3A, %sub3A_169 : vector<16xi32>
      %max3A_171 = arith.constant 0 : i32
      %max3A_172 = vector.broadcast %max3A_171 : i32 to vector<16xi32>
      %max3A_173 = arith.maxsi %sub3A_170, %max3A_172 : vector<16xi32>
      %swap3A_174 = arith.constant 0 : index
      %swap3A_175 = tpu.vector_load %arg18[%swap3A_174] {strides = array<i32>} : memref<16xf32, #tpu.memory_space<vmem>>, vector<16xf32>,
      tpu.vector_store %arg18[%swap3A_174], %select_n3A_167 {strides = array<i32>} : memref<16xf32, #tpu.memory_space<vmem>>, vector<16xf32>,
      %gather3A_176 = tpu.vector_load_idx %arg18[%max3A_173] : memref<16xf32, #tpu.memory_space<vmem>>[vector<16xi32>], vector<16xf32>,
      %gather3A_177 = tpu.vector_load_idx %arg13[%max3A_173] : memref<16xi32, #tpu.memory_space<vmem>>[vector<16xi32>], vector<16xi32>,
      %eq3A_178 = arith.cmpi eq, %gather3A_177, %masked_sort3A_148 : vector<16xi32>
      %ge3A_179 = arith.constant 2 : i32
      %ge3A_180 = vector.broadcast %ge3A_179 : i32 to vector<16xi32>
      %ge3A_181 = arith.cmpi sge, %iota3A, %ge3A_180 : vector<16xi32>
      %and3A_182 = arith.andi %eq3A_178, %ge3A_181 : vector<16xi1>
      %max3A_183 = arith.maximumf %select_n3A_167, %gather3A_176 : vector<16xf32>
      %select_n3A_184 = arith.select %and3A_182, %max3A_183, %select_n3A_167 : vector<16xi1>, vector<16xf32>
      %sub3A_185 = arith.constant 4 : i32
      %sub3A_186 = vector.broadcast %sub3A_185 : i32 to vector<16xi32>
      %sub3A_187 = arith.subi %iota3A, %sub3A_186 : vector<16xi32>
      %max3A_188 = arith.constant 0 : i32
      %max3A_189 = vector.broadcast %max3A_188 : i32 to vector<16xi32>
      %max3A_190 = arith.maxsi %sub3A_187, %max3A_189 : vector<16xi32>
      %swap3A_191 = arith.constant 0 : index
      %swap3A_192 = tpu.vector_load %arg18[%swap3A_191] {strides = array<i32>} : memref<16xf32, #tpu.memory_space<vmem>>, vector<16xf32>,
      tpu.vector_store %arg18[%swap3A_191], %select_n3A_184 {strides = array<i32>} : memref<16xf32, #tpu.memory_space<vmem>>, vector<16xf32>,
      %gather3A_193 = tpu.vector_load_idx %arg18[%max3A_190] : memref<16xf32, #tpu.memory_space<vmem>>[vector<16xi32>], vector<16xf32>,
      %gather3A_194 = tpu.vector_load_idx %arg13[%max3A_190] : memref<16xi32, #tpu.memory_space<vmem>>[vector<16xi32>], vector<16xi32>,
      %eq3A_195 = arith.cmpi eq, %gather3A_194, %masked_sort3A_148 : vector<16xi32>
      %ge3A_196 = arith.constant 4 : i32
      %ge3A_197 = vector.broadcast %ge3A_196 : i32 to vector<16xi32>
      %ge3A_198 = arith.cmpi sge, %iota3A, %ge3A_197 : vector<16xi32>
      %and3A_199 = arith.andi %eq3A_195, %ge3A_198 : vector<16xi1>
      %max3A_200 = arith.maximumf %select_n3A_184, %gather3A_193 : vector<16xf32>
      %select_n3A_201 = arith.select %and3A_199, %max3A_200, %select_n3A_184 : vector<16xi1>, vector<16xf32>
      %sub3A_202 = arith.constant 8 : i32
      %sub3A_203 = vector.broadcast %sub3A_202 : i32 to vector<16xi32>
      %sub3A_204 = arith.subi %iota3A, %sub3A_203 : vector<16xi32>
      %max3A_205 = arith.constant 0 : i32
      %max3A_206 = vector.broadcast %max3A_205 : i32 to vector<16xi32>
      %max3A_207 = arith.maxsi %sub3A_204, %max3A_206 : vector<16xi32>
      %swap3A_208 = arith.constant 0 : index
      %swap3A_209 = tpu.vector_load %arg18[%swap3A_208] {strides = array<i32>} : memref<16xf32, #tpu.memory_space<vmem>>, vector<16xf32>,
      tpu.vector_store %arg18[%swap3A_208], %select_n3A_201 {strides = array<i32>} : memref<16xf32, #tpu.memory_space<vmem>>, vector<16xf32>,
      %gather3A_210 = tpu.vector_load_idx %arg18[%max3A_207] : memref<16xf32, #tpu.memory_space<vmem>>[vector<16xi32>], vector<16xf32>,
      %gather3A_211 = tpu.vector_load_idx %arg13[%max3A_207] : memref<16xi32, #tpu.memory_space<vmem>>[vector<16xi32>], vector<16xi32>,
      %eq3A_212 = arith.cmpi eq, %gather3A_211, %masked_sort3A_148 : vector<16xi32>
      %ge3A_213 = arith.constant 8 : i32
      %ge3A_214 = vector.broadcast %ge3A_213 : i32 to vector<16xi32>
      %ge3A_215 = arith.cmpi sge, %iota3A, %ge3A_214 : vector<16xi32>
      %and3A_216 = arith.andi %eq3A_212, %ge3A_215 : vector<16xi1>
      %max3A_217 = arith.maximumf %select_n3A_201, %gather3A_210 : vector<16xf32>
      %select_n3A_218 = arith.select %and3A_216, %max3A_217, %select_n3A_201 : vector<16xi1>, vector<16xf32>
      %add3A_219 = arith.constant 1 : i32
      %add3A_220 = vector.broadcast %add3A_219 : i32 to vector<16xi32>
      %add3A_221 = arith.addi %iota3A, %add3A_220 : vector<16xi32>
      %min3A_222 = arith.constant 15 : i32
      %min3A_223 = vector.broadcast %min3A_222 : i32 to vector<16xi32>
      %min3A_224 = arith.minsi %add3A_221, %min3A_223 : vector<16xi32>
      %gather3A_225 = tpu.vector_load_idx %arg13[%min3A_224] : memref<16xi32, #tpu.memory_space<vmem>>[vector<16xi32>], vector<16xi32>,
      %ne3A_226 = arith.cmpi ne, %gather3A_225, %masked_sort3A_148 : vector<16xi32>
      %eq3A_227 = arith.constant 15 : i32
      %eq3A_228 = vector.broadcast %eq3A_227 : i32 to vector<16xi32>
      %eq3A_229 = arith.cmpi eq, %iota3A, %eq3A_228 : vector<16xi32>
      %or3A_230 = arith.ori %ne3A_226, %eq3A_229 : vector<16xi1>
      %gather3A_231 = tpu.vector_load_idx %arg8[%masked_sort3A_148] : memref<10240xf32, #tpu.memory_space<vmem>>[vector<16xi32>], vector<16xf32>,
      %max3A_232 = arith.maximumf %gather3A_231, %select_n3A_218 : vector<16xf32>
      tpu.vector_store_idx %arg8[%masked_sort3A_148], %max3A_232 masked %or3A_230 : memref<10240xf32, #tpu.memory_space<vmem>>[vector<16xi32>], vector<16xf32>, vector<16xi1>
      %mul3A_233 = arith.constant 5 : i32
      %mul3A_234 = arith.muli %scan3A_41, %mul3A_233 : i32
      %add3A_235 = arith.constant 2 : i32
      %add3A_236 = arith.addi %mul3A_234, %add3A_235 : i32
      %mul3A_237 = arith.constant 16 : i32
      %mul3A_238 = arith.muli %add3A_236, %mul3A_237 : i32
      %get3A_239 = arith.index_cast %mul3A_238 : i32 to index
      %get3A_240 = tpu.vector_load %arg6[%get3A_239] {strides = array<i32>} : memref<10000xi32, #tpu.memory_space<vmem>>, vector<16xi32>,
      %get3A_241 = arith.index_cast %mul3A_238 : i32 to index
      %get3A_242 = tpu.vector_load %arg5[%get3A_241] {strides = array<i32>} : memref<10000xf32, #tpu.memory_space<vmem>>, vector<16xf32>,
      %masked_sort3A_243 = arith.constant dense<true> : vector<16xi1>
      %masked_sort3A_244 = arith.constant -2147483648 : i32
      %masked_sort3A_245 = vector.broadcast %masked_sort3A_244 : i32 to vector<16xi32>
      %masked_sort3A_246 = arith.xori %get3A_240, %masked_sort3A_245 : vector<16xi32>
      %masked_sort3A_247, %masked_sort3A_248, %masked_sort3A_249 = tpu.sort %masked_sort3A_246, %get3A_242 masked %masked_sort3A_243 : (vector<16xi32>, vector<16xf32>, vector<16xi1>) -> (vector<16xi1>, vector<16xi32>, vector<16xf32>)
      %masked_sort3A_250 = arith.xori %masked_sort3A_248, %masked_sort3A_245 : vector<16xi32>
      %swap3A_251 = arith.constant 0 : index
      %swap3A_252 = tpu.vector_load %arg14[%swap3A_251] {strides = array<i32>} : memref<16xi32, #tpu.memory_space<vmem>>, vector<16xi32>,
      tpu.vector_store %arg14[%swap3A_251], %masked_sort3A_250 {strides = array<i32>} : memref<16xi32, #tpu.memory_space<vmem>>, vector<16xi32>,
      %sub3A_253 = arith.constant 1 : i32
      %sub3A_254 = vector.broadcast %sub3A_253 : i32 to vector<16xi32>
      %sub3A_255 = arith.subi %iota3A, %sub3A_254 : vector<16xi32>
      %max3A_256 = arith.constant 0 : i32
      %max3A_257 = vector.broadcast %max3A_256 : i32 to vector<16xi32>
      %max3A_258 = arith.maxsi %sub3A_255, %max3A_257 : vector<16xi32>
      %swap3A_259 = arith.constant 0 : index
      %swap3A_260 = tpu.vector_load %arg19[%swap3A_259] {strides = array<i32>} : memref<16xf32, #tpu.memory_space<vmem>>, vector<16xf32>,
      tpu.vector_store %arg19[%swap3A_259], %masked_sort3A_249 {strides = array<i32>} : memref<16xf32, #tpu.memory_space<vmem>>, vector<16xf32>,
      %gather3A_261 = tpu.vector_load_idx %arg19[%max3A_258] : memref<16xf32, #tpu.memory_space<vmem>>[vector<16xi32>], vector<16xf32>,
      %gather3A_262 = tpu.vector_load_idx %arg14[%max3A_258] : memref<16xi32, #tpu.memory_space<vmem>>[vector<16xi32>], vector<16xi32>,
      %eq3A_263 = arith.cmpi eq, %gather3A_262, %masked_sort3A_250 : vector<16xi32>
      %ge3A_264 = arith.constant 1 : i32
      %ge3A_265 = vector.broadcast %ge3A_264 : i32 to vector<16xi32>
      %ge3A_266 = arith.cmpi sge, %iota3A, %ge3A_265 : vector<16xi32>
      %and3A_267 = arith.andi %eq3A_263, %ge3A_266 : vector<16xi1>
      %max3A_268 = arith.maximumf %masked_sort3A_249, %gather3A_261 : vector<16xf32>
      %select_n3A_269 = arith.select %and3A_267, %max3A_268, %masked_sort3A_249 : vector<16xi1>, vector<16xf32>
      %sub3A_270 = arith.constant 2 : i32
      %sub3A_271 = vector.broadcast %sub3A_270 : i32 to vector<16xi32>
      %sub3A_272 = arith.subi %iota3A, %sub3A_271 : vector<16xi32>
      %max3A_273 = arith.constant 0 : i32
      %max3A_274 = vector.broadcast %max3A_273 : i32 to vector<16xi32>
      %max3A_275 = arith.maxsi %sub3A_272, %max3A_274 : vector<16xi32>
      %swap3A_276 = arith.constant 0 : index
      %swap3A_277 = tpu.vector_load %arg19[%swap3A_276] {strides = array<i32>} : memref<16xf32, #tpu.memory_space<vmem>>, vector<16xf32>,
      tpu.vector_store %arg19[%swap3A_276], %select_n3A_269 {strides = array<i32>} : memref<16xf32, #tpu.memory_space<vmem>>, vector<16xf32>,
      %gather3A_278 = tpu.vector_load_idx %arg19[%max3A_275] : memref<16xf32, #tpu.memory_space<vmem>>[vector<16xi32>], vector<16xf32>,
      %gather3A_279 = tpu.vector_load_idx %arg14[%max3A_275] : memref<16xi32, #tpu.memory_space<vmem>>[vector<16xi32>], vector<16xi32>,
      %eq3A_280 = arith.cmpi eq, %gather3A_279, %masked_sort3A_250 : vector<16xi32>
      %ge3A_281 = arith.constant 2 : i32
      %ge3A_282 = vector.broadcast %ge3A_281 : i32 to vector<16xi32>
      %ge3A_283 = arith.cmpi sge, %iota3A, %ge3A_282 : vector<16xi32>
      %and3A_284 = arith.andi %eq3A_280, %ge3A_283 : vector<16xi1>
      %max3A_285 = arith.maximumf %select_n3A_269, %gather3A_278 : vector<16xf32>
      %select_n3A_286 = arith.select %and3A_284, %max3A_285, %select_n3A_269 : vector<16xi1>, vector<16xf32>
      %sub3A_287 = arith.constant 4 : i32
      %sub3A_288 = vector.broadcast %sub3A_287 : i32 to vector<16xi32>
      %sub3A_289 = arith.subi %iota3A, %sub3A_288 : vector<16xi32>
      %max3A_290 = arith.constant 0 : i32
      %max3A_291 = vector.broadcast %max3A_290 : i32 to vector<16xi32>
      %max3A_292 = arith.maxsi %sub3A_289, %max3A_291 : vector<16xi32>
      %swap3A_293 = arith.constant 0 : index
      %swap3A_294 = tpu.vector_load %arg19[%swap3A_293] {strides = array<i32>} : memref<16xf32, #tpu.memory_space<vmem>>, vector<16xf32>,
      tpu.vector_store %arg19[%swap3A_293], %select_n3A_286 {strides = array<i32>} : memref<16xf32, #tpu.memory_space<vmem>>, vector<16xf32>,
      %gather3A_295 = tpu.vector_load_idx %arg19[%max3A_292] : memref<16xf32, #tpu.memory_space<vmem>>[vector<16xi32>], vector<16xf32>,
      %gather3A_296 = tpu.vector_load_idx %arg14[%max3A_292] : memref<16xi32, #tpu.memory_space<vmem>>[vector<16xi32>], vector<16xi32>,
      %eq3A_297 = arith.cmpi eq, %gather3A_296, %masked_sort3A_250 : vector<16xi32>
      %ge3A_298 = arith.constant 4 : i32
      %ge3A_299 = vector.broadcast %ge3A_298 : i32 to vector<16xi32>
      %ge3A_300 = arith.cmpi sge, %iota3A, %ge3A_299 : vector<16xi32>
      %and3A_301 = arith.andi %eq3A_297, %ge3A_300 : vector<16xi1>
      %max3A_302 = arith.maximumf %select_n3A_286, %gather3A_295 : vector<16xf32>
      %select_n3A_303 = arith.select %and3A_301, %max3A_302, %select_n3A_286 : vector<16xi1>, vector<16xf32>
      %sub3A_304 = arith.constant 8 : i32
      %sub3A_305 = vector.broadcast %sub3A_304 : i32 to vector<16xi32>
      %sub3A_306 = arith.subi %iota3A, %sub3A_305 : vector<16xi32>
      %max3A_307 = arith.constant 0 : i32
      %max3A_308 = vector.broadcast %max3A_307 : i32 to vector<16xi32>
      %max3A_309 = arith.maxsi %sub3A_306, %max3A_308 : vector<16xi32>
      %swap3A_310 = arith.constant 0 : index
      %swap3A_311 = tpu.vector_load %arg19[%swap3A_310] {strides = array<i32>} : memref<16xf32, #tpu.memory_space<vmem>>, vector<16xf32>,
      tpu.vector_store %arg19[%swap3A_310], %select_n3A_303 {strides = array<i32>} : memref<16xf32, #tpu.memory_space<vmem>>, vector<16xf32>,
      %gather3A_312 = tpu.vector_load_idx %arg19[%max3A_309] : memref<16xf32, #tpu.memory_space<vmem>>[vector<16xi32>], vector<16xf32>,
      %gather3A_313 = tpu.vector_load_idx %arg14[%max3A_309] : memref<16xi32, #tpu.memory_space<vmem>>[vector<16xi32>], vector<16xi32>,
      %eq3A_314 = arith.cmpi eq, %gather3A_313, %masked_sort3A_250 : vector<16xi32>
      %ge3A_315 = arith.constant 8 : i32
      %ge3A_316 = vector.broadcast %ge3A_315 : i32 to vector<16xi32>
      %ge3A_317 = arith.cmpi sge, %iota3A, %ge3A_316 : vector<16xi32>
      %and3A_318 = arith.andi %eq3A_314, %ge3A_317 : vector<16xi1>
      %max3A_319 = arith.maximumf %select_n3A_303, %gather3A_312 : vector<16xf32>
      %select_n3A_320 = arith.select %and3A_318, %max3A_319, %select_n3A_303 : vector<16xi1>, vector<16xf32>
      %add3A_321 = arith.constant 1 : i32
      %add3A_322 = vector.broadcast %add3A_321 : i32 to vector<16xi32>
      %add3A_323 = arith.addi %iota3A, %add3A_322 : vector<16xi32>
      %min3A_324 = arith.constant 15 : i32
      %min3A_325 = vector.broadcast %min3A_324 : i32 to vector<16xi32>
      %min3A_326 = arith.minsi %add3A_323, %min3A_325 : vector<16xi32>
      %gather3A_327 = tpu.vector_load_idx %arg14[%min3A_326] : memref<16xi32, #tpu.memory_space<vmem>>[vector<16xi32>], vector<16xi32>,
      %ne3A_328 = arith.cmpi ne, %gather3A_327, %masked_sort3A_250 : vector<16xi32>
      %eq3A_329 = arith.constant 15 : i32
      %eq3A_330 = vector.broadcast %eq3A_329 : i32 to vector<16xi32>
      %eq3A_331 = arith.cmpi eq, %iota3A, %eq3A_330 : vector<16xi32>
      %or3A_332 = arith.ori %ne3A_328, %eq3A_331 : vector<16xi1>
      %gather3A_333 = tpu.vector_load_idx %arg8[%masked_sort3A_250] : memref<10240xf32, #tpu.memory_space<vmem>>[vector<16xi32>], vector<16xf32>,
      %max3A_334 = arith.maximumf %gather3A_333, %select_n3A_320 : vector<16xf32>
      tpu.vector_store_idx %arg8[%masked_sort3A_250], %max3A_334 masked %or3A_332 : memref<10240xf32, #tpu.memory_space<vmem>>[vector<16xi32>], vector<16xf32>, vector<16xi1>
      %mul3A_335 = arith.constant 5 : i32
      %mul3A_336 = arith.muli %scan3A_41, %mul3A_335 : i32
      %add3A_337 = arith.constant 3 : i32
      %add3A_338 = arith.addi %mul3A_336, %add3A_337 : i32
      %mul3A_339 = arith.constant 16 : i32
      %mul3A_340 = arith.muli %add3A_338, %mul3A_339 : i32
      %get3A_341 = arith.index_cast %mul3A_340 : i32 to index
      %get3A_342 = tpu.vector_load %arg6[%get3A_341] {strides = array<i32>} : memref<10000xi32, #tpu.memory_space<vmem>>, vector<16xi32>,
      %get3A_343 = arith.index_cast %mul3A_340 : i32 to index
      %get3A_344 = tpu.vector_load %arg5[%get3A_343] {strides = array<i32>} : memref<10000xf32, #tpu.memory_space<vmem>>, vector<16xf32>,
      %masked_sort3A_345 = arith.constant dense<true> : vector<16xi1>
      %masked_sort3A_346 = arith.constant -2147483648 : i32
      %masked_sort3A_347 = vector.broadcast %masked_sort3A_346 : i32 to vector<16xi32>
      %masked_sort3A_348 = arith.xori %get3A_342, %masked_sort3A_347 : vector<16xi32>
      %masked_sort3A_349, %masked_sort3A_350, %masked_sort3A_351 = tpu.sort %masked_sort3A_348, %get3A_344 masked %masked_sort3A_345 : (vector<16xi32>, vector<16xf32>, vector<16xi1>) -> (vector<16xi1>, vector<16xi32>, vector<16xf32>)
      %masked_sort3A_352 = arith.xori %masked_sort3A_350, %masked_sort3A_347 : vector<16xi32>
      %swap3A_353 = arith.constant 0 : index
      %swap3A_354 = tpu.vector_load %arg15[%swap3A_353] {strides = array<i32>} : memref<16xi32, #tpu.memory_space<vmem>>, vector<16xi32>,
      tpu.vector_store %arg15[%swap3A_353], %masked_sort3A_352 {strides = array<i32>} : memref<16xi32, #tpu.memory_space<vmem>>, vector<16xi32>,
      %sub3A_355 = arith.constant 1 : i32
      %sub3A_356 = vector.broadcast %sub3A_355 : i32 to vector<16xi32>
      %sub3A_357 = arith.subi %iota3A, %sub3A_356 : vector<16xi32>
      %max3A_358 = arith.constant 0 : i32
      %max3A_359 = vector.broadcast %max3A_358 : i32 to vector<16xi32>
      %max3A_360 = arith.maxsi %sub3A_357, %max3A_359 : vector<16xi32>
      %swap3A_361 = arith.constant 0 : index
      %swap3A_362 = tpu.vector_load %arg20[%swap3A_361] {strides = array<i32>} : memref<16xf32, #tpu.memory_space<vmem>>, vector<16xf32>,
      tpu.vector_store %arg20[%swap3A_361], %masked_sort3A_351 {strides = array<i32>} : memref<16xf32, #tpu.memory_space<vmem>>, vector<16xf32>,
      %gather3A_363 = tpu.vector_load_idx %arg20[%max3A_360] : memref<16xf32, #tpu.memory_space<vmem>>[vector<16xi32>], vector<16xf32>,
      %gather3A_364 = tpu.vector_load_idx %arg15[%max3A_360] : memref<16xi32, #tpu.memory_space<vmem>>[vector<16xi32>], vector<16xi32>,
      %eq3A_365 = arith.cmpi eq, %gather3A_364, %masked_sort3A_352 : vector<16xi32>
      %ge3A_366 = arith.constant 1 : i32
      %ge3A_367 = vector.broadcast %ge3A_366 : i32 to vector<16xi32>
      %ge3A_368 = arith.cmpi sge, %iota3A, %ge3A_367 : vector<16xi32>
      %and3A_369 = arith.andi %eq3A_365, %ge3A_368 : vector<16xi1>
      %max3A_370 = arith.maximumf %masked_sort3A_351, %gather3A_363 : vector<16xf32>
      %select_n3A_371 = arith.select %and3A_369, %max3A_370, %masked_sort3A_351 : vector<16xi1>, vector<16xf32>
      %sub3A_372 = arith.constant 2 : i32
      %sub3A_373 = vector.broadcast %sub3A_372 : i32 to vector<16xi32>
      %sub3A_374 = arith.subi %iota3A, %sub3A_373 : vector<16xi32>
      %max3A_375 = arith.constant 0 : i32
      %max3A_376 = vector.broadcast %max3A_375 : i32 to vector<16xi32>
      %max3A_377 = arith.maxsi %sub3A_374, %max3A_376 : vector<16xi32>
      %swap3A_378 = arith.constant 0 : index
      %swap3A_379 = tpu.vector_load %arg20[%swap3A_378] {strides = array<i32>} : memref<16xf32, #tpu.memory_space<vmem>>, vector<16xf32>,
      tpu.vector_store %arg20[%swap3A_378], %select_n3A_371 {strides = array<i32>} : memref<16xf32, #tpu.memory_space<vmem>>, vector<16xf32>,
      %gather3A_380 = tpu.vector_load_idx %arg20[%max3A_377] : memref<16xf32, #tpu.memory_space<vmem>>[vector<16xi32>], vector<16xf32>,
      %gather3A_381 = tpu.vector_load_idx %arg15[%max3A_377] : memref<16xi32, #tpu.memory_space<vmem>>[vector<16xi32>], vector<16xi32>,
      %eq3A_382 = arith.cmpi eq, %gather3A_381, %masked_sort3A_352 : vector<16xi32>
      %ge3A_383 = arith.constant 2 : i32
      %ge3A_384 = vector.broadcast %ge3A_383 : i32 to vector<16xi32>
      %ge3A_385 = arith.cmpi sge, %iota3A, %ge3A_384 : vector<16xi32>
      %and3A_386 = arith.andi %eq3A_382, %ge3A_385 : vector<16xi1>
      %max3A_387 = arith.maximumf %select_n3A_371, %gather3A_380 : vector<16xf32>
      %select_n3A_388 = arith.select %and3A_386, %max3A_387, %select_n3A_371 : vector<16xi1>, vector<16xf32>
      %sub3A_389 = arith.constant 4 : i32
      %sub3A_390 = vector.broadcast %sub3A_389 : i32 to vector<16xi32>
      %sub3A_391 = arith.subi %iota3A, %sub3A_390 : vector<16xi32>
      %max3A_392 = arith.constant 0 : i32
      %max3A_393 = vector.broadcast %max3A_392 : i32 to vector<16xi32>
      %max3A_394 = arith.maxsi %sub3A_391, %max3A_393 : vector<16xi32>
      %swap3A_395 = arith.constant 0 : index
      %swap3A_396 = tpu.vector_load %arg20[%swap3A_395] {strides = array<i32>} : memref<16xf32, #tpu.memory_space<vmem>>, vector<16xf32>,
      tpu.vector_store %arg20[%swap3A_395], %select_n3A_388 {strides = array<i32>} : memref<16xf32, #tpu.memory_space<vmem>>, vector<16xf32>,
      %gather3A_397 = tpu.vector_load_idx %arg20[%max3A_394] : memref<16xf32, #tpu.memory_space<vmem>>[vector<16xi32>], vector<16xf32>,
      %gather3A_398 = tpu.vector_load_idx %arg15[%max3A_394] : memref<16xi32, #tpu.memory_space<vmem>>[vector<16xi32>], vector<16xi32>,
      %eq3A_399 = arith.cmpi eq, %gather3A_398, %masked_sort3A_352 : vector<16xi32>
      %ge3A_400 = arith.constant 4 : i32
      %ge3A_401 = vector.broadcast %ge3A_400 : i32 to vector<16xi32>
      %ge3A_402 = arith.cmpi sge, %iota3A, %ge3A_401 : vector<16xi32>
      %and3A_403 = arith.andi %eq3A_399, %ge3A_402 : vector<16xi1>
      %max3A_404 = arith.maximumf %select_n3A_388, %gather3A_397 : vector<16xf32>
      %select_n3A_405 = arith.select %and3A_403, %max3A_404, %select_n3A_388 : vector<16xi1>, vector<16xf32>
      %sub3A_406 = arith.constant 8 : i32
      %sub3A_407 = vector.broadcast %sub3A_406 : i32 to vector<16xi32>
      %sub3A_408 = arith.subi %iota3A, %sub3A_407 : vector<16xi32>
      %max3A_409 = arith.constant 0 : i32
      %max3A_410 = vector.broadcast %max3A_409 : i32 to vector<16xi32>
      %max3A_411 = arith.maxsi %sub3A_408, %max3A_410 : vector<16xi32>
      %swap3A_412 = arith.constant 0 : index
      %swap3A_413 = tpu.vector_load %arg20[%swap3A_412] {strides = array<i32>} : memref<16xf32, #tpu.memory_space<vmem>>, vector<16xf32>,
      tpu.vector_store %arg20[%swap3A_412], %select_n3A_405 {strides = array<i32>} : memref<16xf32, #tpu.memory_space<vmem>>, vector<16xf32>,
      %gather3A_414 = tpu.vector_load_idx %arg20[%max3A_411] : memref<16xf32, #tpu.memory_space<vmem>>[vector<16xi32>], vector<16xf32>,
      %gather3A_415 = tpu.vector_load_idx %arg15[%max3A_411] : memref<16xi32, #tpu.memory_space<vmem>>[vector<16xi32>], vector<16xi32>,
      %eq3A_416 = arith.cmpi eq, %gather3A_415, %masked_sort3A_352 : vector<16xi32>
      %ge3A_417 = arith.constant 8 : i32
      %ge3A_418 = vector.broadcast %ge3A_417 : i32 to vector<16xi32>
      %ge3A_419 = arith.cmpi sge, %iota3A, %ge3A_418 : vector<16xi32>
      %and3A_420 = arith.andi %eq3A_416, %ge3A_419 : vector<16xi1>
      %max3A_421 = arith.maximumf %select_n3A_405, %gather3A_414 : vector<16xf32>
      %select_n3A_422 = arith.select %and3A_420, %max3A_421, %select_n3A_405 : vector<16xi1>, vector<16xf32>
      %add3A_423 = arith.constant 1 : i32
      %add3A_424 = vector.broadcast %add3A_423 : i32 to vector<16xi32>
      %add3A_425 = arith.addi %iota3A, %add3A_424 : vector<16xi32>
      %min3A_426 = arith.constant 15 : i32
      %min3A_427 = vector.broadcast %min3A_426 : i32 to vector<16xi32>
      %min3A_428 = arith.minsi %add3A_425, %min3A_427 : vector<16xi32>
      %gather3A_429 = tpu.vector_load_idx %arg15[%min3A_428] : memref<16xi32, #tpu.memory_space<vmem>>[vector<16xi32>], vector<16xi32>,
      %ne3A_430 = arith.cmpi ne, %gather3A_429, %masked_sort3A_352 : vector<16xi32>
      %eq3A_431 = arith.constant 15 : i32
      %eq3A_432 = vector.broadcast %eq3A_431 : i32 to vector<16xi32>
      %eq3A_433 = arith.cmpi eq, %iota3A, %eq3A_432 : vector<16xi32>
      %or3A_434 = arith.ori %ne3A_430, %eq3A_433 : vector<16xi1>
      %gather3A_435 = tpu.vector_load_idx %arg8[%masked_sort3A_352] : memref<10240xf32, #tpu.memory_space<vmem>>[vector<16xi32>], vector<16xf32>,
      %max3A_436 = arith.maximumf %gather3A_435, %select_n3A_422 : vector<16xf32>
      tpu.vector_store_idx %arg8[%masked_sort3A_352], %max3A_436 masked %or3A_434 : memref<10240xf32, #tpu.memory_space<vmem>>[vector<16xi32>], vector<16xf32>, vector<16xi1>
      %mul3A_437 = arith.constant 5 : i32
      %mul3A_438 = arith.muli %scan3A_41, %mul3A_437 : i32
      %add3A_439 = arith.constant 4 : i32
      %add3A_440 = arith.addi %mul3A_438, %add3A_439 : i32
      %mul3A_441 = arith.constant 16 : i32
      %mul3A_442 = arith.muli %add3A_440, %mul3A_441 : i32
      %get3A_443 = arith.index_cast %mul3A_442 : i32 to index
      %get3A_444 = tpu.vector_load %arg6[%get3A_443] {strides = array<i32>} : memref<10000xi32, #tpu.memory_space<vmem>>, vector<16xi32>,
      %get3A_445 = arith.index_cast %mul3A_442 : i32 to index
      %get3A_446 = tpu.vector_load %arg5[%get3A_445] {strides = array<i32>} : memref<10000xf32, #tpu.memory_space<vmem>>, vector<16xf32>,
      %masked_sort3A_447 = arith.constant dense<true> : vector<16xi1>
      %masked_sort3A_448 = arith.constant -2147483648 : i32
      %masked_sort3A_449 = vector.broadcast %masked_sort3A_448 : i32 to vector<16xi32>
      %masked_sort3A_450 = arith.xori %get3A_444, %masked_sort3A_449 : vector<16xi32>
      %masked_sort3A_451, %masked_sort3A_452, %masked_sort3A_453 = tpu.sort %masked_sort3A_450, %get3A_446 masked %masked_sort3A_447 : (vector<16xi32>, vector<16xf32>, vector<16xi1>) -> (vector<16xi1>, vector<16xi32>, vector<16xf32>)
      %masked_sort3A_454 = arith.xori %masked_sort3A_452, %masked_sort3A_449 : vector<16xi32>
      %swap3A_455 = arith.constant 0 : index
      %swap3A_456 = tpu.vector_load %arg16[%swap3A_455] {strides = array<i32>} : memref<16xi32, #tpu.memory_space<vmem>>, vector<16xi32>,
      tpu.vector_store %arg16[%swap3A_455], %masked_sort3A_454 {strides = array<i32>} : memref<16xi32, #tpu.memory_space<vmem>>, vector<16xi32>,
      %sub3A_457 = arith.constant 1 : i32
      %sub3A_458 = vector.broadcast %sub3A_457 : i32 to vector<16xi32>
      %sub3A_459 = arith.subi %iota3A, %sub3A_458 : vector<16xi32>
      %max3A_460 = arith.constant 0 : i32
      %max3A_461 = vector.broadcast %max3A_460 : i32 to vector<16xi32>
      %max3A_462 = arith.maxsi %sub3A_459, %max3A_461 : vector<16xi32>
      %swap3A_463 = arith.constant 0 : index
      %swap3A_464 = tpu.vector_load %arg21[%swap3A_463] {strides = array<i32>} : memref<16xf32, #tpu.memory_space<vmem>>, vector<16xf32>,
      tpu.vector_store %arg21[%swap3A_463], %masked_sort3A_453 {strides = array<i32>} : memref<16xf32, #tpu.memory_space<vmem>>, vector<16xf32>,
      %gather3A_465 = tpu.vector_load_idx %arg21[%max3A_462] : memref<16xf32, #tpu.memory_space<vmem>>[vector<16xi32>], vector<16xf32>,
      %gather3A_466 = tpu.vector_load_idx %arg16[%max3A_462] : memref<16xi32, #tpu.memory_space<vmem>>[vector<16xi32>], vector<16xi32>,
      %eq3A_467 = arith.cmpi eq, %gather3A_466, %masked_sort3A_454 : vector<16xi32>
      %ge3A_468 = arith.constant 1 : i32
      %ge3A_469 = vector.broadcast %ge3A_468 : i32 to vector<16xi32>
      %ge3A_470 = arith.cmpi sge, %iota3A, %ge3A_469 : vector<16xi32>
      %and3A_471 = arith.andi %eq3A_467, %ge3A_470 : vector<16xi1>
      %max3A_472 = arith.maximumf %masked_sort3A_453, %gather3A_465 : vector<16xf32>
      %select_n3A_473 = arith.select %and3A_471, %max3A_472, %masked_sort3A_453 : vector<16xi1>, vector<16xf32>
      %sub3A_474 = arith.constant 2 : i32
      %sub3A_475 = vector.broadcast %sub3A_474 : i32 to vector<16xi32>
      %sub3A_476 = arith.subi %iota3A, %sub3A_475 : vector<16xi32>
      %max3A_477 = arith.constant 0 : i32
      %max3A_478 = vector.broadcast %max3A_477 : i32 to vector<16xi32>
      %max3A_479 = arith.maxsi %sub3A_476, %max3A_478 : vector<16xi32>
      %swap3A_480 = arith.constant 0 : index
      %swap3A_481 = tpu.vector_load %arg21[%swap3A_480] {strides = array<i32>} : memref<16xf32, #tpu.memory_space<vmem>>, vector<16xf32>,
      tpu.vector_store %arg21[%swap3A_480], %select_n3A_473 {strides = array<i32>} : memref<16xf32, #tpu.memory_space<vmem>>, vector<16xf32>,
      %gather3A_482 = tpu.vector_load_idx %arg21[%max3A_479] : memref<16xf32, #tpu.memory_space<vmem>>[vector<16xi32>], vector<16xf32>,
      %gather3A_483 = tpu.vector_load_idx %arg16[%max3A_479] : memref<16xi32, #tpu.memory_space<vmem>>[vector<16xi32>], vector<16xi32>,
      %eq3A_484 = arith.cmpi eq, %gather3A_483, %masked_sort3A_454 : vector<16xi32>
      %ge3A_485 = arith.constant 2 : i32
      %ge3A_486 = vector.broadcast %ge3A_485 : i32 to vector<16xi32>
      %ge3A_487 = arith.cmpi sge, %iota3A, %ge3A_486 : vector<16xi32>
      %and3A_488 = arith.andi %eq3A_484, %ge3A_487 : vector<16xi1>
      %max3A_489 = arith.maximumf %select_n3A_473, %gather3A_482 : vector<16xf32>
      %select_n3A_490 = arith.select %and3A_488, %max3A_489, %select_n3A_473 : vector<16xi1>, vector<16xf32>
      %sub3A_491 = arith.constant 4 : i32
      %sub3A_492 = vector.broadcast %sub3A_491 : i32 to vector<16xi32>
      %sub3A_493 = arith.subi %iota3A, %sub3A_492 : vector<16xi32>
      %max3A_494 = arith.constant 0 : i32
      %max3A_495 = vector.broadcast %max3A_494 : i32 to vector<16xi32>
      %max3A_496 = arith.maxsi %sub3A_493, %max3A_495 : vector<16xi32>
      %swap3A_497 = arith.constant 0 : index
      %swap3A_498 = tpu.vector_load %arg21[%swap3A_497] {strides = array<i32>} : memref<16xf32, #tpu.memory_space<vmem>>, vector<16xf32>,
      tpu.vector_store %arg21[%swap3A_497], %select_n3A_490 {strides = array<i32>} : memref<16xf32, #tpu.memory_space<vmem>>, vector<16xf32>,
      %gather3A_499 = tpu.vector_load_idx %arg21[%max3A_496] : memref<16xf32, #tpu.memory_space<vmem>>[vector<16xi32>], vector<16xf32>,
      %gather3A_500 = tpu.vector_load_idx %arg16[%max3A_496] : memref<16xi32, #tpu.memory_space<vmem>>[vector<16xi32>], vector<16xi32>,
      %eq3A_501 = arith.cmpi eq, %gather3A_500, %masked_sort3A_454 : vector<16xi32>
      %ge3A_502 = arith.constant 4 : i32
      %ge3A_503 = vector.broadcast %ge3A_502 : i32 to vector<16xi32>
      %ge3A_504 = arith.cmpi sge, %iota3A, %ge3A_503 : vector<16xi32>
      %and3A_505 = arith.andi %eq3A_501, %ge3A_504 : vector<16xi1>
      %max3A_506 = arith.maximumf %select_n3A_490, %gather3A_499 : vector<16xf32>
      %select_n3A_507 = arith.select %and3A_505, %max3A_506, %select_n3A_490 : vector<16xi1>, vector<16xf32>
      %sub3A_508 = arith.constant 8 : i32
      %sub3A_509 = vector.broadcast %sub3A_508 : i32 to vector<16xi32>
      %sub3A_510 = arith.subi %iota3A, %sub3A_509 : vector<16xi32>
      %max3A_511 = arith.constant 0 : i32
      %max3A_512 = vector.broadcast %max3A_511 : i32 to vector<16xi32>
      %max3A_513 = arith.maxsi %sub3A_510, %max3A_512 : vector<16xi32>
      %swap3A_514 = arith.constant 0 : index
      %swap3A_515 = tpu.vector_load %arg21[%swap3A_514] {strides = array<i32>} : memref<16xf32, #tpu.memory_space<vmem>>, vector<16xf32>,
      tpu.vector_store %arg21[%swap3A_514], %select_n3A_507 {strides = array<i32>} : memref<16xf32, #tpu.memory_space<vmem>>, vector<16xf32>,
      %gather3A_516 = tpu.vector_load_idx %arg21[%max3A_513] : memref<16xf32, #tpu.memory_space<vmem>>[vector<16xi32>], vector<16xf32>,
      %gather3A_517 = tpu.vector_load_idx %arg16[%max3A_513] : memref<16xi32, #tpu.memory_space<vmem>>[vector<16xi32>], vector<16xi32>,
      %eq3A_518 = arith.cmpi eq, %gather3A_517, %masked_sort3A_454 : vector<16xi32>
      %ge3A_519 = arith.constant 8 : i32
      %ge3A_520 = vector.broadcast %ge3A_519 : i32 to vector<16xi32>
      %ge3A_521 = arith.cmpi sge, %iota3A, %ge3A_520 : vector<16xi32>
      %and3A_522 = arith.andi %eq3A_518, %ge3A_521 : vector<16xi1>
      %max3A_523 = arith.maximumf %select_n3A_507, %gather3A_516 : vector<16xf32>
      %select_n3A_524 = arith.select %and3A_522, %max3A_523, %select_n3A_507 : vector<16xi1>, vector<16xf32>
      %add3A_525 = arith.constant 1 : i32
      %add3A_526 = vector.broadcast %add3A_525 : i32 to vector<16xi32>
      %add3A_527 = arith.addi %iota3A, %add3A_526 : vector<16xi32>
      %min3A_528 = arith.constant 15 : i32
      %min3A_529 = vector.broadcast %min3A_528 : i32 to vector<16xi32>
      %min3A_530 = arith.minsi %add3A_527, %min3A_529 : vector<16xi32>
      %gather3A_531 = tpu.vector_load_idx %arg16[%min3A_530] : memref<16xi32, #tpu.memory_space<vmem>>[vector<16xi32>], vector<16xi32>,
      %ne3A_532 = arith.cmpi ne, %gather3A_531, %masked_sort3A_454 : vector<16xi32>
      %eq3A_533 = arith.constant 15 : i32
      %eq3A_534 = vector.broadcast %eq3A_533 : i32 to vector<16xi32>
      %eq3A_535 = arith.cmpi eq, %iota3A, %eq3A_534 : vector<16xi32>
      %or3A_536 = arith.ori %ne3A_532, %eq3A_535 : vector<16xi1>
      %gather3A_537 = tpu.vector_load_idx %arg8[%masked_sort3A_454] : memref<10240xf32, #tpu.memory_space<vmem>>[vector<16xi32>], vector<16xf32>,
      %max3A_538 = arith.maximumf %gather3A_537, %select_n3A_524 : vector<16xf32>
      tpu.vector_store_idx %arg8[%masked_sort3A_454], %max3A_538 masked %or3A_536 : memref<10240xf32, #tpu.memory_space<vmem>>[vector<16xi32>], vector<16xf32>, vector<16xi1>
    }
    %scan3A_10 = arith.constant 125 : i32
    "tpu.trace_stop"() : () -> ()
    "tpu.trace_start"() <{level = 10 : i32, message = "sc_combine_max"}> : () -> ()
    "tpu.region"() ({
      %run_scoped3A = tpu.sem_alloc : memref<!tpu.dma_semaphore, #tpu.memory_space<semaphore_mem>>
      %dma_start3A = arith.constant 0 : i32
      %dma_start3A_41 = tpu.memref_slice %arg23[%arg1, %dma_start3A] : memref<16x10240xf32, #tpu.memory_space<vmem_shared>> -> memref<1x10240xf32, #tpu.memory_space<vmem_shared>>
      %dma_start3A_42 = tpu.memref_squeeze %dma_start3A_41 : memref<1x10240xf32, #tpu.memory_space<vmem_shared>> -> memref<10240xf32, #tpu.memory_space<vmem_shared>>
      %dma_start3A_43 = arith.constant 0 : i32
      %dma_start3A_44 = tpu.memref_slice %arg23[%arg1, %dma_start3A_43] : memref<16x10240xf32, #tpu.memory_space<vmem_shared>> -> memref<1x10240xf32, #tpu.memory_space<vmem_shared>>
      %dma_start3A_45 = tpu.memref_squeeze %dma_start3A_44 : memref<1x10240xf32, #tpu.memory_space<vmem_shared>> -> memref<10240xf32, #tpu.memory_space<vmem_shared>>
      tpu.enqueue_dma source(%arg8 : memref<10240xf32, #tpu.memory_space<vmem>>) target(%dma_start3A_45 : memref<10240xf32, #tpu.memory_space<vmem_shared>>) target_semaphore(%run_scoped3A : memref<!tpu.dma_semaphore, #tpu.memory_space<semaphore_mem>>)
      %dma_wait3A = arith.constant 0 : i32
      %dma_wait3A_46 = tpu.memref_slice %arg23[%arg1, %dma_wait3A] : memref<16x10240xf32, #tpu.memory_space<vmem_shared>> -> memref<1x10240xf32, #tpu.memory_space<vmem_shared>>
      %dma_wait3A_47 = tpu.memref_squeeze %dma_wait3A_46 : memref<1x10240xf32, #tpu.memory_space<vmem_shared>> -> memref<10240xf32, #tpu.memory_space<vmem_shared>>
      %dma_wait3A_48 = arith.constant 0 : i32
      %dma_wait3A_49 = tpu.memref_slice %arg23[%arg1, %dma_wait3A_48] : memref<16x10240xf32, #tpu.memory_space<vmem_shared>> -> memref<1x10240xf32, #tpu.memory_space<vmem_shared>>
      %dma_wait3A_50 = tpu.memref_squeeze %dma_wait3A_49 : memref<1x10240xf32, #tpu.memory_space<vmem_shared>> -> memref<10240xf32, #tpu.memory_space<vmem_shared>>
      tpu.wait_dma2 semaphore(%run_scoped3A : memref<!tpu.dma_semaphore, #tpu.memory_space<semaphore_mem>>) src(%arg8 : memref<10240xf32, #tpu.memory_space<vmem>>) dst(%dma_wait3A_50 : memref<10240xf32, #tpu.memory_space<vmem_shared>>)
      tpu.yield
    }) : () -> ()
    %barrier3A = arith.constant 0 : index
    tpu.barrier barrier_id(%barrier3A)
    %mul3A_11 = arith.constant 640 : i32
    %mul3A_12 = arith.muli %arg1, %mul3A_11 : i32
    "tpu.region"() ({
      %run_scoped3A = tpu.sem_alloc : memref<!tpu.dma_semaphore, #tpu.memory_space<semaphore_mem>>
      %dma_start3A = arith.constant 0 : i32
      %dma_start3A_41 = tpu.memref_slice %arg23[%dma_start3A, %mul3A_12] : memref<16x10240xf32, #tpu.memory_space<vmem_shared>> -> memref<16x640xf32, #tpu.memory_space<vmem_shared>>
      %dma_start3A_42 = arith.constant 0 : i32
      %dma_start3A_43 = tpu.memref_slice %arg23[%dma_start3A_42, %mul3A_12] : memref<16x10240xf32, #tpu.memory_space<vmem_shared>> -> memref<16x640xf32, #tpu.memory_space<vmem_shared>>
      tpu.enqueue_dma source(%dma_start3A_43 : memref<16x640xf32, #tpu.memory_space<vmem_shared>>) target(%arg10 : memref<16x640xf32, #tpu.memory_space<vmem>>) target_semaphore(%run_scoped3A : memref<!tpu.dma_semaphore, #tpu.memory_space<semaphore_mem>>)
      %dma_wait3A = arith.constant 0 : i32
      %dma_wait3A_44 = tpu.memref_slice %arg23[%dma_wait3A, %mul3A_12] : memref<16x10240xf32, #tpu.memory_space<vmem_shared>> -> memref<16x640xf32, #tpu.memory_space<vmem_shared>>
      %dma_wait3A_45 = arith.constant 0 : i32
      %dma_wait3A_46 = tpu.memref_slice %arg23[%dma_wait3A_45, %mul3A_12] : memref<16x10240xf32, #tpu.memory_space<vmem_shared>> -> memref<16x640xf32, #tpu.memory_space<vmem_shared>>
      tpu.wait_dma2 semaphore(%run_scoped3A : memref<!tpu.dma_semaphore, #tpu.memory_space<semaphore_mem>>) src(%dma_wait3A_46 : memref<16x640xf32, #tpu.memory_space<vmem_shared>>) dst(%arg10 : memref<16x640xf32, #tpu.memory_space<vmem>>)
      tpu.yield
    }) : () -> ()
    %scan3A_13 = arith.constant 0 : i32
    %scan3A_14 = arith.constant 40 : i32
    %scan3A_15 = arith.addi %scan3A_13, %scan3A_14 : i32
    %scan3A_16 = arith.constant 1 : i32
    scf.for %scan3A_41 = %scan3A_13 to %scan3A_15 step %scan3A_16  : i32 {
      %mul3A_42 = arith.constant 16 : i32
      %mul3A_43 = arith.muli %scan3A_41, %mul3A_42 : i32
      %get3A = arith.constant 0 : i32
      %get3A_44 = arith.index_cast %get3A : i32 to index
      %get3A_45 = arith.index_cast %mul3A_43 : i32 to index
      %get3A_46 = tpu.vector_load %arg10[%get3A_44, %get3A_45] {strides = array<i32>} : memref<16x640xf32, #tpu.memory_space<vmem>>, vector<16xf32>,
      %get3A_47 = arith.constant 1 : i32
      %get3A_48 = arith.index_cast %get3A_47 : i32 to index
      %get3A_49 = arith.index_cast %mul3A_43 : i32 to index
      %get3A_50 = tpu.vector_load %arg10[%get3A_48, %get3A_49] {strides = array<i32>} : memref<16x640xf32, #tpu.memory_space<vmem>>, vector<16xf32>,
      %max3A = arith.maximumf %get3A_46, %get3A_50 : vector<16xf32>
      %get3A_51 = arith.constant 2 : i32
      %get3A_52 = arith.index_cast %get3A_51 : i32 to index
      %get3A_53 = arith.index_cast %mul3A_43 : i32 to index
      %get3A_54 = tpu.vector_load %arg10[%get3A_52, %get3A_53] {strides = array<i32>} : memref<16x640xf32, #tpu.memory_space<vmem>>, vector<16xf32>,
      %max3A_55 = arith.maximumf %max3A, %get3A_54 : vector<16xf32>
      %get3A_56 = arith.constant 3 : i32
      %get3A_57 = arith.index_cast %get3A_56 : i32 to index
      %get3A_58 = arith.index_cast %mul3A_43 : i32 to index
      %get3A_59 = tpu.vector_load %arg10[%get3A_57, %get3A_58] {strides = array<i32>} : memref<16x640xf32, #tpu.memory_space<vmem>>, vector<16xf32>,
      %max3A_60 = arith.maximumf %max3A_55, %get3A_59 : vector<16xf32>
      %get3A_61 = arith.constant 4 : i32
      %get3A_62 = arith.index_cast %get3A_61 : i32 to index
      %get3A_63 = arith.index_cast %mul3A_43 : i32 to index
      %get3A_64 = tpu.vector_load %arg10[%get3A_62, %get3A_63] {strides = array<i32>} : memref<16x640xf32, #tpu.memory_space<vmem>>, vector<16xf32>,
      %max3A_65 = arith.maximumf %max3A_60, %get3A_64 : vector<16xf32>
      %get3A_66 = arith.constant 5 : i32
      %get3A_67 = arith.index_cast %get3A_66 : i32 to index
      %get3A_68 = arith.index_cast %mul3A_43 : i32 to index
      %get3A_69 = tpu.vector_load %arg10[%get3A_67, %get3A_68] {strides = array<i32>} : memref<16x640xf32, #tpu.memory_space<vmem>>, vector<16xf32>,
      %max3A_70 = arith.maximumf %max3A_65, %get3A_69 : vector<16xf32>
      %get3A_71 = arith.constant 6 : i32
      %get3A_72 = arith.index_cast %get3A_71 : i32 to index
      %get3A_73 = arith.index_cast %mul3A_43 : i32 to index
      %get3A_74 = tpu.vector_load %arg10[%get3A_72, %get3A_73] {strides = array<i32>} : memref<16x640xf32, #tpu.memory_space<vmem>>, vector<16xf32>,
      %max3A_75 = arith.maximumf %max3A_70, %get3A_74 : vector<16xf32>
      %get3A_76 = arith.constant 7 : i32
      %get3A_77 = arith.index_cast %get3A_76 : i32 to index
      %get3A_78 = arith.index_cast %mul3A_43 : i32 to index
      %get3A_79 = tpu.vector_load %arg10[%get3A_77, %get3A_78] {strides = array<i32>} : memref<16x640xf32, #tpu.memory_space<vmem>>, vector<16xf32>,
      %max3A_80 = arith.maximumf %max3A_75, %get3A_79 : vector<16xf32>
      %get3A_81 = arith.constant 8 : i32
      %get3A_82 = arith.index_cast %get3A_81 : i32 to index
      %get3A_83 = arith.index_cast %mul3A_43 : i32 to index
      %get3A_84 = tpu.vector_load %arg10[%get3A_82, %get3A_83] {strides = array<i32>} : memref<16x640xf32, #tpu.memory_space<vmem>>, vector<16xf32>,
      %max3A_85 = arith.maximumf %max3A_80, %get3A_84 : vector<16xf32>
      %get3A_86 = arith.constant 9 : i32
      %get3A_87 = arith.index_cast %get3A_86 : i32 to index
      %get3A_88 = arith.index_cast %mul3A_43 : i32 to index
      %get3A_89 = tpu.vector_load %arg10[%get3A_87, %get3A_88] {strides = array<i32>} : memref<16x640xf32, #tpu.memory_space<vmem>>, vector<16xf32>,
      %max3A_90 = arith.maximumf %max3A_85, %get3A_89 : vector<16xf32>
      %get3A_91 = arith.constant 10 : i32
      %get3A_92 = arith.index_cast %get3A_91 : i32 to index
      %get3A_93 = arith.index_cast %mul3A_43 : i32 to index
      %get3A_94 = tpu.vector_load %arg10[%get3A_92, %get3A_93] {strides = array<i32>} : memref<16x640xf32, #tpu.memory_space<vmem>>, vector<16xf32>,
      %max3A_95 = arith.maximumf %max3A_90, %get3A_94 : vector<16xf32>
      %get3A_96 = arith.constant 11 : i32
      %get3A_97 = arith.index_cast %get3A_96 : i32 to index
      %get3A_98 = arith.index_cast %mul3A_43 : i32 to index
      %get3A_99 = tpu.vector_load %arg10[%get3A_97, %get3A_98] {strides = array<i32>} : memref<16x640xf32, #tpu.memory_space<vmem>>, vector<16xf32>,
      %max3A_100 = arith.maximumf %max3A_95, %get3A_99 : vector<16xf32>
      %get3A_101 = arith.constant 12 : i32
      %get3A_102 = arith.index_cast %get3A_101 : i32 to index
      %get3A_103 = arith.index_cast %mul3A_43 : i32 to index
      %get3A_104 = tpu.vector_load %arg10[%get3A_102, %get3A_103] {strides = array<i32>} : memref<16x640xf32, #tpu.memory_space<vmem>>, vector<16xf32>,
      %max3A_105 = arith.maximumf %max3A_100, %get3A_104 : vector<16xf32>
      %get3A_106 = arith.constant 13 : i32
      %get3A_107 = arith.index_cast %get3A_106 : i32 to index
      %get3A_108 = arith.index_cast %mul3A_43 : i32 to index
      %get3A_109 = tpu.vector_load %arg10[%get3A_107, %get3A_108] {strides = array<i32>} : memref<16x640xf32, #tpu.memory_space<vmem>>, vector<16xf32>,
      %max3A_110 = arith.maximumf %max3A_105, %get3A_109 : vector<16xf32>
      %get3A_111 = arith.constant 14 : i32
      %get3A_112 = arith.index_cast %get3A_111 : i32 to index
      %get3A_113 = arith.index_cast %mul3A_43 : i32 to index
      %get3A_114 = tpu.vector_load %arg10[%get3A_112, %get3A_113] {strides = array<i32>} : memref<16x640xf32, #tpu.memory_space<vmem>>, vector<16xf32>,
      %max3A_115 = arith.maximumf %max3A_110, %get3A_114 : vector<16xf32>
      %get3A_116 = arith.constant 15 : i32
      %get3A_117 = arith.index_cast %get3A_116 : i32 to index
      %get3A_118 = arith.index_cast %mul3A_43 : i32 to index
      %get3A_119 = tpu.vector_load %arg10[%get3A_117, %get3A_118] {strides = array<i32>} : memref<16x640xf32, #tpu.memory_space<vmem>>, vector<16xf32>,
      %max3A_120 = arith.maximumf %max3A_115, %get3A_119 : vector<16xf32>
      %swap3A_121 = arith.index_cast %mul3A_43 : i32 to index
      %swap3A_122 = tpu.vector_load %arg11[%swap3A_121] {strides = array<i32>} : memref<640xf32, #tpu.memory_space<vmem>>, vector<16xf32>,
      tpu.vector_store %arg11[%swap3A_121], %max3A_120 {strides = array<i32>} : memref<640xf32, #tpu.memory_space<vmem>>, vector<16xf32>,
    }
    %scan3A_17 = arith.constant 40 : i32
    "tpu.region"() ({
      %run_scoped3A = tpu.sem_alloc : memref<!tpu.dma_semaphore, #tpu.memory_space<semaphore_mem>>
      %dma_start3A = tpu.memref_slice %arg24[%mul3A_12] : memref<10240xf32, #tpu.memory_space<vmem_shared>> -> memref<640xf32, #tpu.memory_space<vmem_shared>>
      %dma_start3A_41 = tpu.memref_slice %arg24[%mul3A_12] : memref<10240xf32, #tpu.memory_space<vmem_shared>> -> memref<640xf32, #tpu.memory_space<vmem_shared>>
      tpu.enqueue_dma source(%arg11 : memref<640xf32, #tpu.memory_space<vmem>>) target(%dma_start3A_41 : memref<640xf32, #tpu.memory_space<vmem_shared>>) target_semaphore(%run_scoped3A : memref<!tpu.dma_semaphore, #tpu.memory_space<semaphore_mem>>)
      %dma_wait3A = tpu.memref_slice %arg24[%mul3A_12] : memref<10240xf32, #tpu.memory_space<vmem_shared>> -> memref<640xf32, #tpu.memory_space<vmem_shared>>
      %dma_wait3A_42 = tpu.memref_slice %arg24[%mul3A_12] : memref<10240xf32, #tpu.memory_space<vmem_shared>> -> memref<640xf32, #tpu.memory_space<vmem_shared>>
      tpu.wait_dma2 semaphore(%run_scoped3A : memref<!tpu.dma_semaphore, #tpu.memory_space<semaphore_mem>>) src(%arg11 : memref<640xf32, #tpu.memory_space<vmem>>) dst(%dma_wait3A_42 : memref<640xf32, #tpu.memory_space<vmem_shared>>)
      tpu.yield
    }) : () -> ()
    %broadcast_in_dim3A_18 = arith.constant 0.000000e+00 : f32
    %broadcast_in_dim3A_19 = vector.broadcast %broadcast_in_dim3A_18 : f32 to vector<16xf32>
    %scan3A_20 = arith.constant 0 : i32
    %scan3A_21 = arith.constant 5 : i32
    %scan3A_22 = arith.addi %scan3A_20, %scan3A_21 : i32
    %scan3A_23 = arith.constant 1 : i32
    scf.for %scan3A_41 = %scan3A_20 to %scan3A_22 step %scan3A_23  : i32 {
      %mul3A_42 = arith.constant 8 : i32
      %mul3A_43 = arith.muli %scan3A_41, %mul3A_42 : i32
      %add3A = arith.constant 0 : i32
      %add3A_44 = arith.addi %mul3A_43, %add3A : i32
      %mul3A_45 = arith.constant 16 : i32
      %mul3A_46 = arith.muli %add3A_44, %mul3A_45 : i32
      %swap3A_47 = arith.index_cast %mul3A_46 : i32 to index
      %swap3A_48 = tpu.vector_load %arg11[%swap3A_47] {strides = array<i32>} : memref<640xf32, #tpu.memory_space<vmem>>, vector<16xf32>,
      tpu.vector_store %arg11[%swap3A_47], %broadcast_in_dim3A_19 {strides = array<i32>} : memref<640xf32, #tpu.memory_space<vmem>>, vector<16xf32>,
      %mul3A_49 = arith.constant 8 : i32
      %mul3A_50 = arith.muli %scan3A_41, %mul3A_49 : i32
      %add3A_51 = arith.constant 1 : i32
      %add3A_52 = arith.addi %mul3A_50, %add3A_51 : i32
      %mul3A_53 = arith.constant 16 : i32
      %mul3A_54 = arith.muli %add3A_52, %mul3A_53 : i32
      %swap3A_55 = arith.index_cast %mul3A_54 : i32 to index
      %swap3A_56 = tpu.vector_load %arg11[%swap3A_55] {strides = array<i32>} : memref<640xf32, #tpu.memory_space<vmem>>, vector<16xf32>,
      tpu.vector_store %arg11[%swap3A_55], %broadcast_in_dim3A_19 {strides = array<i32>} : memref<640xf32, #tpu.memory_space<vmem>>, vector<16xf32>,
      %mul3A_57 = arith.constant 8 : i32
      %mul3A_58 = arith.muli %scan3A_41, %mul3A_57 : i32
      %add3A_59 = arith.constant 2 : i32
      %add3A_60 = arith.addi %mul3A_58, %add3A_59 : i32
      %mul3A_61 = arith.constant 16 : i32
      %mul3A_62 = arith.muli %add3A_60, %mul3A_61 : i32
      %swap3A_63 = arith.index_cast %mul3A_62 : i32 to index
      %swap3A_64 = tpu.vector_load %arg11[%swap3A_63] {strides = array<i32>} : memref<640xf32, #tpu.memory_space<vmem>>, vector<16xf32>,
      tpu.vector_store %arg11[%swap3A_63], %broadcast_in_dim3A_19 {strides = array<i32>} : memref<640xf32, #tpu.memory_space<vmem>>, vector<16xf32>,
      %mul3A_65 = arith.constant 8 : i32
      %mul3A_66 = arith.muli %scan3A_41, %mul3A_65 : i32
      %add3A_67 = arith.constant 3 : i32
      %add3A_68 = arith.addi %mul3A_66, %add3A_67 : i32
      %mul3A_69 = arith.constant 16 : i32
      %mul3A_70 = arith.muli %add3A_68, %mul3A_69 : i32
      %swap3A_71 = arith.index_cast %mul3A_70 : i32 to index
      %swap3A_72 = tpu.vector_load %arg11[%swap3A_71] {strides = array<i32>} : memref<640xf32, #tpu.memory_space<vmem>>, vector<16xf32>,
      tpu.vector_store %arg11[%swap3A_71], %broadcast_in_dim3A_19 {strides = array<i32>} : memref<640xf32, #tpu.memory_space<vmem>>, vector<16xf32>,
      %mul3A_73 = arith.constant 8 : i32
      %mul3A_74 = arith.muli %scan3A_41, %mul3A_73 : i32
      %add3A_75 = arith.constant 4 : i32
      %add3A_76 = arith.addi %mul3A_74, %add3A_75 : i32
      %mul3A_77 = arith.constant 16 : i32
      %mul3A_78 = arith.muli %add3A_76, %mul3A_77 : i32
      %swap3A_79 = arith.index_cast %mul3A_78 : i32 to index
      %swap3A_80 = tpu.vector_load %arg11[%swap3A_79] {strides = array<i32>} : memref<640xf32, #tpu.memory_space<vmem>>, vector<16xf32>,
      tpu.vector_store %arg11[%swap3A_79], %broadcast_in_dim3A_19 {strides = array<i32>} : memref<640xf32, #tpu.memory_space<vmem>>, vector<16xf32>,
      %mul3A_81 = arith.constant 8 : i32
      %mul3A_82 = arith.muli %scan3A_41, %mul3A_81 : i32
      %add3A_83 = arith.constant 5 : i32
      %add3A_84 = arith.addi %mul3A_82, %add3A_83 : i32
      %mul3A_85 = arith.constant 16 : i32
      %mul3A_86 = arith.muli %add3A_84, %mul3A_85 : i32
      %swap3A_87 = arith.index_cast %mul3A_86 : i32 to index
      %swap3A_88 = tpu.vector_load %arg11[%swap3A_87] {strides = array<i32>} : memref<640xf32, #tpu.memory_space<vmem>>, vector<16xf32>,
      tpu.vector_store %arg11[%swap3A_87], %broadcast_in_dim3A_19 {strides = array<i32>} : memref<640xf32, #tpu.memory_space<vmem>>, vector<16xf32>,
      %mul3A_89 = arith.constant 8 : i32
      %mul3A_90 = arith.muli %scan3A_41, %mul3A_89 : i32
      %add3A_91 = arith.constant 6 : i32
      %add3A_92 = arith.addi %mul3A_90, %add3A_91 : i32
      %mul3A_93 = arith.constant 16 : i32
      %mul3A_94 = arith.muli %add3A_92, %mul3A_93 : i32
      %swap3A_95 = arith.index_cast %mul3A_94 : i32 to index
      %swap3A_96 = tpu.vector_load %arg11[%swap3A_95] {strides = array<i32>} : memref<640xf32, #tpu.memory_space<vmem>>, vector<16xf32>,
      tpu.vector_store %arg11[%swap3A_95], %broadcast_in_dim3A_19 {strides = array<i32>} : memref<640xf32, #tpu.memory_space<vmem>>, vector<16xf32>,
      %mul3A_97 = arith.constant 8 : i32
      %mul3A_98 = arith.muli %scan3A_41, %mul3A_97 : i32
      %add3A_99 = arith.constant 7 : i32
      %add3A_100 = arith.addi %mul3A_98, %add3A_99 : i32
      %mul3A_101 = arith.constant 16 : i32
      %mul3A_102 = arith.muli %add3A_100, %mul3A_101 : i32
      %swap3A_103 = arith.index_cast %mul3A_102 : i32 to index
      %swap3A_104 = tpu.vector_load %arg11[%swap3A_103] {strides = array<i32>} : memref<640xf32, #tpu.memory_space<vmem>>, vector<16xf32>,
      tpu.vector_store %arg11[%swap3A_103], %broadcast_in_dim3A_19 {strides = array<i32>} : memref<640xf32, #tpu.memory_space<vmem>>, vector<16xf32>,
    }
    %scan3A_24 = arith.constant 5 : i32
    "tpu.region"() ({
      %run_scoped3A = tpu.sem_alloc : memref<!tpu.dma_semaphore, #tpu.memory_space<semaphore_mem>>
      %dma_start3A = tpu.memref_slice %arg25[%mul3A_12] : memref<10240xf32, #tpu.memory_space<vmem_shared>> -> memref<640xf32, #tpu.memory_space<vmem_shared>>
      %dma_start3A_41 = tpu.memref_slice %arg25[%mul3A_12] : memref<10240xf32, #tpu.memory_space<vmem_shared>> -> memref<640xf32, #tpu.memory_space<vmem_shared>>
      tpu.enqueue_dma source(%arg11 : memref<640xf32, #tpu.memory_space<vmem>>) target(%dma_start3A_41 : memref<640xf32, #tpu.memory_space<vmem_shared>>) target_semaphore(%run_scoped3A : memref<!tpu.dma_semaphore, #tpu.memory_space<semaphore_mem>>)
      %dma_wait3A = tpu.memref_slice %arg25[%mul3A_12] : memref<10240xf32, #tpu.memory_space<vmem_shared>> -> memref<640xf32, #tpu.memory_space<vmem_shared>>
      %dma_wait3A_42 = tpu.memref_slice %arg25[%mul3A_12] : memref<10240xf32, #tpu.memory_space<vmem_shared>> -> memref<640xf32, #tpu.memory_space<vmem_shared>>
      tpu.wait_dma2 semaphore(%run_scoped3A : memref<!tpu.dma_semaphore, #tpu.memory_space<semaphore_mem>>) src(%arg11 : memref<640xf32, #tpu.memory_space<vmem>>) dst(%dma_wait3A_42 : memref<640xf32, #tpu.memory_space<vmem_shared>>)
      tpu.yield
    }) : () -> ()
    %barrier3A_25 = arith.constant 0 : index
    tpu.barrier barrier_id(%barrier3A_25)
    "tpu.region"() ({
      %run_scoped3A = tpu.sem_alloc : memref<!tpu.dma_semaphore, #tpu.memory_space<semaphore_mem>>
      tpu.enqueue_dma source(%arg24 : memref<10240xf32, #tpu.memory_space<vmem_shared>>) target(%arg9 : memref<10240xf32, #tpu.memory_space<vmem>>) target_semaphore(%run_scoped3A : memref<!tpu.dma_semaphore, #tpu.memory_space<semaphore_mem>>)
      tpu.wait_dma2 semaphore(%run_scoped3A : memref<!tpu.dma_semaphore, #tpu.memory_space<semaphore_mem>>) src(%arg24 : memref<10240xf32, #tpu.memory_space<vmem_shared>>) dst(%arg9 : memref<10240xf32, #tpu.memory_space<vmem>>)
      tpu.yield
    }) : () -> ()
    "tpu.trace_stop"() : () -> ()
    "tpu.trace_start"() <{level = 10 : i32, message = "sc_phase_b"}> : () -> ()
    %scan3A_26 = arith.constant 0 : i32
    %scan3A_27 = arith.constant 125 : i32
    %scan3A_28 = arith.addi %scan3A_26, %scan3A_27 : i32
    %scan3A_29 = arith.constant 1 : i32
    scf.for %scan3A_41 = %scan3A_26 to %scan3A_28 step %scan3A_29  : i32 {
      %mul3A_42 = arith.constant 5 : i32
      %mul3A_43 = arith.muli %scan3A_41, %mul3A_42 : i32
      %add3A = arith.constant 0 : i32
      %add3A_44 = arith.addi %mul3A_43, %add3A : i32
      %mul3A_45 = arith.constant 16 : i32
      %mul3A_46 = arith.muli %add3A_44, %mul3A_45 : i32
      %get3A = arith.index_cast %mul3A_46 : i32 to index
      %get3A_47 = tpu.vector_load %arg6[%get3A] {strides = array<i32>} : memref<10000xi32, #tpu.memory_space<vmem>>, vector<16xi32>,
      %get3A_48 = arith.index_cast %mul3A_46 : i32 to index
      %get3A_49 = tpu.vector_load %arg5[%get3A_48] {strides = array<i32>} : memref<10000xf32, #tpu.memory_space<vmem>>, vector<16xf32>,
      %gather3A = tpu.vector_load_idx %arg9[%get3A_47] : memref<10240xf32, #tpu.memory_space<vmem>>[vector<16xi32>], vector<16xf32>,
      %sub3A = arith.subf %get3A_49, %gather3A : vector<16xf32>
      %exp3A = math.exp %sub3A : vector<16xf32>
      %swap3A_50 = arith.index_cast %mul3A_46 : i32 to index
      %swap3A_51 = tpu.vector_load %arg7[%swap3A_50] {strides = array<i32>} : memref<10000xf32, #tpu.memory_space<vmem>>, vector<16xf32>,
      tpu.vector_store %arg7[%swap3A_50], %exp3A {strides = array<i32>} : memref<10000xf32, #tpu.memory_space<vmem>>, vector<16xf32>,
      %mul3A_52 = arith.constant 5 : i32
      %mul3A_53 = arith.muli %scan3A_41, %mul3A_52 : i32
      %add3A_54 = arith.constant 1 : i32
      %add3A_55 = arith.addi %mul3A_53, %add3A_54 : i32
      %mul3A_56 = arith.constant 16 : i32
      %mul3A_57 = arith.muli %add3A_55, %mul3A_56 : i32
      %get3A_58 = arith.index_cast %mul3A_57 : i32 to index
      %get3A_59 = tpu.vector_load %arg6[%get3A_58] {strides = array<i32>} : memref<10000xi32, #tpu.memory_space<vmem>>, vector<16xi32>,
      %get3A_60 = arith.index_cast %mul3A_57 : i32 to index
      %get3A_61 = tpu.vector_load %arg5[%get3A_60] {strides = array<i32>} : memref<10000xf32, #tpu.memory_space<vmem>>, vector<16xf32>,
      %gather3A_62 = tpu.vector_load_idx %arg9[%get3A_59] : memref<10240xf32, #tpu.memory_space<vmem>>[vector<16xi32>], vector<16xf32>,
      %sub3A_63 = arith.subf %get3A_61, %gather3A_62 : vector<16xf32>
      %exp3A_64 = math.exp %sub3A_63 : vector<16xf32>
      %swap3A_65 = arith.index_cast %mul3A_57 : i32 to index
      %swap3A_66 = tpu.vector_load %arg7[%swap3A_65] {strides = array<i32>} : memref<10000xf32, #tpu.memory_space<vmem>>, vector<16xf32>,
      tpu.vector_store %arg7[%swap3A_65], %exp3A_64 {strides = array<i32>} : memref<10000xf32, #tpu.memory_space<vmem>>, vector<16xf32>,
      %mul3A_67 = arith.constant 5 : i32
      %mul3A_68 = arith.muli %scan3A_41, %mul3A_67 : i32
      %add3A_69 = arith.constant 2 : i32
      %add3A_70 = arith.addi %mul3A_68, %add3A_69 : i32
      %mul3A_71 = arith.constant 16 : i32
      %mul3A_72 = arith.muli %add3A_70, %mul3A_71 : i32
      %get3A_73 = arith.index_cast %mul3A_72 : i32 to index
      %get3A_74 = tpu.vector_load %arg6[%get3A_73] {strides = array<i32>} : memref<10000xi32, #tpu.memory_space<vmem>>, vector<16xi32>,
      %get3A_75 = arith.index_cast %mul3A_72 : i32 to index
      %get3A_76 = tpu.vector_load %arg5[%get3A_75] {strides = array<i32>} : memref<10000xf32, #tpu.memory_space<vmem>>, vector<16xf32>,
      %gather3A_77 = tpu.vector_load_idx %arg9[%get3A_74] : memref<10240xf32, #tpu.memory_space<vmem>>[vector<16xi32>], vector<16xf32>,
      %sub3A_78 = arith.subf %get3A_76, %gather3A_77 : vector<16xf32>
      %exp3A_79 = math.exp %sub3A_78 : vector<16xf32>
      %swap3A_80 = arith.index_cast %mul3A_72 : i32 to index
      %swap3A_81 = tpu.vector_load %arg7[%swap3A_80] {strides = array<i32>} : memref<10000xf32, #tpu.memory_space<vmem>>, vector<16xf32>,
      tpu.vector_store %arg7[%swap3A_80], %exp3A_79 {strides = array<i32>} : memref<10000xf32, #tpu.memory_space<vmem>>, vector<16xf32>,
      %mul3A_82 = arith.constant 5 : i32
      %mul3A_83 = arith.muli %scan3A_41, %mul3A_82 : i32
      %add3A_84 = arith.constant 3 : i32
      %add3A_85 = arith.addi %mul3A_83, %add3A_84 : i32
      %mul3A_86 = arith.constant 16 : i32
      %mul3A_87 = arith.muli %add3A_85, %mul3A_86 : i32
      %get3A_88 = arith.index_cast %mul3A_87 : i32 to index
      %get3A_89 = tpu.vector_load %arg6[%get3A_88] {strides = array<i32>} : memref<10000xi32, #tpu.memory_space<vmem>>, vector<16xi32>,
      %get3A_90 = arith.index_cast %mul3A_87 : i32 to index
      %get3A_91 = tpu.vector_load %arg5[%get3A_90] {strides = array<i32>} : memref<10000xf32, #tpu.memory_space<vmem>>, vector<16xf32>,
      %gather3A_92 = tpu.vector_load_idx %arg9[%get3A_89] : memref<10240xf32, #tpu.memory_space<vmem>>[vector<16xi32>], vector<16xf32>,
      %sub3A_93 = arith.subf %get3A_91, %gather3A_92 : vector<16xf32>
      %exp3A_94 = math.exp %sub3A_93 : vector<16xf32>
      %swap3A_95 = arith.index_cast %mul3A_87 : i32 to index
      %swap3A_96 = tpu.vector_load %arg7[%swap3A_95] {strides = array<i32>} : memref<10000xf32, #tpu.memory_space<vmem>>, vector<16xf32>,
      tpu.vector_store %arg7[%swap3A_95], %exp3A_94 {strides = array<i32>} : memref<10000xf32, #tpu.memory_space<vmem>>, vector<16xf32>,
      %mul3A_97 = arith.constant 5 : i32
      %mul3A_98 = arith.muli %scan3A_41, %mul3A_97 : i32
      %add3A_99 = arith.constant 4 : i32
      %add3A_100 = arith.addi %mul3A_98, %add3A_99 : i32
      %mul3A_101 = arith.constant 16 : i32
      %mul3A_102 = arith.muli %add3A_100, %mul3A_101 : i32
      %get3A_103 = arith.index_cast %mul3A_102 : i32 to index
      %get3A_104 = tpu.vector_load %arg6[%get3A_103] {strides = array<i32>} : memref<10000xi32, #tpu.memory_space<vmem>>, vector<16xi32>,
      %get3A_105 = arith.index_cast %mul3A_102 : i32 to index
      %get3A_106 = tpu.vector_load %arg5[%get3A_105] {strides = array<i32>} : memref<10000xf32, #tpu.memory_space<vmem>>, vector<16xf32>,
      %gather3A_107 = tpu.vector_load_idx %arg9[%get3A_104] : memref<10240xf32, #tpu.memory_space<vmem>>[vector<16xi32>], vector<16xf32>,
      %sub3A_108 = arith.subf %get3A_106, %gather3A_107 : vector<16xf32>
      %exp3A_109 = math.exp %sub3A_108 : vector<16xf32>
      %swap3A_110 = arith.index_cast %mul3A_102 : i32 to index
      %swap3A_111 = tpu.vector_load %arg7[%swap3A_110] {strides = array<i32>} : memref<10000xf32, #tpu.memory_space<vmem>>, vector<16xf32>,
      tpu.vector_store %arg7[%swap3A_110], %exp3A_109 {strides = array<i32>} : memref<10000xf32, #tpu.memory_space<vmem>>, vector<16xf32>,
    }
    %scan3A_30 = arith.constant 125 : i32
    "tpu.trace_stop"() : () -> ()
    "tpu.trace_start"() <{level = 10 : i32, message = "sc_scatter_add"}> : () -> ()
    "tpu.region"() ({
      %run_scoped3A = tpu.sem_alloc : memref<!tpu.dma_semaphore, #tpu.memory_space<semaphore_mem>>
      %dma_start3A = arith.constant 0 : i32
      %dma_start3A_41 = tpu.memref_slice %arg25[%dma_start3A] : memref<10240xf32, #tpu.memory_space<vmem_shared>> -> memref<10240xf32, #tpu.memory_space<vmem_shared>>
      tpu.enqueue_indirect_dma source(%arg7 : memref<10000xf32, #tpu.memory_space<vmem>>) target(%dma_start3A_41 : memref<10240xf32, #tpu.memory_space<vmem_shared>>) offsets(%arg6 : memref<10000xi32, #tpu.memory_space<vmem>>) semaphore(%run_scoped3A : memref<!tpu.dma_semaphore, #tpu.memory_space<semaphore_mem>>) {add = true}
      %dma_wait3A = arith.constant 0 : i32
      %dma_wait3A_42 = tpu.memref_slice %arg25[%dma_wait3A] : memref<10240xf32, #tpu.memory_space<vmem_shared>> -> memref<10240xf32, #tpu.memory_space<vmem_shared>>
      tpu.wait_indirect_dma semaphore(%run_scoped3A : memref<!tpu.dma_semaphore, #tpu.memory_space<semaphore_mem>>) src(%arg7 : memref<10000xf32, #tpu.memory_space<vmem>>) dst(%dma_wait3A_42 : memref<10240xf32, #tpu.memory_space<vmem_shared>>)
      tpu.yield
    }) : () -> ()
    %barrier3A_31 = arith.constant 0 : index
    tpu.barrier barrier_id(%barrier3A_31)
    "tpu.region"() ({
      %run_scoped3A = tpu.sem_alloc : memref<!tpu.dma_semaphore, #tpu.memory_space<semaphore_mem>>
      tpu.enqueue_dma source(%arg25 : memref<10240xf32, #tpu.memory_space<vmem_shared>>) target(%arg9 : memref<10240xf32, #tpu.memory_space<vmem>>) target_semaphore(%run_scoped3A : memref<!tpu.dma_semaphore, #tpu.memory_space<semaphore_mem>>)
      tpu.wait_dma2 semaphore(%run_scoped3A : memref<!tpu.dma_semaphore, #tpu.memory_space<semaphore_mem>>) src(%arg25 : memref<10240xf32, #tpu.memory_space<vmem_shared>>) dst(%arg9 : memref<10240xf32, #tpu.memory_space<vmem>>)
      tpu.yield
    }) : () -> ()
    %broadcast_in_dim3A_32 = arith.constant 0.000000e+00 : f32
    "tpu.trace_stop"() : () -> ()
    "tpu.trace_start"() <{level = 10 : i32, message = "sc_phase_c"}> : () -> ()
    %broadcast_in_dim3A_33 = vector.broadcast %broadcast_in_dim3A_32 : f32 to vector<16xf32>
    %scan3A_34 = arith.constant 0 : i32
    %scan3A_35 = arith.constant 125 : i32
    %scan3A_36 = arith.addi %scan3A_34, %scan3A_35 : i32
    %scan3A_37 = arith.constant 1 : i32
    %scan3A_38 = scf.for %scan3A_41 = %scan3A_34 to %scan3A_36 step %scan3A_37 iter_args(%scan3A_42 = %broadcast_in_dim3A_33) -> (vector<16xf32>)  : i32 {
      %mul3A_43 = arith.constant 5 : i32
      %mul3A_44 = arith.muli %scan3A_41, %mul3A_43 : i32
      %add3A = arith.constant 0 : i32
      %add3A_45 = arith.addi %mul3A_44, %add3A : i32
      %mul3A_46 = arith.constant 16 : i32
      %mul3A_47 = arith.muli %add3A_45, %mul3A_46 : i32
      %get3A = arith.index_cast %mul3A_47 : i32 to index
      %get3A_48 = tpu.vector_load %arg6[%get3A] {strides = array<i32>} : memref<10000xi32, #tpu.memory_space<vmem>>, vector<16xi32>,
      %get3A_49 = arith.index_cast %mul3A_47 : i32 to index
      %get3A_50 = tpu.vector_load %arg7[%get3A_49] {strides = array<i32>} : memref<10000xf32, #tpu.memory_space<vmem>>, vector<16xf32>,
      %gather3A = tpu.vector_load_idx %arg9[%get3A_48] : memref<10240xf32, #tpu.memory_space<vmem>>[vector<16xi32>], vector<16xf32>,
      %div3A = arith.divf %get3A_50, %gather3A : vector<16xf32>
      %add3A_51 = arith.addf %scan3A_42, %div3A : vector<16xf32>
      %mul3A_52 = arith.constant 5 : i32
      %mul3A_53 = arith.muli %scan3A_41, %mul3A_52 : i32
      %add3A_54 = arith.constant 1 : i32
      %add3A_55 = arith.addi %mul3A_53, %add3A_54 : i32
      %mul3A_56 = arith.constant 16 : i32
      %mul3A_57 = arith.muli %add3A_55, %mul3A_56 : i32
      %get3A_58 = arith.index_cast %mul3A_57 : i32 to index
      %get3A_59 = tpu.vector_load %arg6[%get3A_58] {strides = array<i32>} : memref<10000xi32, #tpu.memory_space<vmem>>, vector<16xi32>,
      %get3A_60 = arith.index_cast %mul3A_57 : i32 to index
      %get3A_61 = tpu.vector_load %arg7[%get3A_60] {strides = array<i32>} : memref<10000xf32, #tpu.memory_space<vmem>>, vector<16xf32>,
      %gather3A_62 = tpu.vector_load_idx %arg9[%get3A_59] : memref<10240xf32, #tpu.memory_space<vmem>>[vector<16xi32>], vector<16xf32>,
      %div3A_63 = arith.divf %get3A_61, %gather3A_62 : vector<16xf32>
      %add3A_64 = arith.addf %add3A_51, %div3A_63 : vector<16xf32>
      %mul3A_65 = arith.constant 5 : i32
      %mul3A_66 = arith.muli %scan3A_41, %mul3A_65 : i32
      %add3A_67 = arith.constant 2 : i32
      %add3A_68 = arith.addi %mul3A_66, %add3A_67 : i32
      %mul3A_69 = arith.constant 16 : i32
      %mul3A_70 = arith.muli %add3A_68, %mul3A_69 : i32
      %get3A_71 = arith.index_cast %mul3A_70 : i32 to index
      %get3A_72 = tpu.vector_load %arg6[%get3A_71] {strides = array<i32>} : memref<10000xi32, #tpu.memory_space<vmem>>, vector<16xi32>,
      %get3A_73 = arith.index_cast %mul3A_70 : i32 to index
      %get3A_74 = tpu.vector_load %arg7[%get3A_73] {strides = array<i32>} : memref<10000xf32, #tpu.memory_space<vmem>>, vector<16xf32>,
      %gather3A_75 = tpu.vector_load_idx %arg9[%get3A_72] : memref<10240xf32, #tpu.memory_space<vmem>>[vector<16xi32>], vector<16xf32>,
      %div3A_76 = arith.divf %get3A_74, %gather3A_75 : vector<16xf32>
      %add3A_77 = arith.addf %add3A_64, %div3A_76 : vector<16xf32>
      %mul3A_78 = arith.constant 5 : i32
      %mul3A_79 = arith.muli %scan3A_41, %mul3A_78 : i32
      %add3A_80 = arith.constant 3 : i32
      %add3A_81 = arith.addi %mul3A_79, %add3A_80 : i32
      %mul3A_82 = arith.constant 16 : i32
      %mul3A_83 = arith.muli %add3A_81, %mul3A_82 : i32
      %get3A_84 = arith.index_cast %mul3A_83 : i32 to index
      %get3A_85 = tpu.vector_load %arg6[%get3A_84] {strides = array<i32>} : memref<10000xi32, #tpu.memory_space<vmem>>, vector<16xi32>,
      %get3A_86 = arith.index_cast %mul3A_83 : i32 to index
      %get3A_87 = tpu.vector_load %arg7[%get3A_86] {strides = array<i32>} : memref<10000xf32, #tpu.memory_space<vmem>>, vector<16xf32>,
      %gather3A_88 = tpu.vector_load_idx %arg9[%get3A_85] : memref<10240xf32, #tpu.memory_space<vmem>>[vector<16xi32>], vector<16xf32>,
      %div3A_89 = arith.divf %get3A_87, %gather3A_88 : vector<16xf32>
      %add3A_90 = arith.addf %add3A_77, %div3A_89 : vector<16xf32>
      %mul3A_91 = arith.constant 5 : i32
      %mul3A_92 = arith.muli %scan3A_41, %mul3A_91 : i32
      %add3A_93 = arith.constant 4 : i32
      %add3A_94 = arith.addi %mul3A_92, %add3A_93 : i32
      %mul3A_95 = arith.constant 16 : i32
      %mul3A_96 = arith.muli %add3A_94, %mul3A_95 : i32
      %get3A_97 = arith.index_cast %mul3A_96 : i32 to index
      %get3A_98 = tpu.vector_load %arg6[%get3A_97] {strides = array<i32>} : memref<10000xi32, #tpu.memory_space<vmem>>, vector<16xi32>,
      %get3A_99 = arith.index_cast %mul3A_96 : i32 to index
      %get3A_100 = tpu.vector_load %arg7[%get3A_99] {strides = array<i32>} : memref<10000xf32, #tpu.memory_space<vmem>>, vector<16xf32>,
      %gather3A_101 = tpu.vector_load_idx %arg9[%get3A_98] : memref<10240xf32, #tpu.memory_space<vmem>>[vector<16xi32>], vector<16xf32>,
      %div3A_102 = arith.divf %get3A_100, %gather3A_101 : vector<16xf32>
      %add3A_103 = arith.addf %add3A_90, %div3A_102 : vector<16xf32>
      scf.yield %add3A_103 : vector<16xf32>
    }
    %scan3A_39 = arith.constant 125 : i32
    %swap3A = arith.constant 0 : index
    %swap3A_40 = tpu.vector_load %arg22[%swap3A] {strides = array<i32>} : memref<16xf32, #tpu.memory_space<vmem>>, vector<16xf32>,
    tpu.vector_store %arg22[%swap3A], %scan3A_38 {strides = array<i32>} : memref<16xf32, #tpu.memory_space<vmem>>, vector<16xf32>,
    "tpu.region"() ({
      %run_scoped3A = tpu.sem_alloc : memref<!tpu.dma_semaphore, #tpu.memory_space<semaphore_mem>>
      %dma_start3A = arith.constant 0 : i32
      %dma_start3A_41 = tpu.memref_slice %arg4[%arg1, %dma_start3A] : memref<16x16xf32, #tpu.memory_space<hbm>> -> memref<1x16xf32, #tpu.memory_space<hbm>>
      %dma_start3A_42 = tpu.memref_squeeze %dma_start3A_41 : memref<1x16xf32, #tpu.memory_space<hbm>> -> memref<16xf32, #tpu.memory_space<hbm>>
      %dma_start3A_43 = arith.constant 0 : i32
      %dma_start3A_44 = tpu.memref_slice %arg4[%arg1, %dma_start3A_43] : memref<16x16xf32, #tpu.memory_space<hbm>> -> memref<1x16xf32, #tpu.memory_space<hbm>>
      %dma_start3A_45 = tpu.memref_squeeze %dma_start3A_44 : memref<1x16xf32, #tpu.memory_space<hbm>> -> memref<16xf32, #tpu.memory_space<hbm>>
      tpu.enqueue_dma source(%arg22 : memref<16xf32, #tpu.memory_space<vmem>>) target(%dma_start3A_45 : memref<16xf32, #tpu.memory_space<hbm>>) target_semaphore(%run_scoped3A : memref<!tpu.dma_semaphore, #tpu.memory_space<semaphore_mem>>)
      %dma_wait3A = arith.constant 0 : i32
      %dma_wait3A_46 = tpu.memref_slice %arg4[%arg1, %dma_wait3A] : memref<16x16xf32, #tpu.memory_space<hbm>> -> memref<1x16xf32, #tpu.memory_space<hbm>>
      %dma_wait3A_47 = tpu.memref_squeeze %dma_wait3A_46 : memref<1x16xf32, #tpu.memory_space<hbm>> -> memref<16xf32, #tpu.memory_space<hbm>>
      %dma_wait3A_48 = arith.constant 0 : i32
      %dma_wait3A_49 = tpu.memref_slice %arg4[%arg1, %dma_wait3A_48] : memref<16x16xf32, #tpu.memory_space<hbm>> -> memref<1x16xf32, #tpu.memory_space<hbm>>
      %dma_wait3A_50 = tpu.memref_squeeze %dma_wait3A_49 : memref<1x16xf32, #tpu.memory_space<hbm>> -> memref<16xf32, #tpu.memory_space<hbm>>
      tpu.wait_dma2 semaphore(%run_scoped3A : memref<!tpu.dma_semaphore, #tpu.memory_space<semaphore_mem>>) src(%arg22 : memref<16xf32, #tpu.memory_space<vmem>>) dst(%dma_wait3A_50 : memref<16xf32, #tpu.memory_space<hbm>>)
      tpu.yield
    }) : () -> ()
    "tpu.trace_stop"() : () -> ()
    return
  }
}

#map = affine_map<(d0, d1) -> (0)>
#map1 = affine_map<(d0, d1) -> (0, 0)>
module attributes {stable_mosaic.version = 14 : i64} {
  func.func @_sc_quick_body(%arg0: i32, %arg1: i32, %arg2: memref<160000xf32, #tpu.memory_space<hbm>>, %arg3: memref<160000xi32, #tpu.memory_space<hbm>>, %arg4: memref<16x16xf32, #tpu.memory_space<hbm>>, %arg5: memref<16x16xf32, #tpu.memory_space<hbm>>, %arg6: memref<10000xf32, #tpu.memory_space<vmem>>, %arg7: memref<10000xi32, #tpu.memory_space<vmem>>, %arg8: memref<10000xf32, #tpu.memory_space<vmem>>, %arg9: memref<10240xf32, #tpu.memory_space<vmem>>, %arg10: memref<640xf32, #tpu.memory_space<vmem>>, %arg11: memref<16xf32, #tpu.memory_space<vmem>>, %arg12: memref<16xf32, #tpu.memory_space<vmem>>, %arg13: memref<16xf32, #tpu.memory_space<vmem>>, %arg14: memref<16x16xf32, #tpu.memory_space<vmem>>, %arg15: memref<16x16xf32, #tpu.memory_space<vmem_shared>>, %arg16: memref<10240xf32, #tpu.memory_space<vmem_shared>>) attributes {dimension_semantics = [#tpu.dimension_semantics<core_parallel>, #tpu.dimension_semantics<subcore_parallel>], iteration_bounds = array<i64: 1, 16>, scalar_prefetch = 0 : i64, scratch_operands = 11 : i64, tpu.core_type = #tpu.core_type<sc_vector_subcore>, window_params = [{transform_indices = #map}, {transform_indices = #map}, {transform_indices = #map1}, {transform_indices = #map1}]} {
    %mul3A = arith.constant 10000 : i32
    %mul3A_0 = arith.muli %arg1, %mul3A : i32
    "tpu.region"() ({
      %run_scoped3A = tpu.sem_alloc : memref<!tpu.dma_semaphore, #tpu.memory_space<semaphore_mem>>
      %dma_start3A = tpu.memref_slice %arg2[%mul3A_0] : memref<160000xf32, #tpu.memory_space<hbm>> -> memref<10000xf32, #tpu.memory_space<hbm>>
      %dma_start3A_121 = tpu.memref_slice %arg2[%mul3A_0] : memref<160000xf32, #tpu.memory_space<hbm>> -> memref<10000xf32, #tpu.memory_space<hbm>>
      tpu.enqueue_dma source(%dma_start3A_121 : memref<10000xf32, #tpu.memory_space<hbm>>) target(%arg6 : memref<10000xf32, #tpu.memory_space<vmem>>) target_semaphore(%run_scoped3A : memref<!tpu.dma_semaphore, #tpu.memory_space<semaphore_mem>>)
      %dma_wait3A = tpu.memref_slice %arg2[%mul3A_0] : memref<160000xf32, #tpu.memory_space<hbm>> -> memref<10000xf32, #tpu.memory_space<hbm>>
      %dma_wait3A_122 = tpu.memref_slice %arg2[%mul3A_0] : memref<160000xf32, #tpu.memory_space<hbm>> -> memref<10000xf32, #tpu.memory_space<hbm>>
      tpu.wait_dma2 semaphore(%run_scoped3A : memref<!tpu.dma_semaphore, #tpu.memory_space<semaphore_mem>>) src(%dma_wait3A_122 : memref<10000xf32, #tpu.memory_space<hbm>>) dst(%arg6 : memref<10000xf32, #tpu.memory_space<vmem>>)
      tpu.yield
    }) : () -> ()
    "tpu.region"() ({
      %run_scoped3A = tpu.sem_alloc : memref<!tpu.dma_semaphore, #tpu.memory_space<semaphore_mem>>
      %dma_start3A = tpu.memref_slice %arg3[%mul3A_0] : memref<160000xi32, #tpu.memory_space<hbm>> -> memref<10000xi32, #tpu.memory_space<hbm>>
      %dma_start3A_121 = tpu.memref_slice %arg3[%mul3A_0] : memref<160000xi32, #tpu.memory_space<hbm>> -> memref<10000xi32, #tpu.memory_space<hbm>>
      tpu.enqueue_dma source(%dma_start3A_121 : memref<10000xi32, #tpu.memory_space<hbm>>) target(%arg7 : memref<10000xi32, #tpu.memory_space<vmem>>) target_semaphore(%run_scoped3A : memref<!tpu.dma_semaphore, #tpu.memory_space<semaphore_mem>>)
      %dma_wait3A = tpu.memref_slice %arg3[%mul3A_0] : memref<160000xi32, #tpu.memory_space<hbm>> -> memref<10000xi32, #tpu.memory_space<hbm>>
      %dma_wait3A_122 = tpu.memref_slice %arg3[%mul3A_0] : memref<160000xi32, #tpu.memory_space<hbm>> -> memref<10000xi32, #tpu.memory_space<hbm>>
      tpu.wait_dma2 semaphore(%run_scoped3A : memref<!tpu.dma_semaphore, #tpu.memory_space<semaphore_mem>>) src(%dma_wait3A_122 : memref<10000xi32, #tpu.memory_space<hbm>>) dst(%arg7 : memref<10000xi32, #tpu.memory_space<vmem>>)
      tpu.yield
    }) : () -> ()
    %broadcast_in_dim3A = arith.constant 0xFF800000 : f32
    %broadcast_in_dim3A_1 = vector.broadcast %broadcast_in_dim3A : f32 to vector<16xf32>
    %broadcast_in_dim3A_2 = arith.constant 0.000000e+00 : f32
    %broadcast_in_dim3A_3 = vector.broadcast %broadcast_in_dim3A_2 : f32 to vector<16xf32>
    %scan3A = arith.constant 0 : i32
    %scan3A_4 = arith.constant 125 : i32
    %scan3A_5 = arith.addi %scan3A, %scan3A_4 : i32
    %scan3A_6 = arith.constant 1 : i32
    %scan3A_7 = scf.for %scan3A_121 = %scan3A to %scan3A_5 step %scan3A_6 iter_args(%scan3A_122 = %broadcast_in_dim3A_1) -> (vector<16xf32>)  : i32 {
      %mul3A_123 = arith.constant 5 : i32
      %mul3A_124 = arith.muli %scan3A_121, %mul3A_123 : i32
      %add3A = arith.constant 0 : i32
      %add3A_125 = arith.addi %mul3A_124, %add3A : i32
      %mul3A_126 = arith.constant 16 : i32
      %mul3A_127 = arith.muli %add3A_125, %mul3A_126 : i32
      %get3A_128 = arith.index_cast %mul3A_127 : i32 to index
      %get3A_129 = tpu.vector_load %arg6[%get3A_128] {strides = array<i32>} : memref<10000xf32, #tpu.memory_space<vmem>>, vector<16xf32>,
      %max3A_130 = arith.maximumf %scan3A_122, %get3A_129 : vector<16xf32>
      %mul3A_131 = arith.constant 5 : i32
      %mul3A_132 = arith.muli %scan3A_121, %mul3A_131 : i32
      %add3A_133 = arith.constant 1 : i32
      %add3A_134 = arith.addi %mul3A_132, %add3A_133 : i32
      %mul3A_135 = arith.constant 16 : i32
      %mul3A_136 = arith.muli %add3A_134, %mul3A_135 : i32
      %get3A_137 = arith.index_cast %mul3A_136 : i32 to index
      %get3A_138 = tpu.vector_load %arg6[%get3A_137] {strides = array<i32>} : memref<10000xf32, #tpu.memory_space<vmem>>, vector<16xf32>,
      %max3A_139 = arith.maximumf %max3A_130, %get3A_138 : vector<16xf32>
      %mul3A_140 = arith.constant 5 : i32
      %mul3A_141 = arith.muli %scan3A_121, %mul3A_140 : i32
      %add3A_142 = arith.constant 2 : i32
      %add3A_143 = arith.addi %mul3A_141, %add3A_142 : i32
      %mul3A_144 = arith.constant 16 : i32
      %mul3A_145 = arith.muli %add3A_143, %mul3A_144 : i32
      %get3A_146 = arith.index_cast %mul3A_145 : i32 to index
      %get3A_147 = tpu.vector_load %arg6[%get3A_146] {strides = array<i32>} : memref<10000xf32, #tpu.memory_space<vmem>>, vector<16xf32>,
      %max3A_148 = arith.maximumf %max3A_139, %get3A_147 : vector<16xf32>
      %mul3A_149 = arith.constant 5 : i32
      %mul3A_150 = arith.muli %scan3A_121, %mul3A_149 : i32
      %add3A_151 = arith.constant 3 : i32
      %add3A_152 = arith.addi %mul3A_150, %add3A_151 : i32
      %mul3A_153 = arith.constant 16 : i32
      %mul3A_154 = arith.muli %add3A_152, %mul3A_153 : i32
      %get3A_155 = arith.index_cast %mul3A_154 : i32 to index
      %get3A_156 = tpu.vector_load %arg6[%get3A_155] {strides = array<i32>} : memref<10000xf32, #tpu.memory_space<vmem>>, vector<16xf32>,
      %max3A_157 = arith.maximumf %max3A_148, %get3A_156 : vector<16xf32>
      %mul3A_158 = arith.constant 5 : i32
      %mul3A_159 = arith.muli %scan3A_121, %mul3A_158 : i32
      %add3A_160 = arith.constant 4 : i32
      %add3A_161 = arith.addi %mul3A_159, %add3A_160 : i32
      %mul3A_162 = arith.constant 16 : i32
      %mul3A_163 = arith.muli %add3A_161, %mul3A_162 : i32
      %get3A_164 = arith.index_cast %mul3A_163 : i32 to index
      %get3A_165 = tpu.vector_load %arg6[%get3A_164] {strides = array<i32>} : memref<10000xf32, #tpu.memory_space<vmem>>, vector<16xf32>,
      %max3A_166 = arith.maximumf %max3A_157, %get3A_165 : vector<16xf32>
      scf.yield %max3A_166 : vector<16xf32>
    }
    %scan3A_8 = arith.constant 125 : i32
    %swap3A = arith.constant 0 : index
    %swap3A_9 = tpu.vector_load %arg11[%swap3A] {strides = array<i32>} : memref<16xf32, #tpu.memory_space<vmem>>, vector<16xf32>,
    tpu.vector_store %arg11[%swap3A], %scan3A_7 {strides = array<i32>} : memref<16xf32, #tpu.memory_space<vmem>>, vector<16xf32>,
    "tpu.region"() ({
      %run_scoped3A = tpu.sem_alloc : memref<!tpu.dma_semaphore, #tpu.memory_space<semaphore_mem>>
      %dma_start3A = arith.constant 0 : i32
      %dma_start3A_121 = tpu.memref_slice %arg15[%arg1, %dma_start3A] : memref<16x16xf32, #tpu.memory_space<vmem_shared>> -> memref<1x16xf32, #tpu.memory_space<vmem_shared>>
      %dma_start3A_122 = tpu.memref_squeeze %dma_start3A_121 : memref<1x16xf32, #tpu.memory_space<vmem_shared>> -> memref<16xf32, #tpu.memory_space<vmem_shared>>
      %dma_start3A_123 = arith.constant 0 : i32
      %dma_start3A_124 = tpu.memref_slice %arg15[%arg1, %dma_start3A_123] : memref<16x16xf32, #tpu.memory_space<vmem_shared>> -> memref<1x16xf32, #tpu.memory_space<vmem_shared>>
      %dma_start3A_125 = tpu.memref_squeeze %dma_start3A_124 : memref<1x16xf32, #tpu.memory_space<vmem_shared>> -> memref<16xf32, #tpu.memory_space<vmem_shared>>
      tpu.enqueue_dma source(%arg11 : memref<16xf32, #tpu.memory_space<vmem>>) target(%dma_start3A_125 : memref<16xf32, #tpu.memory_space<vmem_shared>>) target_semaphore(%run_scoped3A : memref<!tpu.dma_semaphore, #tpu.memory_space<semaphore_mem>>)
      %dma_wait3A = arith.constant 0 : i32
      %dma_wait3A_126 = tpu.memref_slice %arg15[%arg1, %dma_wait3A] : memref<16x16xf32, #tpu.memory_space<vmem_shared>> -> memref<1x16xf32, #tpu.memory_space<vmem_shared>>
      %dma_wait3A_127 = tpu.memref_squeeze %dma_wait3A_126 : memref<1x16xf32, #tpu.memory_space<vmem_shared>> -> memref<16xf32, #tpu.memory_space<vmem_shared>>
      %dma_wait3A_128 = arith.constant 0 : i32
      %dma_wait3A_129 = tpu.memref_slice %arg15[%arg1, %dma_wait3A_128] : memref<16x16xf32, #tpu.memory_space<vmem_shared>> -> memref<1x16xf32, #tpu.memory_space<vmem_shared>>
      %dma_wait3A_130 = tpu.memref_squeeze %dma_wait3A_129 : memref<1x16xf32, #tpu.memory_space<vmem_shared>> -> memref<16xf32, #tpu.memory_space<vmem_shared>>
      tpu.wait_dma2 semaphore(%run_scoped3A : memref<!tpu.dma_semaphore, #tpu.memory_space<semaphore_mem>>) src(%arg11 : memref<16xf32, #tpu.memory_space<vmem>>) dst(%dma_wait3A_130 : memref<16xf32, #tpu.memory_space<vmem_shared>>)
      tpu.yield
    }) : () -> ()
    %scan3A_10 = arith.constant 0 : i32
    %scan3A_11 = arith.constant 5 : i32
    %scan3A_12 = arith.addi %scan3A_10, %scan3A_11 : i32
    %scan3A_13 = arith.constant 1 : i32
    scf.for %scan3A_121 = %scan3A_10 to %scan3A_12 step %scan3A_13  : i32 {
      %mul3A_122 = arith.constant 8 : i32
      %mul3A_123 = arith.muli %scan3A_121, %mul3A_122 : i32
      %add3A = arith.constant 0 : i32
      %add3A_124 = arith.addi %mul3A_123, %add3A : i32
      %mul3A_125 = arith.constant 16 : i32
      %mul3A_126 = arith.muli %add3A_124, %mul3A_125 : i32
      %swap3A_127 = arith.index_cast %mul3A_126 : i32 to index
      %swap3A_128 = tpu.vector_load %arg10[%swap3A_127] {strides = array<i32>} : memref<640xf32, #tpu.memory_space<vmem>>, vector<16xf32>,
      tpu.vector_store %arg10[%swap3A_127], %broadcast_in_dim3A_3 {strides = array<i32>} : memref<640xf32, #tpu.memory_space<vmem>>, vector<16xf32>,
      %mul3A_129 = arith.constant 8 : i32
      %mul3A_130 = arith.muli %scan3A_121, %mul3A_129 : i32
      %add3A_131 = arith.constant 1 : i32
      %add3A_132 = arith.addi %mul3A_130, %add3A_131 : i32
      %mul3A_133 = arith.constant 16 : i32
      %mul3A_134 = arith.muli %add3A_132, %mul3A_133 : i32
      %swap3A_135 = arith.index_cast %mul3A_134 : i32 to index
      %swap3A_136 = tpu.vector_load %arg10[%swap3A_135] {strides = array<i32>} : memref<640xf32, #tpu.memory_space<vmem>>, vector<16xf32>,
      tpu.vector_store %arg10[%swap3A_135], %broadcast_in_dim3A_3 {strides = array<i32>} : memref<640xf32, #tpu.memory_space<vmem>>, vector<16xf32>,
      %mul3A_137 = arith.constant 8 : i32
      %mul3A_138 = arith.muli %scan3A_121, %mul3A_137 : i32
      %add3A_139 = arith.constant 2 : i32
      %add3A_140 = arith.addi %mul3A_138, %add3A_139 : i32
      %mul3A_141 = arith.constant 16 : i32
      %mul3A_142 = arith.muli %add3A_140, %mul3A_141 : i32
      %swap3A_143 = arith.index_cast %mul3A_142 : i32 to index
      %swap3A_144 = tpu.vector_load %arg10[%swap3A_143] {strides = array<i32>} : memref<640xf32, #tpu.memory_space<vmem>>, vector<16xf32>,
      tpu.vector_store %arg10[%swap3A_143], %broadcast_in_dim3A_3 {strides = array<i32>} : memref<640xf32, #tpu.memory_space<vmem>>, vector<16xf32>,
      %mul3A_145 = arith.constant 8 : i32
      %mul3A_146 = arith.muli %scan3A_121, %mul3A_145 : i32
      %add3A_147 = arith.constant 3 : i32
      %add3A_148 = arith.addi %mul3A_146, %add3A_147 : i32
      %mul3A_149 = arith.constant 16 : i32
      %mul3A_150 = arith.muli %add3A_148, %mul3A_149 : i32
      %swap3A_151 = arith.index_cast %mul3A_150 : i32 to index
      %swap3A_152 = tpu.vector_load %arg10[%swap3A_151] {strides = array<i32>} : memref<640xf32, #tpu.memory_space<vmem>>, vector<16xf32>,
      tpu.vector_store %arg10[%swap3A_151], %broadcast_in_dim3A_3 {strides = array<i32>} : memref<640xf32, #tpu.memory_space<vmem>>, vector<16xf32>,
      %mul3A_153 = arith.constant 8 : i32
      %mul3A_154 = arith.muli %scan3A_121, %mul3A_153 : i32
      %add3A_155 = arith.constant 4 : i32
      %add3A_156 = arith.addi %mul3A_154, %add3A_155 : i32
      %mul3A_157 = arith.constant 16 : i32
      %mul3A_158 = arith.muli %add3A_156, %mul3A_157 : i32
      %swap3A_159 = arith.index_cast %mul3A_158 : i32 to index
      %swap3A_160 = tpu.vector_load %arg10[%swap3A_159] {strides = array<i32>} : memref<640xf32, #tpu.memory_space<vmem>>, vector<16xf32>,
      tpu.vector_store %arg10[%swap3A_159], %broadcast_in_dim3A_3 {strides = array<i32>} : memref<640xf32, #tpu.memory_space<vmem>>, vector<16xf32>,
      %mul3A_161 = arith.constant 8 : i32
      %mul3A_162 = arith.muli %scan3A_121, %mul3A_161 : i32
      %add3A_163 = arith.constant 5 : i32
      %add3A_164 = arith.addi %mul3A_162, %add3A_163 : i32
      %mul3A_165 = arith.constant 16 : i32
      %mul3A_166 = arith.muli %add3A_164, %mul3A_165 : i32
      %swap3A_167 = arith.index_cast %mul3A_166 : i32 to index
      %swap3A_168 = tpu.vector_load %arg10[%swap3A_167] {strides = array<i32>} : memref<640xf32, #tpu.memory_space<vmem>>, vector<16xf32>,
      tpu.vector_store %arg10[%swap3A_167], %broadcast_in_dim3A_3 {strides = array<i32>} : memref<640xf32, #tpu.memory_space<vmem>>, vector<16xf32>,
      %mul3A_169 = arith.constant 8 : i32
      %mul3A_170 = arith.muli %scan3A_121, %mul3A_169 : i32
      %add3A_171 = arith.constant 6 : i32
      %add3A_172 = arith.addi %mul3A_170, %add3A_171 : i32
      %mul3A_173 = arith.constant 16 : i32
      %mul3A_174 = arith.muli %add3A_172, %mul3A_173 : i32
      %swap3A_175 = arith.index_cast %mul3A_174 : i32 to index
      %swap3A_176 = tpu.vector_load %arg10[%swap3A_175] {strides = array<i32>} : memref<640xf32, #tpu.memory_space<vmem>>, vector<16xf32>,
      tpu.vector_store %arg10[%swap3A_175], %broadcast_in_dim3A_3 {strides = array<i32>} : memref<640xf32, #tpu.memory_space<vmem>>, vector<16xf32>,
      %mul3A_177 = arith.constant 8 : i32
      %mul3A_178 = arith.muli %scan3A_121, %mul3A_177 : i32
      %add3A_179 = arith.constant 7 : i32
      %add3A_180 = arith.addi %mul3A_178, %add3A_179 : i32
      %mul3A_181 = arith.constant 16 : i32
      %mul3A_182 = arith.muli %add3A_180, %mul3A_181 : i32
      %swap3A_183 = arith.index_cast %mul3A_182 : i32 to index
      %swap3A_184 = tpu.vector_load %arg10[%swap3A_183] {strides = array<i32>} : memref<640xf32, #tpu.memory_space<vmem>>, vector<16xf32>,
      tpu.vector_store %arg10[%swap3A_183], %broadcast_in_dim3A_3 {strides = array<i32>} : memref<640xf32, #tpu.memory_space<vmem>>, vector<16xf32>,
    }
    %scan3A_14 = arith.constant 5 : i32
    %mul3A_15 = arith.constant 640 : i32
    %mul3A_16 = arith.muli %arg1, %mul3A_15 : i32
    "tpu.region"() ({
      %run_scoped3A = tpu.sem_alloc : memref<!tpu.dma_semaphore, #tpu.memory_space<semaphore_mem>>
      %dma_start3A = tpu.memref_slice %arg16[%mul3A_16] : memref<10240xf32, #tpu.memory_space<vmem_shared>> -> memref<640xf32, #tpu.memory_space<vmem_shared>>
      %dma_start3A_121 = tpu.memref_slice %arg16[%mul3A_16] : memref<10240xf32, #tpu.memory_space<vmem_shared>> -> memref<640xf32, #tpu.memory_space<vmem_shared>>
      tpu.enqueue_dma source(%arg10 : memref<640xf32, #tpu.memory_space<vmem>>) target(%dma_start3A_121 : memref<640xf32, #tpu.memory_space<vmem_shared>>) target_semaphore(%run_scoped3A : memref<!tpu.dma_semaphore, #tpu.memory_space<semaphore_mem>>)
      %dma_wait3A = tpu.memref_slice %arg16[%mul3A_16] : memref<10240xf32, #tpu.memory_space<vmem_shared>> -> memref<640xf32, #tpu.memory_space<vmem_shared>>
      %dma_wait3A_122 = tpu.memref_slice %arg16[%mul3A_16] : memref<10240xf32, #tpu.memory_space<vmem_shared>> -> memref<640xf32, #tpu.memory_space<vmem_shared>>
      tpu.wait_dma2 semaphore(%run_scoped3A : memref<!tpu.dma_semaphore, #tpu.memory_space<semaphore_mem>>) src(%arg10 : memref<640xf32, #tpu.memory_space<vmem>>) dst(%dma_wait3A_122 : memref<640xf32, #tpu.memory_space<vmem_shared>>)
      tpu.yield
    }) : () -> ()
    %barrier3A = arith.constant 0 : index
    tpu.barrier barrier_id(%barrier3A)
    "tpu.region"() ({
      %run_scoped3A = tpu.sem_alloc : memref<!tpu.dma_semaphore, #tpu.memory_space<semaphore_mem>>
      tpu.enqueue_dma source(%arg15 : memref<16x16xf32, #tpu.memory_space<vmem_shared>>) target(%arg14 : memref<16x16xf32, #tpu.memory_space<vmem>>) target_semaphore(%run_scoped3A : memref<!tpu.dma_semaphore, #tpu.memory_space<semaphore_mem>>)
      tpu.wait_dma2 semaphore(%run_scoped3A : memref<!tpu.dma_semaphore, #tpu.memory_space<semaphore_mem>>) src(%arg15 : memref<16x16xf32, #tpu.memory_space<vmem_shared>>) dst(%arg14 : memref<16x16xf32, #tpu.memory_space<vmem>>)
      tpu.yield
    }) : () -> ()
    %get3A = arith.constant 0 : i32
    %get3A_17 = arith.index_cast %get3A : i32 to index
    %get3A_18 = arith.constant 0 : index
    %get3A_19 = tpu.vector_load %arg14[%get3A_17, %get3A_18] {strides = array<i32>} : memref<16x16xf32, #tpu.memory_space<vmem>>, vector<16xf32>,
    %max3A = arith.maximumf %broadcast_in_dim3A_1, %get3A_19 : vector<16xf32>
    %get3A_20 = arith.constant 1 : i32
    %get3A_21 = arith.index_cast %get3A_20 : i32 to index
    %get3A_22 = arith.constant 0 : index
    %get3A_23 = tpu.vector_load %arg14[%get3A_21, %get3A_22] {strides = array<i32>} : memref<16x16xf32, #tpu.memory_space<vmem>>, vector<16xf32>,
    %max3A_24 = arith.maximumf %max3A, %get3A_23 : vector<16xf32>
    %get3A_25 = arith.constant 2 : i32
    %get3A_26 = arith.index_cast %get3A_25 : i32 to index
    %get3A_27 = arith.constant 0 : index
    %get3A_28 = tpu.vector_load %arg14[%get3A_26, %get3A_27] {strides = array<i32>} : memref<16x16xf32, #tpu.memory_space<vmem>>, vector<16xf32>,
    %max3A_29 = arith.maximumf %max3A_24, %get3A_28 : vector<16xf32>
    %get3A_30 = arith.constant 3 : i32
    %get3A_31 = arith.index_cast %get3A_30 : i32 to index
    %get3A_32 = arith.constant 0 : index
    %get3A_33 = tpu.vector_load %arg14[%get3A_31, %get3A_32] {strides = array<i32>} : memref<16x16xf32, #tpu.memory_space<vmem>>, vector<16xf32>,
    %max3A_34 = arith.maximumf %max3A_29, %get3A_33 : vector<16xf32>
    %get3A_35 = arith.constant 4 : i32
    %get3A_36 = arith.index_cast %get3A_35 : i32 to index
    %get3A_37 = arith.constant 0 : index
    %get3A_38 = tpu.vector_load %arg14[%get3A_36, %get3A_37] {strides = array<i32>} : memref<16x16xf32, #tpu.memory_space<vmem>>, vector<16xf32>,
    %max3A_39 = arith.maximumf %max3A_34, %get3A_38 : vector<16xf32>
    %get3A_40 = arith.constant 5 : i32
    %get3A_41 = arith.index_cast %get3A_40 : i32 to index
    %get3A_42 = arith.constant 0 : index
    %get3A_43 = tpu.vector_load %arg14[%get3A_41, %get3A_42] {strides = array<i32>} : memref<16x16xf32, #tpu.memory_space<vmem>>, vector<16xf32>,
    %max3A_44 = arith.maximumf %max3A_39, %get3A_43 : vector<16xf32>
    %get3A_45 = arith.constant 6 : i32
    %get3A_46 = arith.index_cast %get3A_45 : i32 to index
    %get3A_47 = arith.constant 0 : index
    %get3A_48 = tpu.vector_load %arg14[%get3A_46, %get3A_47] {strides = array<i32>} : memref<16x16xf32, #tpu.memory_space<vmem>>, vector<16xf32>,
    %max3A_49 = arith.maximumf %max3A_44, %get3A_48 : vector<16xf32>
    %get3A_50 = arith.constant 7 : i32
    %get3A_51 = arith.index_cast %get3A_50 : i32 to index
    %get3A_52 = arith.constant 0 : index
    %get3A_53 = tpu.vector_load %arg14[%get3A_51, %get3A_52] {strides = array<i32>} : memref<16x16xf32, #tpu.memory_space<vmem>>, vector<16xf32>,
    %max3A_54 = arith.maximumf %max3A_49, %get3A_53 : vector<16xf32>
    %get3A_55 = arith.constant 8 : i32
    %get3A_56 = arith.index_cast %get3A_55 : i32 to index
    %get3A_57 = arith.constant 0 : index
    %get3A_58 = tpu.vector_load %arg14[%get3A_56, %get3A_57] {strides = array<i32>} : memref<16x16xf32, #tpu.memory_space<vmem>>, vector<16xf32>,
    %max3A_59 = arith.maximumf %max3A_54, %get3A_58 : vector<16xf32>
    %get3A_60 = arith.constant 9 : i32
    %get3A_61 = arith.index_cast %get3A_60 : i32 to index
    %get3A_62 = arith.constant 0 : index
    %get3A_63 = tpu.vector_load %arg14[%get3A_61, %get3A_62] {strides = array<i32>} : memref<16x16xf32, #tpu.memory_space<vmem>>, vector<16xf32>,
    %max3A_64 = arith.maximumf %max3A_59, %get3A_63 : vector<16xf32>
    %get3A_65 = arith.constant 10 : i32
    %get3A_66 = arith.index_cast %get3A_65 : i32 to index
    %get3A_67 = arith.constant 0 : index
    %get3A_68 = tpu.vector_load %arg14[%get3A_66, %get3A_67] {strides = array<i32>} : memref<16x16xf32, #tpu.memory_space<vmem>>, vector<16xf32>,
    %max3A_69 = arith.maximumf %max3A_64, %get3A_68 : vector<16xf32>
    %get3A_70 = arith.constant 11 : i32
    %get3A_71 = arith.index_cast %get3A_70 : i32 to index
    %get3A_72 = arith.constant 0 : index
    %get3A_73 = tpu.vector_load %arg14[%get3A_71, %get3A_72] {strides = array<i32>} : memref<16x16xf32, #tpu.memory_space<vmem>>, vector<16xf32>,
    %max3A_74 = arith.maximumf %max3A_69, %get3A_73 : vector<16xf32>
    %get3A_75 = arith.constant 12 : i32
    %get3A_76 = arith.index_cast %get3A_75 : i32 to index
    %get3A_77 = arith.constant 0 : index
    %get3A_78 = tpu.vector_load %arg14[%get3A_76, %get3A_77] {strides = array<i32>} : memref<16x16xf32, #tpu.memory_space<vmem>>, vector<16xf32>,
    %max3A_79 = arith.maximumf %max3A_74, %get3A_78 : vector<16xf32>
    %get3A_80 = arith.constant 13 : i32
    %get3A_81 = arith.index_cast %get3A_80 : i32 to index
    %get3A_82 = arith.constant 0 : index
    %get3A_83 = tpu.vector_load %arg14[%get3A_81, %get3A_82] {strides = array<i32>} : memref<16x16xf32, #tpu.memory_space<vmem>>, vector<16xf32>,
    %max3A_84 = arith.maximumf %max3A_79, %get3A_83 : vector<16xf32>
    %get3A_85 = arith.constant 14 : i32
    %get3A_86 = arith.index_cast %get3A_85 : i32 to index
    %get3A_87 = arith.constant 0 : index
    %get3A_88 = tpu.vector_load %arg14[%get3A_86, %get3A_87] {strides = array<i32>} : memref<16x16xf32, #tpu.memory_space<vmem>>, vector<16xf32>,
    %max3A_89 = arith.maximumf %max3A_84, %get3A_88 : vector<16xf32>
    %get3A_90 = arith.constant 15 : i32
    %get3A_91 = arith.index_cast %get3A_90 : i32 to index
    %get3A_92 = arith.constant 0 : index
    %get3A_93 = tpu.vector_load %arg14[%get3A_91, %get3A_92] {strides = array<i32>} : memref<16x16xf32, #tpu.memory_space<vmem>>, vector<16xf32>,
    %max3A_94 = arith.maximumf %max3A_89, %get3A_93 : vector<16xf32>
    %reduce_max3A = arith.constant true
    %reduce_max3A_95 = vector.broadcast %reduce_max3A : i1 to vector<16xi1>
    %reduce_max3A_96 = tpu.scan <max>, %max3A_94 masked %reduce_max3A_95 : vector<16xf32>, vector<16xi1> -> vector<16xf32>
    %reduce_max3A_97 = vector.extract %reduce_max3A_96[15] : f32 from vector<16xf32>
    %scan3A_98 = arith.constant 0 : i32
    %scan3A_99 = arith.constant 125 : i32
    %scan3A_100 = arith.addi %scan3A_98, %scan3A_99 : i32
    %scan3A_101 = arith.constant 1 : i32
    scf.for %scan3A_121 = %scan3A_98 to %scan3A_100 step %scan3A_101  : i32 {
      %mul3A_122 = arith.constant 5 : i32
      %mul3A_123 = arith.muli %scan3A_121, %mul3A_122 : i32
      %add3A = arith.constant 0 : i32
      %add3A_124 = arith.addi %mul3A_123, %add3A : i32
      %mul3A_125 = arith.constant 16 : i32
      %mul3A_126 = arith.muli %add3A_124, %mul3A_125 : i32
      %get3A_127 = arith.index_cast %mul3A_126 : i32 to index
      %get3A_128 = tpu.vector_load %arg6[%get3A_127] {strides = array<i32>} : memref<10000xf32, #tpu.memory_space<vmem>>, vector<16xf32>,
      %sub3A = vector.broadcast %reduce_max3A_97 : f32 to vector<16xf32>
      %sub3A_129 = arith.subf %get3A_128, %sub3A : vector<16xf32>
      %exp3A = math.exp %sub3A_129 : vector<16xf32>
      %swap3A_130 = arith.index_cast %mul3A_126 : i32 to index
      %swap3A_131 = tpu.vector_load %arg8[%swap3A_130] {strides = array<i32>} : memref<10000xf32, #tpu.memory_space<vmem>>, vector<16xf32>,
      tpu.vector_store %arg8[%swap3A_130], %exp3A {strides = array<i32>} : memref<10000xf32, #tpu.memory_space<vmem>>, vector<16xf32>,
      %mul3A_132 = arith.constant 5 : i32
      %mul3A_133 = arith.muli %scan3A_121, %mul3A_132 : i32
      %add3A_134 = arith.constant 1 : i32
      %add3A_135 = arith.addi %mul3A_133, %add3A_134 : i32
      %mul3A_136 = arith.constant 16 : i32
      %mul3A_137 = arith.muli %add3A_135, %mul3A_136 : i32
      %get3A_138 = arith.index_cast %mul3A_137 : i32 to index
      %get3A_139 = tpu.vector_load %arg6[%get3A_138] {strides = array<i32>} : memref<10000xf32, #tpu.memory_space<vmem>>, vector<16xf32>,
      %sub3A_140 = vector.broadcast %reduce_max3A_97 : f32 to vector<16xf32>
      %sub3A_141 = arith.subf %get3A_139, %sub3A_140 : vector<16xf32>
      %exp3A_142 = math.exp %sub3A_141 : vector<16xf32>
      %swap3A_143 = arith.index_cast %mul3A_137 : i32 to index
      %swap3A_144 = tpu.vector_load %arg8[%swap3A_143] {strides = array<i32>} : memref<10000xf32, #tpu.memory_space<vmem>>, vector<16xf32>,
      tpu.vector_store %arg8[%swap3A_143], %exp3A_142 {strides = array<i32>} : memref<10000xf32, #tpu.memory_space<vmem>>, vector<16xf32>,
      %mul3A_145 = arith.constant 5 : i32
      %mul3A_146 = arith.muli %scan3A_121, %mul3A_145 : i32
      %add3A_147 = arith.constant 2 : i32
      %add3A_148 = arith.addi %mul3A_146, %add3A_147 : i32
      %mul3A_149 = arith.constant 16 : i32
      %mul3A_150 = arith.muli %add3A_148, %mul3A_149 : i32
      %get3A_151 = arith.index_cast %mul3A_150 : i32 to index
      %get3A_152 = tpu.vector_load %arg6[%get3A_151] {strides = array<i32>} : memref<10000xf32, #tpu.memory_space<vmem>>, vector<16xf32>,
      %sub3A_153 = vector.broadcast %reduce_max3A_97 : f32 to vector<16xf32>
      %sub3A_154 = arith.subf %get3A_152, %sub3A_153 : vector<16xf32>
      %exp3A_155 = math.exp %sub3A_154 : vector<16xf32>
      %swap3A_156 = arith.index_cast %mul3A_150 : i32 to index
      %swap3A_157 = tpu.vector_load %arg8[%swap3A_156] {strides = array<i32>} : memref<10000xf32, #tpu.memory_space<vmem>>, vector<16xf32>,
      tpu.vector_store %arg8[%swap3A_156], %exp3A_155 {strides = array<i32>} : memref<10000xf32, #tpu.memory_space<vmem>>, vector<16xf32>,
      %mul3A_158 = arith.constant 5 : i32
      %mul3A_159 = arith.muli %scan3A_121, %mul3A_158 : i32
      %add3A_160 = arith.constant 3 : i32
      %add3A_161 = arith.addi %mul3A_159, %add3A_160 : i32
      %mul3A_162 = arith.constant 16 : i32
      %mul3A_163 = arith.muli %add3A_161, %mul3A_162 : i32
      %get3A_164 = arith.index_cast %mul3A_163 : i32 to index
      %get3A_165 = tpu.vector_load %arg6[%get3A_164] {strides = array<i32>} : memref<10000xf32, #tpu.memory_space<vmem>>, vector<16xf32>,
      %sub3A_166 = vector.broadcast %reduce_max3A_97 : f32 to vector<16xf32>
      %sub3A_167 = arith.subf %get3A_165, %sub3A_166 : vector<16xf32>
      %exp3A_168 = math.exp %sub3A_167 : vector<16xf32>
      %swap3A_169 = arith.index_cast %mul3A_163 : i32 to index
      %swap3A_170 = tpu.vector_load %arg8[%swap3A_169] {strides = array<i32>} : memref<10000xf32, #tpu.memory_space<vmem>>, vector<16xf32>,
      tpu.vector_store %arg8[%swap3A_169], %exp3A_168 {strides = array<i32>} : memref<10000xf32, #tpu.memory_space<vmem>>, vector<16xf32>,
      %mul3A_171 = arith.constant 5 : i32
      %mul3A_172 = arith.muli %scan3A_121, %mul3A_171 : i32
      %add3A_173 = arith.constant 4 : i32
      %add3A_174 = arith.addi %mul3A_172, %add3A_173 : i32
      %mul3A_175 = arith.constant 16 : i32
      %mul3A_176 = arith.muli %add3A_174, %mul3A_175 : i32
      %get3A_177 = arith.index_cast %mul3A_176 : i32 to index
      %get3A_178 = tpu.vector_load %arg6[%get3A_177] {strides = array<i32>} : memref<10000xf32, #tpu.memory_space<vmem>>, vector<16xf32>,
      %sub3A_179 = vector.broadcast %reduce_max3A_97 : f32 to vector<16xf32>
      %sub3A_180 = arith.subf %get3A_178, %sub3A_179 : vector<16xf32>
      %exp3A_181 = math.exp %sub3A_180 : vector<16xf32>
      %swap3A_182 = arith.index_cast %mul3A_176 : i32 to index
      %swap3A_183 = tpu.vector_load %arg8[%swap3A_182] {strides = array<i32>} : memref<10000xf32, #tpu.memory_space<vmem>>, vector<16xf32>,
      tpu.vector_store %arg8[%swap3A_182], %exp3A_181 {strides = array<i32>} : memref<10000xf32, #tpu.memory_space<vmem>>, vector<16xf32>,
    }
    %scan3A_102 = arith.constant 125 : i32
    "tpu.region"() ({
      %run_scoped3A = tpu.sem_alloc : memref<!tpu.dma_semaphore, #tpu.memory_space<semaphore_mem>>
      %dma_start3A = arith.constant 0 : i32
      %dma_start3A_121 = tpu.memref_slice %arg16[%dma_start3A] : memref<10240xf32, #tpu.memory_space<vmem_shared>> -> memref<10240xf32, #tpu.memory_space<vmem_shared>>
      tpu.enqueue_indirect_dma source(%arg8 : memref<10000xf32, #tpu.memory_space<vmem>>) target(%dma_start3A_121 : memref<10240xf32, #tpu.memory_space<vmem_shared>>) offsets(%arg7 : memref<10000xi32, #tpu.memory_space<vmem>>) semaphore(%run_scoped3A : memref<!tpu.dma_semaphore, #tpu.memory_space<semaphore_mem>>) {add = true}
      %dma_wait3A = arith.constant 0 : i32
      %dma_wait3A_122 = tpu.memref_slice %arg16[%dma_wait3A] : memref<10240xf32, #tpu.memory_space<vmem_shared>> -> memref<10240xf32, #tpu.memory_space<vmem_shared>>
      tpu.wait_indirect_dma semaphore(%run_scoped3A : memref<!tpu.dma_semaphore, #tpu.memory_space<semaphore_mem>>) src(%arg8 : memref<10000xf32, #tpu.memory_space<vmem>>) dst(%dma_wait3A_122 : memref<10240xf32, #tpu.memory_space<vmem_shared>>)
      tpu.yield
    }) : () -> ()
    %barrier3A_103 = arith.constant 0 : index
    tpu.barrier barrier_id(%barrier3A_103)
    "tpu.region"() ({
      %run_scoped3A = tpu.sem_alloc : memref<!tpu.dma_semaphore, #tpu.memory_space<semaphore_mem>>
      tpu.enqueue_dma source(%arg16 : memref<10240xf32, #tpu.memory_space<vmem_shared>>) target(%arg9 : memref<10240xf32, #tpu.memory_space<vmem>>) target_semaphore(%run_scoped3A : memref<!tpu.dma_semaphore, #tpu.memory_space<semaphore_mem>>)
      tpu.wait_dma2 semaphore(%run_scoped3A : memref<!tpu.dma_semaphore, #tpu.memory_space<semaphore_mem>>) src(%arg16 : memref<10240xf32, #tpu.memory_space<vmem_shared>>) dst(%arg9 : memref<10240xf32, #tpu.memory_space<vmem>>)
      tpu.yield
    }) : () -> ()
    %broadcast_in_dim3A_104 = arith.constant 0.000000e+00 : f32
    %broadcast_in_dim3A_105 = vector.broadcast %broadcast_in_dim3A_104 : f32 to vector<16xf32>
    %broadcast_in_dim3A_106 = arith.constant false
    %broadcast_in_dim3A_107 = vector.broadcast %broadcast_in_dim3A_106 : i1 to vector<16xi1>
    %scan3A_108 = arith.constant 0 : i32
    %scan3A_109 = arith.constant 125 : i32
    %scan3A_110 = arith.addi %scan3A_108, %scan3A_109 : i32
    %scan3A_111 = arith.constant 1 : i32
    %scan3A_112:2 = scf.for %scan3A_121 = %scan3A_108 to %scan3A_110 step %scan3A_111 iter_args(%scan3A_122 = %broadcast_in_dim3A_105, %scan3A_123 = %broadcast_in_dim3A_107) -> (vector<16xf32>, vector<16xi1>)  : i32 {
      %mul3A_124 = arith.constant 5 : i32
      %mul3A_125 = arith.muli %scan3A_121, %mul3A_124 : i32
      %add3A = arith.constant 0 : i32
      %add3A_126 = arith.addi %mul3A_125, %add3A : i32
      %mul3A_127 = arith.constant 16 : i32
      %mul3A_128 = arith.muli %add3A_126, %mul3A_127 : i32
      %get3A_129 = arith.index_cast %mul3A_128 : i32 to index
      %get3A_130 = tpu.vector_load %arg7[%get3A_129] {strides = array<i32>} : memref<10000xi32, #tpu.memory_space<vmem>>, vector<16xi32>,
      %get3A_131 = arith.index_cast %mul3A_128 : i32 to index
      %get3A_132 = tpu.vector_load %arg8[%get3A_131] {strides = array<i32>} : memref<10000xf32, #tpu.memory_space<vmem>>, vector<16xf32>,
      %gather3A = tpu.vector_load_idx %arg9[%get3A_130] : memref<10240xf32, #tpu.memory_space<vmem>>[vector<16xi32>], vector<16xf32>,
      %gt3A = arith.constant 0.000000e+00 : f32
      %gt3A_133 = vector.broadcast %gt3A : f32 to vector<16xf32>
      %gt3A_134 = arith.cmpf ogt, %gather3A, %gt3A_133 : vector<16xf32>
      %div3A = arith.divf %get3A_132, %gather3A : vector<16xf32>
      %jit3A_135 = arith.constant 0.000000e+00 : f32
      %broadcast_in_dim3A_136 = vector.broadcast %jit3A_135 : f32 to vector<16xf32>
      %select_n3A_137 = arith.select %gt3A_134, %div3A, %broadcast_in_dim3A_136 : vector<16xi1>, vector<16xf32>
      %add3A_138 = arith.addf %scan3A_122, %select_n3A_137 : vector<16xf32>
      %not3A = arith.constant dense<true> : vector<16xi1>
      %not3A_139 = arith.xori %gt3A_134, %not3A : vector<16xi1>
      %or3A = arith.ori %scan3A_123, %not3A_139 : vector<16xi1>
      %mul3A_140 = arith.constant 5 : i32
      %mul3A_141 = arith.muli %scan3A_121, %mul3A_140 : i32
      %add3A_142 = arith.constant 1 : i32
      %add3A_143 = arith.addi %mul3A_141, %add3A_142 : i32
      %mul3A_144 = arith.constant 16 : i32
      %mul3A_145 = arith.muli %add3A_143, %mul3A_144 : i32
      %get3A_146 = arith.index_cast %mul3A_145 : i32 to index
      %get3A_147 = tpu.vector_load %arg7[%get3A_146] {strides = array<i32>} : memref<10000xi32, #tpu.memory_space<vmem>>, vector<16xi32>,
      %get3A_148 = arith.index_cast %mul3A_145 : i32 to index
      %get3A_149 = tpu.vector_load %arg8[%get3A_148] {strides = array<i32>} : memref<10000xf32, #tpu.memory_space<vmem>>, vector<16xf32>,
      %gather3A_150 = tpu.vector_load_idx %arg9[%get3A_147] : memref<10240xf32, #tpu.memory_space<vmem>>[vector<16xi32>], vector<16xf32>,
      %gt3A_151 = arith.constant 0.000000e+00 : f32
      %gt3A_152 = vector.broadcast %gt3A_151 : f32 to vector<16xf32>
      %gt3A_153 = arith.cmpf ogt, %gather3A_150, %gt3A_152 : vector<16xf32>
      %div3A_154 = arith.divf %get3A_149, %gather3A_150 : vector<16xf32>
      %jit3A_155 = arith.constant 0.000000e+00 : f32
      %broadcast_in_dim3A_156 = vector.broadcast %jit3A_155 : f32 to vector<16xf32>
      %select_n3A_157 = arith.select %gt3A_153, %div3A_154, %broadcast_in_dim3A_156 : vector<16xi1>, vector<16xf32>
      %add3A_158 = arith.addf %add3A_138, %select_n3A_157 : vector<16xf32>
      %not3A_159 = arith.constant dense<true> : vector<16xi1>
      %not3A_160 = arith.xori %gt3A_153, %not3A_159 : vector<16xi1>
      %or3A_161 = arith.ori %or3A, %not3A_160 : vector<16xi1>
      %mul3A_162 = arith.constant 5 : i32
      %mul3A_163 = arith.muli %scan3A_121, %mul3A_162 : i32
      %add3A_164 = arith.constant 2 : i32
      %add3A_165 = arith.addi %mul3A_163, %add3A_164 : i32
      %mul3A_166 = arith.constant 16 : i32
      %mul3A_167 = arith.muli %add3A_165, %mul3A_166 : i32
      %get3A_168 = arith.index_cast %mul3A_167 : i32 to index
      %get3A_169 = tpu.vector_load %arg7[%get3A_168] {strides = array<i32>} : memref<10000xi32, #tpu.memory_space<vmem>>, vector<16xi32>,
      %get3A_170 = arith.index_cast %mul3A_167 : i32 to index
      %get3A_171 = tpu.vector_load %arg8[%get3A_170] {strides = array<i32>} : memref<10000xf32, #tpu.memory_space<vmem>>, vector<16xf32>,
      %gather3A_172 = tpu.vector_load_idx %arg9[%get3A_169] : memref<10240xf32, #tpu.memory_space<vmem>>[vector<16xi32>], vector<16xf32>,
      %gt3A_173 = arith.constant 0.000000e+00 : f32
      %gt3A_174 = vector.broadcast %gt3A_173 : f32 to vector<16xf32>
      %gt3A_175 = arith.cmpf ogt, %gather3A_172, %gt3A_174 : vector<16xf32>
      %div3A_176 = arith.divf %get3A_171, %gather3A_172 : vector<16xf32>
      %jit3A_177 = arith.constant 0.000000e+00 : f32
      %broadcast_in_dim3A_178 = vector.broadcast %jit3A_177 : f32 to vector<16xf32>
      %select_n3A_179 = arith.select %gt3A_175, %div3A_176, %broadcast_in_dim3A_178 : vector<16xi1>, vector<16xf32>
      %add3A_180 = arith.addf %add3A_158, %select_n3A_179 : vector<16xf32>
      %not3A_181 = arith.constant dense<true> : vector<16xi1>
      %not3A_182 = arith.xori %gt3A_175, %not3A_181 : vector<16xi1>
      %or3A_183 = arith.ori %or3A_161, %not3A_182 : vector<16xi1>
      %mul3A_184 = arith.constant 5 : i32
      %mul3A_185 = arith.muli %scan3A_121, %mul3A_184 : i32
      %add3A_186 = arith.constant 3 : i32
      %add3A_187 = arith.addi %mul3A_185, %add3A_186 : i32
      %mul3A_188 = arith.constant 16 : i32
      %mul3A_189 = arith.muli %add3A_187, %mul3A_188 : i32
      %get3A_190 = arith.index_cast %mul3A_189 : i32 to index
      %get3A_191 = tpu.vector_load %arg7[%get3A_190] {strides = array<i32>} : memref<10000xi32, #tpu.memory_space<vmem>>, vector<16xi32>,
      %get3A_192 = arith.index_cast %mul3A_189 : i32 to index
      %get3A_193 = tpu.vector_load %arg8[%get3A_192] {strides = array<i32>} : memref<10000xf32, #tpu.memory_space<vmem>>, vector<16xf32>,
      %gather3A_194 = tpu.vector_load_idx %arg9[%get3A_191] : memref<10240xf32, #tpu.memory_space<vmem>>[vector<16xi32>], vector<16xf32>,
      %gt3A_195 = arith.constant 0.000000e+00 : f32
      %gt3A_196 = vector.broadcast %gt3A_195 : f32 to vector<16xf32>
      %gt3A_197 = arith.cmpf ogt, %gather3A_194, %gt3A_196 : vector<16xf32>
      %div3A_198 = arith.divf %get3A_193, %gather3A_194 : vector<16xf32>
      %jit3A_199 = arith.constant 0.000000e+00 : f32
      %broadcast_in_dim3A_200 = vector.broadcast %jit3A_199 : f32 to vector<16xf32>
      %select_n3A_201 = arith.select %gt3A_197, %div3A_198, %broadcast_in_dim3A_200 : vector<16xi1>, vector<16xf32>
      %add3A_202 = arith.addf %add3A_180, %select_n3A_201 : vector<16xf32>
      %not3A_203 = arith.constant dense<true> : vector<16xi1>
      %not3A_204 = arith.xori %gt3A_197, %not3A_203 : vector<16xi1>
      %or3A_205 = arith.ori %or3A_183, %not3A_204 : vector<16xi1>
      %mul3A_206 = arith.constant 5 : i32
      %mul3A_207 = arith.muli %scan3A_121, %mul3A_206 : i32
      %add3A_208 = arith.constant 4 : i32
      %add3A_209 = arith.addi %mul3A_207, %add3A_208 : i32
      %mul3A_210 = arith.constant 16 : i32
      %mul3A_211 = arith.muli %add3A_209, %mul3A_210 : i32
      %get3A_212 = arith.index_cast %mul3A_211 : i32 to index
      %get3A_213 = tpu.vector_load %arg7[%get3A_212] {strides = array<i32>} : memref<10000xi32, #tpu.memory_space<vmem>>, vector<16xi32>,
      %get3A_214 = arith.index_cast %mul3A_211 : i32 to index
      %get3A_215 = tpu.vector_load %arg8[%get3A_214] {strides = array<i32>} : memref<10000xf32, #tpu.memory_space<vmem>>, vector<16xf32>,
      %gather3A_216 = tpu.vector_load_idx %arg9[%get3A_213] : memref<10240xf32, #tpu.memory_space<vmem>>[vector<16xi32>], vector<16xf32>,
      %gt3A_217 = arith.constant 0.000000e+00 : f32
      %gt3A_218 = vector.broadcast %gt3A_217 : f32 to vector<16xf32>
      %gt3A_219 = arith.cmpf ogt, %gather3A_216, %gt3A_218 : vector<16xf32>
      %div3A_220 = arith.divf %get3A_215, %gather3A_216 : vector<16xf32>
      %jit3A_221 = arith.constant 0.000000e+00 : f32
      %broadcast_in_dim3A_222 = vector.broadcast %jit3A_221 : f32 to vector<16xf32>
      %select_n3A_223 = arith.select %gt3A_219, %div3A_220, %broadcast_in_dim3A_222 : vector<16xi1>, vector<16xf32>
      %add3A_224 = arith.addf %add3A_202, %select_n3A_223 : vector<16xf32>
      %not3A_225 = arith.constant dense<true> : vector<16xi1>
      %not3A_226 = arith.xori %gt3A_219, %not3A_225 : vector<16xi1>
      %or3A_227 = arith.ori %or3A_205, %not3A_226 : vector<16xi1>
      scf.yield %add3A_224, %or3A_227 : vector<16xf32>, vector<16xi1>
    }
    %scan3A_113 = arith.constant 125 : i32
    %swap3A_114 = arith.constant 0 : index
    %swap3A_115 = tpu.vector_load %arg12[%swap3A_114] {strides = array<i32>} : memref<16xf32, #tpu.memory_space<vmem>>, vector<16xf32>,
    tpu.vector_store %arg12[%swap3A_114], %scan3A_112#0 {strides = array<i32>} : memref<16xf32, #tpu.memory_space<vmem>>, vector<16xf32>,
    %jit3A = arith.constant 1.000000e+00 : f32
    %jit3A_116 = arith.constant 0.000000e+00 : f32
    %broadcast_in_dim3A_117 = vector.broadcast %jit3A : f32 to vector<16xf32>
    %broadcast_in_dim3A_118 = vector.broadcast %jit3A_116 : f32 to vector<16xf32>
    %select_n3A = arith.select %scan3A_112#1, %broadcast_in_dim3A_117, %broadcast_in_dim3A_118 : vector<16xi1>, vector<16xf32>
    %swap3A_119 = arith.constant 0 : index
    %swap3A_120 = tpu.vector_load %arg13[%swap3A_119] {strides = array<i32>} : memref<16xf32, #tpu.memory_space<vmem>>, vector<16xf32>,
    tpu.vector_store %arg13[%swap3A_119], %select_n3A {strides = array<i32>} : memref<16xf32, #tpu.memory_space<vmem>>, vector<16xf32>,
    "tpu.region"() ({
      %run_scoped3A = tpu.sem_alloc : memref<!tpu.dma_semaphore, #tpu.memory_space<semaphore_mem>>
      %dma_start3A = arith.constant 0 : i32
      %dma_start3A_121 = tpu.memref_slice %arg4[%arg1, %dma_start3A] : memref<16x16xf32, #tpu.memory_space<hbm>> -> memref<1x16xf32, #tpu.memory_space<hbm>>
      %dma_start3A_122 = tpu.memref_squeeze %dma_start3A_121 : memref<1x16xf32, #tpu.memory_space<hbm>> -> memref<16xf32, #tpu.memory_space<hbm>>
      %dma_start3A_123 = arith.constant 0 : i32
      %dma_start3A_124 = tpu.memref_slice %arg4[%arg1, %dma_start3A_123] : memref<16x16xf32, #tpu.memory_space<hbm>> -> memref<1x16xf32, #tpu.memory_space<hbm>>
      %dma_start3A_125 = tpu.memref_squeeze %dma_start3A_124 : memref<1x16xf32, #tpu.memory_space<hbm>> -> memref<16xf32, #tpu.memory_space<hbm>>
      tpu.enqueue_dma source(%arg12 : memref<16xf32, #tpu.memory_space<vmem>>) target(%dma_start3A_125 : memref<16xf32, #tpu.memory_space<hbm>>) target_semaphore(%run_scoped3A : memref<!tpu.dma_semaphore, #tpu.memory_space<semaphore_mem>>)
      %dma_wait3A = arith.constant 0 : i32
      %dma_wait3A_126 = tpu.memref_slice %arg4[%arg1, %dma_wait3A] : memref<16x16xf32, #tpu.memory_space<hbm>> -> memref<1x16xf32, #tpu.memory_space<hbm>>
      %dma_wait3A_127 = tpu.memref_squeeze %dma_wait3A_126 : memref<1x16xf32, #tpu.memory_space<hbm>> -> memref<16xf32, #tpu.memory_space<hbm>>
      %dma_wait3A_128 = arith.constant 0 : i32
      %dma_wait3A_129 = tpu.memref_slice %arg4[%arg1, %dma_wait3A_128] : memref<16x16xf32, #tpu.memory_space<hbm>> -> memref<1x16xf32, #tpu.memory_space<hbm>>
      %dma_wait3A_130 = tpu.memref_squeeze %dma_wait3A_129 : memref<1x16xf32, #tpu.memory_space<hbm>> -> memref<16xf32, #tpu.memory_space<hbm>>
      tpu.wait_dma2 semaphore(%run_scoped3A : memref<!tpu.dma_semaphore, #tpu.memory_space<semaphore_mem>>) src(%arg12 : memref<16xf32, #tpu.memory_space<vmem>>) dst(%dma_wait3A_130 : memref<16xf32, #tpu.memory_space<hbm>>)
      tpu.yield
    }) : () -> ()
    "tpu.region"() ({
      %run_scoped3A = tpu.sem_alloc : memref<!tpu.dma_semaphore, #tpu.memory_space<semaphore_mem>>
      %dma_start3A = arith.constant 0 : i32
      %dma_start3A_121 = tpu.memref_slice %arg5[%arg1, %dma_start3A] : memref<16x16xf32, #tpu.memory_space<hbm>> -> memref<1x16xf32, #tpu.memory_space<hbm>>
      %dma_start3A_122 = tpu.memref_squeeze %dma_start3A_121 : memref<1x16xf32, #tpu.memory_space<hbm>> -> memref<16xf32, #tpu.memory_space<hbm>>
      %dma_start3A_123 = arith.constant 0 : i32
      %dma_start3A_124 = tpu.memref_slice %arg5[%arg1, %dma_start3A_123] : memref<16x16xf32, #tpu.memory_space<hbm>> -> memref<1x16xf32, #tpu.memory_space<hbm>>
      %dma_start3A_125 = tpu.memref_squeeze %dma_start3A_124 : memref<1x16xf32, #tpu.memory_space<hbm>> -> memref<16xf32, #tpu.memory_space<hbm>>
      tpu.enqueue_dma source(%arg13 : memref<16xf32, #tpu.memory_space<vmem>>) target(%dma_start3A_125 : memref<16xf32, #tpu.memory_space<hbm>>) target_semaphore(%run_scoped3A : memref<!tpu.dma_semaphore, #tpu.memory_space<semaphore_mem>>)
      %dma_wait3A = arith.constant 0 : i32
      %dma_wait3A_126 = tpu.memref_slice %arg5[%arg1, %dma_wait3A] : memref<16x16xf32, #tpu.memory_space<hbm>> -> memref<1x16xf32, #tpu.memory_space<hbm>>
      %dma_wait3A_127 = tpu.memref_squeeze %dma_wait3A_126 : memref<1x16xf32, #tpu.memory_space<hbm>> -> memref<16xf32, #tpu.memory_space<hbm>>
      %dma_wait3A_128 = arith.constant 0 : i32
      %dma_wait3A_129 = tpu.memref_slice %arg5[%arg1, %dma_wait3A_128] : memref<16x16xf32, #tpu.memory_space<hbm>> -> memref<1x16xf32, #tpu.memory_space<hbm>>
      %dma_wait3A_130 = tpu.memref_squeeze %dma_wait3A_129 : memref<1x16xf32, #tpu.memory_space<hbm>> -> memref<16xf32, #tpu.memory_space<hbm>>
      tpu.wait_dma2 semaphore(%run_scoped3A : memref<!tpu.dma_semaphore, #tpu.memory_space<semaphore_mem>>) src(%arg13 : memref<16xf32, #tpu.memory_space<vmem>>) dst(%dma_wait3A_130 : memref<16xf32, #tpu.memory_space<hbm>>)
      tpu.yield
    }) : () -> ()
    return
  }
}

module attributes {stable_mosaic.version = 14 : i64} {
  func.func @_h_body(%arg0: i32, %arg1: memref<16x16xf32, #tpu.memory_space<vmem>>, %arg2: memref<2000x256xf32, #tpu.memory_space<vmem>>, %arg3: memref<2000x256xf32, #tpu.memory_space<vmem>>) attributes {dimension_semantics = [#tpu.dimension_semantics<arbitrary>], iteration_bounds = array<i64: 5>, scalar_prefetch = 0 : i64, scratch_operands = 0 : i64, tpu.core_type = #tpu.core_type<tc>, window_params = [{pipeline_mode = #tpu.pipeline_mode<synchronous>, transform_indices = @transform_0, window_bounds = array<i64: 16, 16>}, {transform_indices = @transform_1, window_bounds = array<i64: 2000, 256>}, {transform_indices = @transform_2, window_bounds = array<i64: 2000, 256>}]} {
    %get3A = arith.constant 0 : index
    %get3A_0 = arith.constant 0 : index
    %get3A_1 = vector.load %arg2[%get3A, %get3A_0] : memref<2000x256xf32, #tpu.memory_space<vmem>>, vector<2000x256xf32>
    %get3A_2 = arith.constant 0 : index
    %get3A_3 = arith.constant 0 : index
    %get3A_4 = vector.load %arg1[%get3A_2, %get3A_3] : memref<16x16xf32, #tpu.memory_space<vmem>>, vector<16x16xf32>
    %reduce_sum3A = vector.shape_cast %get3A_4 : vector<16x16xf32> to vector<1x16x16xf32>
    %reduce_sum3A_5 = arith.constant dense<0.000000e+00> : vector<1xf32>
    %reduce_sum3A_6 = vector.multi_reduction <add>, %reduce_sum3A, %reduce_sum3A_5 [1, 2] : vector<1x16x16xf32> to vector<1xf32>
    %reduce_sum3A_7 = vector.shape_cast %reduce_sum3A_6 : vector<1xf32> to vector<1x1x1xf32>
    %reduce_sum3A_8 = vector.extract %reduce_sum3A_7[0, 0, 0] : f32 from vector<1x1x1xf32>
    %mul3A = arith.constant 0.000000e+00 : f32
    %mul3A_9 = arith.mulf %mul3A, %reduce_sum3A_8 : f32
    %add3A = vector.broadcast %mul3A_9 : f32 to vector<2000x256xf32>
    %add3A_10 = arith.addf %get3A_1, %add3A : vector<2000x256xf32>
    %swap3A = arith.constant 0 : index
    %swap3A_11 = arith.constant 0 : index
    %swap3A_12 = vector.load %arg3[%swap3A, %swap3A_11] : memref<2000x256xf32, #tpu.memory_space<vmem>>, vector<2000x256xf32>
    tpu.vector_store %arg3[%swap3A, %swap3A_11], %add3A_10 {strides = array<i32>} : memref<2000x256xf32, #tpu.memory_space<vmem>>, vector<2000x256xf32>,
    return
  }
  func.func @transform_0(%arg0: i32) -> (i32, i32) {
    %c0_i32 = arith.constant 0 : i32
    %c0_i32_0 = arith.constant 0 : i32
    %c0_i32_1 = arith.constant 0 : i32
    return %c0_i32, %c0_i32_0 : i32, i32
  }
  func.func @transform_1(%arg0: i32) -> (i32, i32) {
    %c0_i32 = arith.constant 0 : i32
    %c0_i32_0 = arith.constant 0 : i32
    return %arg0, %c0_i32 : i32, i32
  }
  func.func @transform_2(%arg0: i32) -> (i32, i32) {
    %c0_i32 = arith.constant 0 : i32
    %c0_i32_0 = arith.constant 0 : i32
    return %arg0, %c0_i32 : i32, i32
  }
}

module attributes {stable_mosaic.version = 14 : i64} {
  func.func @_prep_body(%arg0: memref<16x1xf32, #tpu.memory_space<vmem>>, %arg1: memref<16x160000xf32, #tpu.memory_space<vmem>>, %arg2: memref<2x160000xi32, #tpu.memory_space<vmem>>, %arg3: memref<160000xf32, #tpu.memory_space<vmem>>, %arg4: memref<160000xi32, #tpu.memory_space<vmem>>) attributes {dimension_semantics = [], scalar_prefetch = 0 : i64, scratch_operands = 0 : i64, tpu.core_type = #tpu.core_type<tc>} {
    %get3A = arith.constant 0 : index
    %get3A_0 = arith.constant 0 : index
    %get3A_1 = vector.load %arg0[%get3A, %get3A_0] : memref<16x1xf32, #tpu.memory_space<vmem>>, vector<16x1xf32>
    %get3A_2 = arith.constant 0 : index
    %get3A_3 = arith.constant 0 : index
    %get3A_4 = vector.load %arg1[%get3A_2, %get3A_3] : memref<16x160000xf32, #tpu.memory_space<vmem>>, vector<16x160000xf32>
    %dot_general3A = arith.constant dense<0.000000e+00> : vector<1x160000xf32>
    %dot_general3A_5 = tpu.matmul %get3A_1, %get3A_4, %dot_general3A {dimension_numbers = #tpu.dot_dimension_numbers<[0], [0], [1], [1], [0, 1, 1, 1], [], []>, transpose_lhs_hint = false} : vector<16x1xf32>, vector<16x160000xf32>, vector<1x160000xf32> -> vector<1x160000xf32>
    %squeeze3A = vector.shape_cast %dot_general3A_5 : vector<1x160000xf32> to vector<160000xf32>
    %swap3A = arith.constant 0 : index
    %swap3A_6 = vector.load %arg3[%swap3A] : memref<160000xf32, #tpu.memory_space<vmem>>, vector<160000xf32>
    tpu.vector_store %arg3[%swap3A], %squeeze3A {strides = array<i32>} : memref<160000xf32, #tpu.memory_space<vmem>>, vector<160000xf32>,
    %get3A_7 = arith.constant 0 : index
    %get3A_8 = arith.constant 0 : index
    %get3A_9 = vector.load %arg2[%get3A_7, %get3A_8] : memref<2x160000xi32, #tpu.memory_space<vmem>>, vector<1x160000xi32>
    %get3A_10 = vector.shape_cast %get3A_9 : vector<1x160000xi32> to vector<160000xi32>
    %swap3A_11 = arith.constant 0 : index
    %swap3A_12 = vector.load %arg4[%swap3A_11] : memref<160000xi32, #tpu.memory_space<vmem>>, vector<160000xi32>
    tpu.vector_store %arg4[%swap3A_11], %get3A_10 {strides = array<i32>} : memref<160000xi32, #tpu.memory_space<vmem>>, vector<160000xi32>,
    return
  }
}

</mosaic_0001>

<sc_bundles>
// kernel: branch_1_fun.3.cloned.1.call-start
scs
__scs_entry_jumppad:
0x0: {  	(pc) =	sbr.rel $0x88, $3  }
0x1: {  	(tag) =	ssettag $0x0;
	lr =	simm.s32 $0x1  }
0x2: {  	[smem:$0x3F9D] =	sst lr;
	_ =	strace $0xD0000000  }
0x3: {  	_ = 	snop  }
0x4: {  	_ = 	snop  }
0x5: {  	_ = 	snop  }
0x6: {  	_ = 	snop  }
0x7: {  	_ = 	snop  }
__scs_overlays_trampoline_lowered:
0x8: {  	[smem:$0x3FAC] =	sst s0  }
0x9: {  	[smem:$0x3FAD] =	sst s1  }
0xa: {  	[smem:$0x3FAE] =	sst s2  }
0xb: {  	[smem:$0x3FAF] =	sst s3  }
0xc: {  	[smem:$0x3FB0] =	sst s4  }
0xd: {  	[smem:$0x3FB1] =	sst s5  }
0xe: {  	[smem:$0x3FB2] =	sst s6  }
0xf: {  	[smem:$0x3FB3] =	sst s7  }
0x10: {  	[smem:$0x3FB4] =	sst s8  }
0x11: {  	[smem:$0x3FB5] =	sst s9;
	s0 =	simm.s32 @!p0 $0x0  }
0x12: {  	s1 =	sld [smem:$0x3F9B];
	s0 =	simm.s32 @p0 $0x1  }
0x13: {  	[smem:$0x3FB6] =	sst s0;
	s0 =	simm.s32 @!p1 $0x0  }
0x14: {  	s2 =	sld [smem:$0x3F9A];
	s0 =	simm.s32 @p1 $0x1  }
0x15: {  	[smem:$0x3FB7] =	sst s0;
	s0 =	simm.s32 @!p2 $0x0  }
0x16: {  	s3 =	sld [smem:$0x3FDB];
	s0 =	simm.s32 @p2 $0x1  }
0x17: {  	s4 =	simm.s32 $0x1BF5;
	[smem:$0x3FB9] =	sst s0  }
0x18: {  	s0 =	sld [smem:$0x3F9C];
	_ =	swait.ge [sflag:s4], $0x0  }
0x19: {  	s7 =	sld [smem:$0x3F9D]  }
0x1a: {  	s8 =	sadd.s32 $0xFFFFE003, lr  }
0x1b: {  	s9 =	sadd.s32 $0xFFFFFEF7, lr;
	s5 =	simm.s32 $0xFFFFFFFF;
	p2 =	slt.u32 s8, $0xFFFFF086  }
0x1c: {  	p1 =	slt.u32 s9, $0xF7A;
	s5 =	simm.s32 @!p2 $0x0  }
0x1d: {  	s5 =	simm.s32 @p1 $0x1;
	p0 =	seq.s32 s7, s2  }
0x1e: {  	s7 =	smul.u32 @!p0 $0xF7A, s2;
	p2 =	seq.s32 @!p0 s5, $0x0  }
0x1f: {  	s9 =	smul.u32 $0xF7A, s1;
	s8 =	simm.s32 @!p0 $0x1BF5;
	p2 =	por !p2, p0  }
0x20: {  	[sflag:s8] =	ssyncset.s32 @!p0 $0xFFFFF086;
	s6 =	sadd.s32 @!p0 s3, s7;
	s7 =	simm.s32 @!p0 $0x108  }
0x21: {  	s3 =	sadd.s32 s3, s9;
	s6 =	sadd.s32 @!p0 $0x88, s6;
	s7 =	simm.s32 @p2 $0x1082  }
0x22: {  	[simem:s7], [sflag:s8] =	dma.local @!p0 [hbm:s6], $0xF7A  }
0x23: {  	s9 =	sor.u32 $0xD0000000, s2;
	s6 =	simm.s32 $0x108;
	_ =	swait.ge @!p0 [sflag:s8], $0x0  }
0x24: {  	s3 =	sadd.s32 $0x88, s3;
	s6 =	simm.s32 @!p1 $0x1082;
	[sflag:s4] =	ssyncset.s32 $0xFFFFF086  }
0x25: {  	[simem:s6], [sflag:s4] =	dma.local [hbm:s3], $0xF7A  }
0x26: {  	[smem:$0x3F9D] =	sst s1;
	(tag) =	ssettag s2;
	_ =	strace s9  }
0x27: {  	s1 =	sld [smem:$0x3FAD]  }
0x28: {  	s2 =	sld [smem:$0x3FAE]  }
0x29: {  	s4 =	sld [smem:$0x3FB0]  }
0x2a: {  	p0 =	seq.s32 s5, $0x0;
	s5 =	sld [smem:$0x3FB1]  }
0x2b: {  	s6 =	sld [smem:$0x3FB2]  }
0x2c: {  	s7 =	sld [smem:$0x3FB3]  }
0x2d: {  	s3 =	simm.s32 $0x108;
	s8 =	sld [smem:$0x3FB4]  }
0x2e: {  	s3 =	simm.s32 @!p0 $0x1082;
	s9 =	sld [smem:$0x3FB5]  }
0x2f: {  	lr =	sadd.s32 s0, s3;
	s0 =	sld [smem:$0x3FAC]  }
0x30: {  	s3 =	sld [smem:$0x3FAF]  }
0x31: {  	[smem:$0x3FB8] =	sst s10  }
0x32: {  	s10 =	sld [smem:$0x3FB6];
	_ =	sdelay $0x3  }
0x33: {  	p0 =	seq.s32 s10, $0x1;
	s10 =	sld [smem:$0x3FB8];
	_ =	sdelay $0x3  }
0x34: {  	[smem:$0x3FB8] =	sst s10  }
0x35: {  	s10 =	sld [smem:$0x3FB7];
	_ =	sdelay $0x3  }
0x36: {  	p1 =	seq.s32 s10, $0x1;
	s10 =	sld [smem:$0x3FB8];
	_ =	sdelay $0x3  }
0x37: {  	[smem:$0x3FB8] =	sst s10  }
0x38: {  	s10 =	sld [smem:$0x3FB9]  }
0x39: {  	_ = 	snop;
	(pc) =	sbr.ind lr, $3  }
0x3a: {  	_ = 	snop  }
0x3b: {  	_ = 	snop  }
0x3c: {  	p2 =	seq.s32 s10, $0x1;
	s10 =	sld [smem:$0x3FB8]  }
0x3d: {  	_ =	shalt  }
0x3e: {  	_ =	shalt  }
0x3f: {  	_ =	shalt  }
0x40: {  	_ =	shalt  }
0x41: {  	_ =	shalt  }
0x42: {  	_ =	shalt  }
0x43: {  	_ =	shalt  }
0x44: {  	_ =	shalt  }
0x45: {  	_ =	shalt  }
0x46: {  	_ =	shalt  }
0x47: {  	_ =	shalt  }
0x48: {  	_ =	shalt  }
0x49: {  	_ =	shalt  }
0x4a: {  	_ =	shalt  }
0x4b: {  	_ =	shalt  }
0x4c: {  	_ =	shalt  }
0x4d: {  	_ =	shalt  }
0x4e: {  	_ =	shalt  }
0x4f: {  	_ =	shalt  }
0x50: {  	_ =	shalt  }
0x51: {  	_ =	shalt  }
0x52: {  	_ =	shalt  }
0x53: {  	_ =	shalt  }
0x54: {  	_ =	shalt  }
0x55: {  	_ =	shalt  }
0x56: {  	_ =	shalt  }
0x57: {  	_ =	shalt  }
0x58: {  	_ =	shalt  }
0x59: {  	_ =	shalt  }
0x5a: {  	_ =	shalt  }
0x5b: {  	_ =	shalt  }
0x5c: {  	_ =	shalt  }
0x5d: {  	_ =	shalt  }
0x5e: {  	_ =	shalt  }
0x5f: {  	_ =	shalt  }
0x60: {  	_ =	shalt  }
0x61: {  	_ =	shalt  }
0x62: {  	_ =	shalt  }
0x63: {  	_ =	shalt  }
0x64: {  	_ =	shalt  }
0x65: {  	_ =	shalt  }
0x66: {  	_ =	shalt  }
0x67: {  	_ =	shalt  }
0x68: {  	_ =	shalt  }
0x69: {  	_ =	shalt  }
0x6a: {  	_ =	shalt  }
0x6b: {  	_ =	shalt  }
0x6c: {  	_ =	shalt  }
0x6d: {  	_ =	shalt  }
0x6e: {  	_ =	shalt  }
0x6f: {  	_ =	shalt  }
0x70: {  	_ =	shalt  }
0x71: {  	_ =	shalt  }
0x72: {  	_ =	shalt  }
0x73: {  	_ =	shalt  }
0x74: {  	_ =	shalt  }
0x75: {  	_ =	shalt  }
0x76: {  	_ =	shalt  }
0x77: {  	_ =	shalt  }
0x78: {  	_ =	shalt  }
0x79: {  	_ =	shalt  }
0x7a: {  	_ =	shalt  }
0x7b: {  	_ =	shalt  }
0x7c: {  	_ =	shalt  }
0x7d: {  	_ =	shalt  }
0x7e: {  	_ =	shalt  }
0x7f: {  	_ =	shalt  }
0x80: {  	_ =	shalt  }
0x81: {  	_ =	shalt  }
0x82: {  	_ =	shalt  }
0x83: {  	_ =	shalt  }
0x84: {  	_ =	shalt  }
0x85: {  	_ =	shalt  }
0x86: {  	_ =	shalt  }
0x87: {  	_ =	shalt  }
.Lfunc_end0:
.L_simem_size_0:
called_computation_lowered:
.L_overlay_start_0:
0x88: {  	s0 =	sld [smem:$0x3FD9]  }
0x89: {  	s1 =	sld [smem:$0x3FFE];
	_ =	sdelay $0x3  }
0x8a: {  	s0 =	sadd.s32 s1, s0  }
0x8b: {  	[smem:$0x3FC4] =	sst s0  }
0x8c: {  	_ = 	snop  }
0x8d: {  	s0 =	sld [smem:$0x3FD0];
	(tm) =	ssettm $0x1  }
0x8e: {  	s16 =	sld [smem:$0x3FFB];
	_ =	sdelay $0x3  }
0x8f: {  	_ =	strace s16  }
0x90: {  	s1 =	sld [smem:$0x3FFC];
	_ =	sdelay $0x3  }
0x91: {  	_ =	strace s1  }
0x92: {  	s1 =	sld [smem:$0x3FFD];
	_ =	sdelay $0x3  }
0x93: {  	_ =	strace s1  }
0x94: {  	_ =	strace $0x8FFFFFFF  }
0x95: {  	s17 =	sld [smem:$0x3FDB];
	_ =	sdelay $0x1  }
0x96: {  	s2 =	simm.s32 $_scs_section_size  }
0x97: {  	s3 =	simm.s32 $_size__tile_overlayer_lowered;
	s4 =	simm.s32 $_tile_overlayer_lowered  }
0x98: {  	s20 =	simm.s32 $0x1BFF;
	s19 =	sshll.u32 s4, $0x1;
	s1 =	sadd.s32 s2, s17  }
0x99: {  	s5 =	simm.s32 $0x0;
	s18 =	sshll.u32 s3, $0x1;
	s3 =	sadd.s32 s19, s1  }
0x9a: {  	[timem:s5], [sflag:s20] =	dma.local [hbm:s3], s18  }
0x9b: {  	_ =	swait.ge [sflag:s20], s18  }
0x9c: {  	s2 =	ssub.s32 $0x0, s18;
	[sflag:s20] =	ssyncset.done $0x0  }
0x9d: {  	[sflag:s20] =	ssyncadd.s32 s2;
	_ =	sdelay $0x1  }
0x9e: {  	s21 =	simm.s32 $0x1B8B  }
0x9f: {  	_ =	swait.ge [sflag:s21], $0x1  }
0xa0: {  	[sflag:s21] =	ssyncset.done $0x0  }
0xa1: {  	s23 =	simm.s32 $0x1B8E;
	s22 =	sld [smem:$0x3FFE];
	[sflag:s21] =	ssyncadd.s32 $0xFFFFFFFF  }
0xa2: {  	s24 =	simm.s32 $execute0_lowered;
	[smem:$0x3FD2] =	sst s23  }
0xa3: {  	s3 =	sshll.u32 s24, $0x1;
	_ =	strace $0x80000046;
	[dreg:$0x1] =	wrdreg $0xFFFFFFFF  }
0xa4: {  	s25 =	simm.s32 $_size_execute0_lowered;
	s1 =	sadd.s32 s1, s3;
	[dreg:$0x0] =	wrdreg $0x0  }
0xa5: {  	s3 =	sshll.u32 s25, $0x1;
	[dreg:$0x2] =	wrdreg s1  }
0xa6: {  	[dreg:$0x3] =	wrdreg s3  }
0xa7: {  	[dreg:$0x4] =	wrdreg $0xC0  }
0xa8: {  	_ =	task [dreg:s5], $0x5FFFF  }
0xa9: {  	[dreg:$0x1] =	wrdreg $0xFFFFFFFF  }
0xaa: {  	[dreg:$0x0] =	wrdreg $0x60  }
0xab: {  	[dreg:$0x2] =	wrdreg s0  }
0xac: {  	[dreg:$0x3] =	wrdreg s22  }
0xad: {  	[dreg:$0x4] =	wrdreg $0xF6800  }
0xae: {  	[dreg:$0x5] =	wrdreg $0x11E800  }
0xaf: {  	[dreg:$0x6] =	wrdreg $0x121000  }
0xb0: {  	[dreg:$0x7] =	wrdreg $0x9  }
0xb1: {  	_ =	task.clear_ibuf [dreg:s5], $0x8FFFF;
	_ =	strace $0x90000046  }
0xb2: {  	s26 =	simm.s32 $0x9;
	_ =	strace $0x8000004F  }
0xb3: {  	_ =	swait.ge [sflag:s26], $0x1  }
0xb4: {  	[sflag:s26] =	ssyncadd.s32 $0xFFFFFFFF  }
0xb5: {  	_ =	strace $0x9000004F  }
0xb6: {  	_ =	sfence  }
0xb7: {  	s28 =	sld [smem:$0x0];
	_ =	sdelay $0x1  }
0xb8: {  	s29 =	srdreg.scid  }
0xb9: {  	s30 =	sshll.u32 s29, $0xD;
	s31 =	sshrl.u32 s29, $0x2  }
0xba: {  	s2 =	sand.u32 $0x4000, s30;
	s1 =	sand.u32 $0x1, s29;
	s0 =	sadd.s32 s31, s28  }
0xbb: {  	s1 =	sor.u32 s2, s1;
	s0 =	sshll.u32 s0, $0x11  }
0xbc: {  	s0 =	sor.u32 s0, s1  }
0xbd: {  	s0 =	sadd.s32 $0x8F2B, s0  }
0xbe: {  	[sflag:s0] =	ssyncadd.remote.s32 $0x1  }
0xbf: {  	_ =	sfence.sel $0xFFFF  }
0xc0: {  	[dreg:$0x0] =	wrdreg $0xFFFFFFFF;
	(pc) =	sbr.abs _section_cstart, $3  }
0xc1: {  	[dreg:$0x1] =	wrdreg $0xFFFFFFFF  }
0xc2: {  	_ =	task.clear_ibuf [dreg:s5], $0x2FFFF;
	_ =	strace $0x9FFFFFFF  }
0xc3: {  	(tm) =	ssettm $0x7FFFFFFF  }
tec
execute0_lowered:
.L_overlay_start_1:
0x0: {  	(tag) =	ssettag $0x1  }
0x1: {  	s2 =	rddreg [dreg:$0x0]  }
0x2: {  	s4 =	rddreg [dreg:$0x1]  }
0x3: {  	s7 =	rddreg [dreg:$0x2]  }
0x4: {  	s6 =	rddreg [dreg:$0x3]  }
0x5: {  	s3 =	rddreg [dreg:$0x4];
	s5 =	simm.s32 $0x0;
	s1 =	stileid.u32  }
0x6: {  	[smem:$0x7FF] =	sst s5;
	s8 =	smul.u32 $0x4E2, s1  }
0x7: {  	s0 =	rddreg [dreg:$0x5];
	_ =	strace $0x80000047  }
0x8: {  	s31 =	simm.s32 $0x1;
	s2 =	sadd.s32 s2, s8;
	_ =	strace $0x80000048  }
0x9: {  	[tilespmem:s5], [sflag:$0x1] =	stream.linear.gather [hbm4b:s2+s5], $0x2710, $0x200038;
	[tilespmem:$0x12380] =	vst v63  }
0xa: {  	_ =	swait.ge [sflag:s31], $0x2710  }
0xb: {  	s8 =	sadd.s32 s8, s4;
	[sflag:s31] =	ssyncset.done $0x0  }
0xc: {  	s9 =	simm.s32 $0x2780;
	s8 =	sadd.s32 $0x1C00, s8;
	[sflag:s31] =	ssyncadd.s32 $0xFFFFD8F0  }
0xd: {  	[tilespmem:s9], [sflag:$0x1] =	stream.linear.gather [hbm4b:s8+s5], $0x2710, $0x200038;
	[tilespmem:$0x12380] =	vst v63  }
0xe: {  	_ =	swait.ge [sflag:s31], $0x2710  }
0xf: {  	[sflag:s31] =	ssyncset.done $0x0  }
0x10: {  	[sflag:s31] =	ssyncadd.s32 $0xFFFFD8F0  }
0x11: {  	s2 =	sadd.s32 $0x6E00, s4;
	_ =	strace $0x90000048  }
0x12: {  	v1 =	vimm.f32 $-Inf;
	s4 =	simm.s32 $0x0;
	s5 =	simm.s32 $0x200;
	_ =	strace $0x80000049  }
.LBB2_1:
0x13: {  	p0 =	sne.s32 s5, $0x9E00;
	[tilespmem:s4+$0x76F0] =	vst v1  }
0x14: {  	[tilespmem:s4+$0x7680] =	vst v1  }
0x15: {  	[tilespmem:s4+$0x7690] =	vst v1  }
.Ltmp0:
0x16: {  	[tilespmem:s4+$0x76A0] =	vst v1;
	(pc) =	sbr.rel @p0 .LBB2_1-.Ltmp0, $4  }
0x17: {  	[tilespmem:s4+$0x76B0] =	vst v1  }
0x18: {  	[tilespmem:s4+$0x76C0] =	vst v1  }
0x19: {  	[tilespmem:s4+$0x76D0] =	vst v1  }
0x1a: {  	[tilespmem:s4+$0x76E0] =	vst v1;
	s4 =	sshra.s32 s5, $0x2;
	s5 =	sadd.s32 $0x200, s5  }
0x1b: {  	v0 =	vimm.s32 $0xEDCBA987  }
0x1c: {  	v2 =	vimm.s32 $0x65432100;
	v3 =	vimm.s32 $0xDCBA9876;
	v4 =	vimm.s32 $0x54321000  }
0x1d: {  	v5 =	vimm.s32 $0x32100000;
	v6 =	vimm.s32 $0xE40000;
	v0 =	vunpack.c.l.s4.s8 v0  }
0x1e: {  	[tilespmem:s4+$0x76F0] =	vst v1;
	v7 =	vimm.s32 $0xFFEDCBA9;
	v8 =	vimm.s32 $0x87654321;
	v2 =	vunpack.c.l.s4.s8 v2  }
0x1f: {  	[tilespmem:s4+$0x7680] =	vst v1;
	vm0 =	vcmask $0x3F04;
	v3 =	vunpack.c.l.s4.s8 v3;
	v0 =	vunpack.c.0.s8.s32 v0  }
0x20: {  	[tilespmem:s4+$0x7690] =	vst v1;
	vm3 =	vcmask $0x3F30;
	v4 =	vunpack.c.l.s4.s8 v4;
	v2 =	vunpack.c.0.s8.s32 v2  }
0x21: {  	[tilespmem:s4+$0x76A0] =	vst v1;
	vm1 =	vcmask $0x3F08;
	v3 =	vunpack.c.0.s8.s32 v3;
	v0 =	vand.u32 $0xF, v0  }
0x22: {  	[tilespmem:s4+$0x76B0] =	vst v1;
	v0 =	vcombine.low v2, v0;
	v2 =	vunpack.c.0.s8.s32 v4;
	v4 =	vimm.s32 $0xBA987654  }
0x23: {  	[tilespmem:s4+$0x76C0] =	vst v1;
	v6 =	vunpack.c.l.s2.s4 v6;
	v5 =	vunpack.c.l.s4.s8 v5;
	v4 =	vunpack.c.l.s4.s8 v4  }
0x24: {  	[tilespmem:s4+$0x76D0] =	vst v1;
	v7 =	vunpack.c.l.s4.s8 v7;
	v8 =	vunpack.c.l.s4.s8 v8;
	v3 =	vand.u32 $0xF, v3  }
0x25: {  	[tilespmem:s4+$0x76E0] =	vst v1;
	v1 =	vcombine.low v2, v3;
	v3 =	vunpack.c.l.s4.s8 v6;
	v2 =	vunpack.c.0.s8.s32 v4  }
0x26: {  	s5 =	simm.s32 $0xF380;
	s8 =	simm.s32 $0xF100;
	v6 =	vunpack.c.0.s8.s32 v8;
	v4 =	vunpack.c.0.s8.s32 v5;
	v5 =	vunpack.c.0.s8.s32 v7  }
0x27: {  	s4 =	simm.s32 $0x0;
	s9 =	simm.s32 $0x7680;
	s10 =	simm.s32 $0xF400;
	v7 =	vimm.s32 $0x7060504;
	v3 =	vunpack.c.0.s8.s32 v3;
	v2 =	vand.u32 $0xF, v2  }
0x28: {  	s11 =	simm.s32 $0xF180;
	s12 =	simm.s32 $0xF480;
	s13 =	simm.s32 $0xF200;
	v2 =	vcombine.low v4, v2;
	v4 =	vcombine.low v6, v5;
	v5 =	vunpack.c.0.s8.s32 v7  }
0x29: {  	vm2 =	vcmask $0x3F10;
	s14 =	simm.s32 $0xF500;
	vm4 =	vcmask $0x3F3C;
	s15 =	simm.s32 $0xF280;
	_ =	strace $0x90000049;
	v3 =	vand.u32 $0x3, v3  }
0x2a: {  	s16 =	simm.s32 $0xF580;
	s17 =	simm.s32 $0xF300;
	_ =	strace $0x8000004A;
	v3 =	vsel vm3, v5, v3;
	vm3 =	vcmask $0x3F20;
	v4 =	vand.u32 $0xF, v4  }
.LBB2_3:
0x2b: {  	s18 =	sshra.s32 s4, $0x2  }
0x2c: {  	v5 =	vld [tilespmem:s18+$0x2780]  }
0x2d: {  	v6 =	vld [tilespmem:s18+$0x0];
	_ =	sdelay $0x3  }
0x2e: {  	v5 =	vxor.u32 $0x80000000, v5  }
0x2f: {  	(xrf1) =	vsort.ascd.msk.u32 $0xffff, v5, v6;
	_ =	sdelay $0xd  }
0x30: {  	v5, v6, _ =	vpop (xrf1)  }
0x31: {  	v5 =	vxor.u32 $0x80000000, v5;
	[tilespmem:$0xF380] =	vst v6  }
0x32: {  	[tilespmem:$0xF100] =	vst v5  }
0x33: {  	v7 =	vld.idx.msk [tilespmem:v0+s8+$0x0], $0xffff  }
0x34: {  	v8 =	vld.idx.msk [tilespmem:v0+s5+$0x0], $0xffff;
	_ =	sdelay $0x3  }
0x35: {  	vm5 =	veq.s32 v7, v5  }
0x36: {  	v7 =	vmax.f32 v6, v8;
	vm5 =	vmand vm5, vm0  }
0x37: {  	v6 =	vsel vm5, v7, v6  }
0x38: {  	[tilespmem:$0xF380] =	vst v6  }
0x39: {  	v7 =	vld.idx.msk [tilespmem:v1+s8+$0x0], $0xffff  }
0x3a: {  	v36 =	vld.idx.msk [tilespmem:v1+s5+$0x0], $0xffff;
	_ =	sdelay $0x3  }
0x3b: {  	vm5 =	veq.s32 v7, v5  }
0x3c: {  	v7 =	vmax.f32 v6, v36;
	vm5 =	vmand vm5, vm1  }
0x3d: {  	v6 =	vsel vm5, v7, v6  }
0x3e: {  	[tilespmem:$0xF380] =	vst v6  }
0x3f: {  	v7 =	vld.idx.msk [tilespmem:v2+s8+$0x0], $0xffff  }
0x40: {  	v37 =	vld.idx.msk [tilespmem:v2+s5+$0x0], $0xffff;
	_ =	sdelay $0x3  }
0x41: {  	vm5 =	veq.s32 v7, v5  }
0x42: {  	v7 =	vmax.f32 v6, v37;
	vm5 =	vmand vm5, vm2  }
0x43: {  	v6 =	vsel vm5, v7, v6  }
0x44: {  	[tilespmem:$0xF380] =	vst v6  }
0x45: {  	v7 =	vld.idx.msk [tilespmem:v4+s8+$0x0], $0xffff;
	_ =	sdelay $0x2  }
0x46: {  	v38 =	vld.idx.msk [tilespmem:v3+s8+$0x0], $0xffff  }
0x47: {  	v9 =	vld.idx.msk [tilespmem:v3+s5+$0x0], $0xffff  }
0x48: {  	vm5 =	vne.s32 v7, v5  }
0x49: {  	v7 =	vld.idx.msk [tilespmem:v5+s9+$0x0], $0xffff;
	vm5 =	vmor vm5, vm4;
	_ =	sdelay $0x1  }
0x4a: {  	vm6 =	veq.s32 v38, v5  }
0x4b: {  	v39 =	vmax.f32 v6, v9;
	vm6 =	vmand vm6, vm3  }
0x4c: {  	v6 =	vsel vm6, v39, v6  }
0x4d: {  	v6 =	vmax.f32 v7, v6  }
0x4e: {  	[tilespmem:v5+s9+$0x0] =	vst.idx.msk vm5, v6  }
0x4f: {  	v5 =	vld [tilespmem:s18+$0x2790]  }
0x50: {  	v6 =	vld [tilespmem:s18+$0x10];
	_ =	sdelay $0x3  }
0x51: {  	v5 =	vxor.u32 $0x80000000, v5  }
0x52: {  	(xrf1) =	vsort.ascd.msk.u32 $0xffff, v5, v6;
	_ =	sdelay $0xd  }
0x53: {  	v5, v6, _ =	vpop (xrf1)  }
0x54: {  	v5 =	vxor.u32 $0x80000000, v5;
	[tilespmem:$0xF400] =	vst v6  }
0x55: {  	[tilespmem:$0xF180] =	vst v5  }
0x56: {  	v7 =	vld.idx.msk [tilespmem:v0+s11+$0x0], $0xffff  }
0x57: {  	v40 =	vld.idx.msk [tilespmem:v0+s10+$0x0], $0xffff;
	_ =	sdelay $0x3  }
0x58: {  	vm5 =	veq.s32 v7, v5  }
0x59: {  	v7 =	vmax.f32 v6, v40;
	vm5 =	vmand vm5, vm0  }
0x5a: {  	v6 =	vsel vm5, v7, v6  }
0x5b: {  	[tilespmem:$0xF400] =	vst v6  }
0x5c: {  	v7 =	vld.idx.msk [tilespmem:v1+s11+$0x0], $0xffff  }
0x5d: {  	v41 =	vld.idx.msk [tilespmem:v1+s10+$0x0], $0xffff;
	_ =	sdelay $0x3  }
0x5e: {  	vm5 =	veq.s32 v7, v5  }
0x5f: {  	v7 =	vmax.f32 v6, v41;
	vm5 =	vmand vm5, vm1  }
0x60: {  	v6 =	vsel vm5, v7, v6  }
0x61: {  	[tilespmem:$0xF400] =	vst v6  }
0x62: {  	v7 =	vld.idx.msk [tilespmem:v2+s11+$0x0], $0xffff  }
0x63: {  	v42 =	vld.idx.msk [tilespmem:v2+s10+$0x0], $0xffff;
	_ =	sdelay $0x3  }
0x64: {  	vm5 =	veq.s32 v7, v5  }
0x65: {  	v7 =	vmax.f32 v6, v42;
	vm5 =	vmand vm5, vm2  }
0x66: {  	v6 =	vsel vm5, v7, v6  }
0x67: {  	[tilespmem:$0xF400] =	vst v6  }
0x68: {  	v7 =	vld.idx.msk [tilespmem:v4+s11+$0x0], $0xffff;
	_ =	sdelay $0x2  }
0x69: {  	v43 =	vld.idx.msk [tilespmem:v3+s11+$0x0], $0xffff  }
0x6a: {  	v44 =	vld.idx.msk [tilespmem:v3+s10+$0x0], $0xffff  }
0x6b: {  	vm5 =	vne.s32 v7, v5  }
0x6c: {  	v7 =	vld.idx.msk [tilespmem:v5+s9+$0x0], $0xffff;
	vm5 =	vmor vm5, vm4;
	_ =	sdelay $0x1  }
0x6d: {  	vm6 =	veq.s32 v43, v5  }
0x6e: {  	v45 =	vmax.f32 v6, v44;
	vm6 =	vmand vm6, vm3  }
0x6f: {  	v6 =	vsel vm6, v45, v6  }
0x70: {  	v6 =	vmax.f32 v7, v6  }
0x71: {  	[tilespmem:v5+s9+$0x0] =	vst.idx.msk vm5, v6  }
0x72: {  	v5 =	vld [tilespmem:s18+$0x27A0]  }
0x73: {  	v6 =	vld [tilespmem:s18+$0x20];
	_ =	sdelay $0x3  }
0x74: {  	v5 =	vxor.u32 $0x80000000, v5  }
0x75: {  	(xrf1) =	vsort.ascd.msk.u32 $0xffff, v5, v6;
	_ =	sdelay $0xd  }
0x76: {  	v5, v6, _ =	vpop (xrf1)  }
0x77: {  	v5 =	vxor.u32 $0x80000000, v5;
	[tilespmem:$0xF480] =	vst v6  }
0x78: {  	[tilespmem:$0xF200] =	vst v5  }
0x79: {  	v7 =	vld.idx.msk [tilespmem:v0+s13+$0x0], $0xffff  }
0x7a: {  	v46 =	vld.idx.msk [tilespmem:v0+s12+$0x0], $0xffff;
	_ =	sdelay $0x3  }
0x7b: {  	vm5 =	veq.s32 v7, v5  }
0x7c: {  	v7 =	vmax.f32 v6, v46;
	vm5 =	vmand vm5, vm0  }
0x7d: {  	v6 =	vsel vm5, v7, v6  }
0x7e: {  	[tilespmem:$0xF480] =	vst v6  }
0x7f: {  	v7 =	vld.idx.msk [tilespmem:v1+s13+$0x0], $0xffff  }
0x80: {  	v47 =	vld.idx.msk [tilespmem:v1+s12+$0x0], $0xffff;
	_ =	sdelay $0x3  }
0x81: {  	vm5 =	veq.s32 v7, v5  }
0x82: {  	v7 =	vmax.f32 v6, v47;
	vm5 =	vmand vm5, vm1  }
0x83: {  	v6 =	vsel vm5, v7, v6  }
0x84: {  	[tilespmem:$0xF480] =	vst v6  }
0x85: {  	v7 =	vld.idx.msk [tilespmem:v2+s13+$0x0], $0xffff  }
0x86: {  	v48 =	vld.idx.msk [tilespmem:v2+s12+$0x0], $0xffff;
	_ =	sdelay $0x3  }
0x87: {  	vm5 =	veq.s32 v7, v5  }
0x88: {  	v7 =	vmax.f32 v6, v48;
	vm5 =	vmand vm5, vm2  }
0x89: {  	v6 =	vsel vm5, v7, v6  }
0x8a: {  	[tilespmem:$0xF480] =	vst v6  }
0x8b: {  	v7 =	vld.idx.msk [tilespmem:v4+s13+$0x0], $0xffff;
	_ =	sdelay $0x2  }
0x8c: {  	v49 =	vld.idx.msk [tilespmem:v3+s13+$0x0], $0xffff  }
0x8d: {  	v50 =	vld.idx.msk [tilespmem:v3+s12+$0x0], $0xffff  }
0x8e: {  	vm5 =	vne.s32 v7, v5  }
0x8f: {  	v7 =	vld.idx.msk [tilespmem:v5+s9+$0x0], $0xffff;
	vm5 =	vmor vm5, vm4;
	_ =	sdelay $0x1  }
0x90: {  	vm6 =	veq.s32 v49, v5  }
0x91: {  	v51 =	vmax.f32 v6, v50;
	vm6 =	vmand vm6, vm3  }
0x92: {  	v6 =	vsel vm6, v51, v6  }
0x93: {  	v6 =	vmax.f32 v7, v6  }
0x94: {  	[tilespmem:v5+s9+$0x0] =	vst.idx.msk vm5, v6  }
0x95: {  	v5 =	vld [tilespmem:s18+$0x27B0]  }
0x96: {  	v6 =	vld [tilespmem:s18+$0x30];
	_ =	sdelay $0x3  }
0x97: {  	v5 =	vxor.u32 $0x80000000, v5  }
0x98: {  	(xrf1) =	vsort.ascd.msk.u32 $0xffff, v5, v6;
	_ =	sdelay $0xd  }
0x99: {  	v5, v6, _ =	vpop (xrf1)  }
0x9a: {  	v5 =	vxor.u32 $0x80000000, v5;
	[tilespmem:$0xF500] =	vst v6  }
0x9b: {  	[tilespmem:$0xF280] =	vst v5  }
0x9c: {  	v7 =	vld.idx.msk [tilespmem:v0+s15+$0x0], $0xffff  }
0x9d: {  	v52 =	vld.idx.msk [tilespmem:v0+s14+$0x0], $0xffff;
	_ =	sdelay $0x3  }
0x9e: {  	vm5 =	veq.s32 v7, v5  }
0x9f: {  	v7 =	vmax.f32 v6, v52;
	vm5 =	vmand vm5, vm0  }
0xa0: {  	v6 =	vsel vm5, v7, v6  }
0xa1: {  	[tilespmem:$0xF500] =	vst v6  }
0xa2: {  	v7 =	vld.idx.msk [tilespmem:v1+s15+$0x0], $0xffff  }
0xa3: {  	v53 =	vld.idx.msk [tilespmem:v1+s14+$0x0], $0xffff;
	_ =	sdelay $0x3  }
0xa4: {  	vm5 =	veq.s32 v7, v5  }
0xa5: {  	v7 =	vmax.f32 v6, v53;
	vm5 =	vmand vm5, vm1  }
0xa6: {  	v6 =	vsel vm5, v7, v6  }
0xa7: {  	[tilespmem:$0xF500] =	vst v6  }
0xa8: {  	v7 =	vld.idx.msk [tilespmem:v2+s15+$0x0], $0xffff  }
0xa9: {  	v54 =	vld.idx.msk [tilespmem:v2+s14+$0x0], $0xffff;
	_ =	sdelay $0x3  }
0xaa: {  	vm5 =	veq.s32 v7, v5  }
0xab: {  	v7 =	vmax.f32 v6, v54;
	vm5 =	vmand vm5, vm2  }
0xac: {  	v6 =	vsel vm5, v7, v6  }
0xad: {  	[tilespmem:$0xF500] =	vst v6  }
0xae: {  	v7 =	vld.idx.msk [tilespmem:v4+s15+$0x0], $0xffff;
	_ =	sdelay $0x2  }
0xaf: {  	v55 =	vld.idx.msk [tilespmem:v3+s15+$0x0], $0xffff  }
0xb0: {  	v56 =	vld.idx.msk [tilespmem:v3+s14+$0x0], $0xffff  }
0xb1: {  	vm5 =	vne.s32 v7, v5  }
0xb2: {  	v7 =	vld.idx.msk [tilespmem:v5+s9+$0x0], $0xffff;
	vm5 =	vmor vm5, vm4;
	_ =	sdelay $0x1  }
0xb3: {  	vm6 =	veq.s32 v55, v5  }
0xb4: {  	v57 =	vmax.f32 v6, v56;
	vm6 =	vmand vm6, vm3  }
0xb5: {  	v6 =	vsel vm6, v57, v6  }
0xb6: {  	v6 =	vmax.f32 v7, v6  }
0xb7: {  	[tilespmem:v5+s9+$0x0] =	vst.idx.msk vm5, v6  }
0xb8: {  	v5 =	vld [tilespmem:s18+$0x27C0]  }
0xb9: {  	v6 =	vld [tilespmem:s18+$0x40];
	_ =	sdelay $0x3  }
0xba: {  	v5 =	vxor.u32 $0x80000000, v5  }
0xbb: {  	(xrf1) =	vsort.ascd.msk.u32 $0xffff, v5, v6;
	_ =	sdelay $0xd  }
0xbc: {  	v5, v6, _ =	vpop (xrf1)  }
0xbd: {  	v5 =	vxor.u32 $0x80000000, v5;
	[tilespmem:$0xF580] =	vst v6  }
0xbe: {  	[tilespmem:$0xF300] =	vst v5  }
0xbf: {  	v7 =	vld.idx.msk [tilespmem:v0+s17+$0x0], $0xffff  }
0xc0: {  	v58 =	vld.idx.msk [tilespmem:v0+s16+$0x0], $0xffff;
	_ =	sdelay $0x3  }
0xc1: {  	vm5 =	veq.s32 v7, v5  }
0xc2: {  	v7 =	vmax.f32 v6, v58;
	vm5 =	vmand vm5, vm0  }
0xc3: {  	v6 =	vsel vm5, v7, v6  }
0xc4: {  	[tilespmem:$0xF580] =	vst v6  }
0xc5: {  	v7 =	vld.idx.msk [tilespmem:v1+s17+$0x0], $0xffff  }
0xc6: {  	v59 =	vld.idx.msk [tilespmem:v1+s16+$0x0], $0xffff;
	_ =	sdelay $0x3  }
0xc7: {  	vm5 =	veq.s32 v7, v5  }
0xc8: {  	v7 =	vmax.f32 v6, v59;
	vm5 =	vmand vm5, vm1  }
0xc9: {  	v6 =	vsel vm5, v7, v6  }
0xca: {  	[tilespmem:$0xF580] =	vst v6  }
0xcb: {  	v7 =	vld.idx.msk [tilespmem:v2+s17+$0x0], $0xffff  }
0xcc: {  	v60 =	vld.idx.msk [tilespmem:v2+s16+$0x0], $0xffff;
	_ =	sdelay $0x3  }
0xcd: {  	vm5 =	veq.s32 v7, v5  }
0xce: {  	v7 =	vmax.f32 v6, v60;
	vm5 =	vmand vm5, vm2  }
0xcf: {  	v6 =	vsel vm5, v7, v6  }
0xd0: {  	[tilespmem:$0xF580] =	vst v6  }
0xd1: {  	v7 =	vld.idx.msk [tilespmem:v4+s17+$0x0], $0xffff;
	_ =	sdelay $0x2  }
0xd2: {  	v61 =	vld.idx.msk [tilespmem:v3+s17+$0x0], $0xffff  }
0xd3: {  	v62 =	vld.idx.msk [tilespmem:v3+s16+$0x0], $0xffff  }
0xd4: {  	vm5 =	vne.s32 v7, v5  }
0xd5: {  	v7 =	vld.idx.msk [tilespmem:v5+s9+$0x0], $0xffff;
	vm5 =	vmor vm5, vm4  }
0xd6: {  	p0 =	sne.s32 s4, $0x9B00  }
.Ltmp1:
0xd7: {  	vm6 =	veq.s32 v61, v5;
	(pc) =	sbr.rel @p0 .LBB2_3-.Ltmp1, $4  }
0xd8: {  	v63 =	vmax.f32 v6, v62;
	vm6 =	vmand vm6, vm3  }
0xd9: {  	v6 =	vsel vm6, v63, v6  }
0xda: {  	v6 =	vmax.f32 v7, v6  }
0xdb: {  	s4 =	sadd.s32 $0x140, s4;
	[tilespmem:v5+s9+$0x0] =	vst.idx.msk vm5, v6  }
0xdc: {  	s4 =	sshrl.u32 s1, $0x3  }
0xdd: {  	s5 =	smul.u32 $0x50000, s4  }
0xde: {  	s8 =	sshll.u32 s1, $0x7;
	_ =	strace $0x9000004A  }
0xdf: {  	s20 =	simm.s32 $0x80;
	s10 =	simm.s32 $0x400;
	s9 =	sshrl.u32 s5, $0x2  }
0xe0: {  	s11 =	simm.s32 $0x7680;
	s5 =	sand.u32 $0x380, s8;
	s19 =	sadd.s32 s9, s7  }
0xe1: {  	s21 =	simm.s32 $0x1;
	_ =	strace $0x8000004B;
	s8 =	sadd.s32 s5, s19  }
0xe2: {  	[spmem:s8] =	stream.strided.scatter [tilespmem:s11], [sflag:$0x1], $0x2800, s10, s20, $0x200038;
	[tilespmem:$0x12380] =	vst v63  }
0xe3: {  	s22 =	smul.u32 $0x5000, s1;
	_ =	swait.ge [sflag:s21], $0x2800  }
0xe4: {  	s24 =	simm.s32 $0x1400;
	[sflag:s21] =	ssyncset.done $0x0  }
0xe5: {  	s25 =	simm.s32 $0x14000;
	s9 =	sshrl.u32 s22, $0x2;
	[sflag:s21] =	ssyncadd.s32 $0xFFFFD800  }
0xe6: {  	s26 =	simm.s32 $0xC680;
	s23 =	sadd.s32 s9, s7;
	[bflag:$0x0] =	sbarrier.arrive $0xFFFF  }
0xe7: {  	[tilespmem:s26], [sflag:$0x1] =	stream.strided.gather [spmem:s23], $0x2800, s25, s24, $0x200038;
	[tilespmem:$0x12380] =	vst v63  }
0xe8: {  	s28 =	simm.s32 $0x0;
	_ =	swait.ge [sflag:s21], $0x2800  }
0xe9: {  	s29 =	sand.u32 $0x70, s28;
	s7 =	sand.u32 $0x1C00, s28;
	[sflag:s21] =	ssyncset.done $0x0  }
0xea: {  	s7 =	sor.u32 s29, s7;
	[sflag:s21] =	ssyncadd.s32 $0xFFFFD800  }
0xeb: {  	v0 =	vld [tilespmem:s7+$0xC700]  }
0xec: {  	v1 =	vld [tilespmem:s7+$0xC680]  }
0xed: {  	v2 =	vld [tilespmem:s7+$0xC780]  }
0xee: {  	v3 =	vld [tilespmem:s7+$0xC800]  }
0xef: {  	v4 =	vld [tilespmem:s7+$0xC880]  }
0xf0: {  	v5 =	vld [tilespmem:s7+$0xC900]  }
0xf1: {  	v54 =	vld [tilespmem:s7+$0xC980];
	v0 =	vmax.f32 v1, v0  }
0xf2: {  	v55 =	vld [tilespmem:s7+$0xCA00];
	v0 =	vmax.f32 v0, v2  }
0xf3: {  	v56 =	vld [tilespmem:s7+$0xDA80];
	v0 =	vmax.f32 v0, v3  }
0xf4: {  	v57 =	vld [tilespmem:s7+$0xDB00];
	v0 =	vmax.f32 v0, v4  }
0xf5: {  	v58 =	vld [tilespmem:s7+$0xDB80];
	v0 =	vmax.f32 v0, v5  }
0xf6: {  	v59 =	vld [tilespmem:s7+$0xDC00];
	v0 =	vmax.f32 v0, v54  }
0xf7: {  	v60 =	vld [tilespmem:s7+$0xDC80];
	v0 =	vmax.f32 v0, v55  }
0xf8: {  	v61 =	vld [tilespmem:s7+$0xDD00];
	v0 =	vmax.f32 v0, v56  }
0xf9: {  	v62 =	vld [tilespmem:s7+$0xDD80];
	v0 =	vmax.f32 v0, v57  }
0xfa: {  	v63 =	vld [tilespmem:s7+$0xDE00];
	v0 =	vmax.f32 v0, v58  }
0xfb: {  	v0 =	vmax.f32 v0, v59  }
0xfc: {  	v0 =	vmax.f32 v0, v60  }
0xfd: {  	v0 =	vmax.f32 v0, v61  }
0xfe: {  	s30 =	simm.s32 $0x10;
	s9 =	simm.s32 $0x80;
	v0 =	vmax.f32 v0, v62  }
0xff: {  	s8 =	sand.u32 $0x70, s30;
	s31 =	sand.u32 $0x1C00, s9;
	s7 =	simm.s32 $0xEE80;
	v0 =	vmax.f32 v0, v63  }
0x100: {  	s10 =	simm.s32 $0x20;
	s8 =	sor.u32 s8, s31;
	[tilespmem:s7+$0x0] =	vst v0  }
.LBB2_5:
0x101: {  	p0 =	sne.s32 s10, $0x270;
	v0 =	vld [tilespmem:s8+$0xC700]  }
0x102: {  	v1 =	vld [tilespmem:s8+$0xC680]  }
0x103: {  	v2 =	vld [tilespmem:s8+$0xC780]  }
0x104: {  	v3 =	vld [tilespmem:s8+$0xC800]  }
0x105: {  	v4 =	vld [tilespmem:s8+$0xC880]  }
0x106: {  	v5 =	vld [tilespmem:s8+$0xC900]  }
0x107: {  	v0 =	vmax.f32 v1, v0;
	v1 =	vld [tilespmem:s8+$0xC980]  }
0x108: {  	v0 =	vmax.f32 v0, v2;
	v2 =	vld [tilespmem:s8+$0xCA00]  }
0x109: {  	v0 =	vmax.f32 v0, v3;
	v3 =	vld [tilespmem:s8+$0xDA80]  }
0x10a: {  	v0 =	vmax.f32 v0, v4;
	v4 =	vld [tilespmem:s8+$0xDB00]  }
0x10b: {  	v0 =	vmax.f32 v0, v5;
	v5 =	vld [tilespmem:s8+$0xDB80]  }
0x10c: {  	v0 =	vmax.f32 v0, v1;
	v1 =	vld [tilespmem:s8+$0xDC00]  }
0x10d: {  	v0 =	vmax.f32 v0, v2;
	v2 =	vld [tilespmem:s8+$0xDC80]  }
0x10e: {  	v0 =	vmax.f32 v0, v3;
	v3 =	vld [tilespmem:s8+$0xDD00]  }
0x10f: {  	v0 =	vmax.f32 v0, v4;
	v4 =	vld [tilespmem:s8+$0xDD80]  }
0x110: {  	v0 =	vmax.f32 v0, v5;
	v5 =	vld [tilespmem:s8+$0xDE00]  }
0x111: {  	v0 =	vmax.f32 v0, v1  }
.Ltmp2:
0x112: {  	v0 =	vmax.f32 v0, v2;
	(pc) =	sbr.rel @p0 .LBB2_5-.Ltmp2, $4  }
0x113: {  	v0 =	vmax.f32 v0, v3  }
0x114: {  	s9 =	sadd.s32 $0x80, s9;
	v0 =	vmax.f32 v0, v4  }
0x115: {  	s7 =	sadd.s32 $0x10, s7;
	s11 =	sand.u32 $0x1C00, s9;
	s8 =	sand.u32 $0x70, s10;
	v0 =	vmax.f32 v0, v5  }
0x116: {  	s10 =	sadd.s32 $0x10, s10;
	s8 =	sor.u32 s8, s11;
	[tilespmem:s7+$0x0] =	vst v0  }
0x117: {  	v0 =	vld [tilespmem:s8+$0xC700]  }
0x118: {  	v1 =	vld [tilespmem:s8+$0xC680]  }
0x119: {  	v2 =	vld [tilespmem:s8+$0xC780]  }
0x11a: {  	v3 =	vld [tilespmem:s8+$0xC800]  }
0x11b: {  	v4 =	vld [tilespmem:s8+$0xC880]  }
0x11c: {  	v5 =	vld [tilespmem:s8+$0xC900]  }
0x11d: {  	v39 =	vld [tilespmem:s8+$0xC980];
	v0 =	vmax.f32 v1, v0  }
0x11e: {  	v40 =	vld [tilespmem:s8+$0xCA00];
	v0 =	vmax.f32 v0, v2  }
0x11f: {  	v41 =	vld [tilespmem:s8+$0xDA80];
	v0 =	vmax.f32 v0, v3  }
0x120: {  	v42 =	vld [tilespmem:s8+$0xDB00];
	v0 =	vmax.f32 v0, v4  }
0x121: {  	v43 =	vld [tilespmem:s8+$0xDB80];
	v0 =	vmax.f32 v0, v5  }
0x122: {  	v44 =	vld [tilespmem:s8+$0xDC00];
	v0 =	vmax.f32 v0, v39  }
0x123: {  	v45 =	vld [tilespmem:s8+$0xDC80];
	v0 =	vmax.f32 v0, v40  }
0x124: {  	v46 =	vld [tilespmem:s8+$0xDD00];
	v0 =	vmax.f32 v0, v41  }
0x125: {  	v47 =	vld [tilespmem:s8+$0xDD80];
	v0 =	vmax.f32 v0, v42  }
0x126: {  	v48 =	vld [tilespmem:s8+$0xDE00];
	v0 =	vmax.f32 v0, v43  }
0x127: {  	v0 =	vmax.f32 v0, v44  }
0x128: {  	v0 =	vmax.f32 v0, v45  }
0x129: {  	v0 =	vmax.f32 v0, v46  }
0x12a: {  	s29 =	smul.u32 $0x280, s1;
	v0 =	vmax.f32 v0, v47  }
0x12b: {  	s7 =	sadd.s32 $0x10, s7;
	v0 =	vmax.f32 v0, v48  }
0x12c: {  	s9 =	simm.s32 $0xEE80;
	s10 =	simm.s32 $0x1;
	s30 =	sadd.s32 s29, s6;
	[tilespmem:s7+$0x0] =	vst v0  }
0x12d: {  	[spmem:s30] =	stream.linear.scatter [tilespmem:s9], [sflag:$0x1], $0x280, $0x200038;
	[tilespmem:$0x12380] =	vst v63  }
0x12e: {  	_ =	swait.ge [sflag:s10], $0x280  }
0x12f: {  	[sflag:s10] =	ssyncset.done $0x0  }
0x130: {  	v49 =	vimm.f32 $0.0e+00;
	[sflag:s10] =	ssyncadd.s32 $0xFFFFFD80  }
0x131: {  	[tilespmem:$0xEE80] =	vst v49  }
0x132: {  	[tilespmem:$0xEE90] =	vst v49  }
0x133: {  	[tilespmem:$0xEEA0] =	vst v49  }
0x134: {  	[tilespmem:$0xEEB0] =	vst v49  }
0x135: {  	[tilespmem:$0xEEC0] =	vst v49  }
0x136: {  	[tilespmem:$0xEED0] =	vst v49  }
0x137: {  	[tilespmem:$0xEEE0] =	vst v49  }
0x138: {  	[tilespmem:$0xEEF0] =	vst v49  }
0x139: {  	[tilespmem:$0xEF00] =	vst v49  }
0x13a: {  	[tilespmem:$0xEF10] =	vst v49  }
0x13b: {  	[tilespmem:$0xEF20] =	vst v49  }
0x13c: {  	[tilespmem:$0xEF30] =	vst v49  }
0x13d: {  	[tilespmem:$0xEF40] =	vst v49  }
0x13e: {  	[tilespmem:$0xEF50] =	vst v49  }
0x13f: {  	[tilespmem:$0xEF60] =	vst v49  }
0x140: {  	[tilespmem:$0xEF70] =	vst v49  }
0x141: {  	[tilespmem:$0xEF80] =	vst v49  }
0x142: {  	[tilespmem:$0xEF90] =	vst v49  }
0x143: {  	[tilespmem:$0xEFA0] =	vst v49  }
0x144: {  	[tilespmem:$0xEFB0] =	vst v49  }
0x145: {  	[tilespmem:$0xEFC0] =	vst v49  }
0x146: {  	[tilespmem:$0xEFD0] =	vst v49  }
0x147: {  	[tilespmem:$0xEFE0] =	vst v49  }
0x148: {  	[tilespmem:$0xEFF0] =	vst v49  }
0x149: {  	[tilespmem:$0xF000] =	vst v49  }
0x14a: {  	[tilespmem:$0xF010] =	vst v49  }
0x14b: {  	[tilespmem:$0xF020] =	vst v49  }
0x14c: {  	[tilespmem:$0xF030] =	vst v49  }
0x14d: {  	[tilespmem:$0xF040] =	vst v49  }
0x14e: {  	[tilespmem:$0xF050] =	vst v49  }
0x14f: {  	[tilespmem:$0xF060] =	vst v49  }
0x150: {  	[tilespmem:$0xF070] =	vst v49  }
0x151: {  	[tilespmem:$0xF080] =	vst v49  }
0x152: {  	[tilespmem:$0xF090] =	vst v49  }
0x153: {  	[tilespmem:$0xF0A0] =	vst v49  }
0x154: {  	[tilespmem:$0xF0B0] =	vst v49  }
0x155: {  	[tilespmem:$0xF0C0] =	vst v49  }
0x156: {  	[tilespmem:$0xF0D0] =	vst v49  }
0x157: {  	[tilespmem:$0xF0E0] =	vst v49  }
0x158: {  	s31 =	sadd.s32 s29, s3;
	[tilespmem:$0xF0F0] =	vst v49  }
0x159: {  	[spmem:s31] =	stream.linear.scatter [tilespmem:s9], [sflag:$0x1], $0x280, $0x200038;
	[tilespmem:$0x12380] =	vst v63  }
0x15a: {  	_ =	swait.ge [sflag:s10], $0x280  }
0x15b: {  	[sflag:s10] =	ssyncset.done $0x0  }
0x15c: {  	[sflag:s10] =	ssyncadd.s32 $0xFFFFFD80  }
0x15d: {  	s7 =	simm.s32 $0x9E80;
	[bflag:$0x0] =	sbarrier.arrive $0xFFFF  }
0x15e: {  	[tilespmem:s7], [sflag:$0x1] =	stream.linear.gather [spmem:s6], $0x2800, $0x200038;
	[tilespmem:$0x12380] =	vst v63  }
0x15f: {  	_ =	swait.ge [sflag:s10], $0x2800  }
0x160: {  	[sflag:s10] =	ssyncset.done $0x0  }
0x161: {  	[sflag:s10] =	ssyncadd.s32 $0xFFFFD800  }
0x162: {  	_ =	strace $0x9000004B  }
0x163: {  	s6 =	simm.s32 $0x0;
	_ =	strace $0x8000004C  }
0x164: {  	v50 =	vld [tilespmem:s6+$0x2780];
	_ =	sdelay $0x6  }
0x165: {  	v51 =	vld [tilespmem:s6+$0x0]  }
0x166: {  	v0 =	vld.idx.msk [tilespmem:v50+s7+$0x0], $0xffff;
	_ =	sdelay $0x4  }
0x167: {  	v0 =	vsub.f32 v51, v0;
	_ =	sdelay $0x1  }
0x168: {  	v0 =	vmul.f32 $1.442695020e+00, v0;
	_ =	sdelay $0x1  }
0x169: {  	(erf) = vpow2.f32 v0;
	_ =	sdelay $0x2  }
0x16a: {  	v52 =	vld [tilespmem:s6+$0x2790];
	_ =	sdelay $0x5  }
0x16b: {  	v53 =	vpop (erf)  }
0x16c: {  	v54 =	vld [tilespmem:s6+$0x10];
	[tilespmem:s6+$0x4F00] =	vst v53  }
0x16d: {  	v0 =	vld.idx.msk [tilespmem:v52+s7+$0x0], $0xffff;
	_ =	sdelay $0x4  }
0x16e: {  	v0 =	vsub.f32 v54, v0;
	_ =	sdelay $0x1  }
0x16f: {  	v0 =	vmul.f32 $1.442695020e+00, v0;
	_ =	sdelay $0x1  }
0x170: {  	(erf) = vpow2.f32 v0;
	_ =	sdelay $0x2  }
0x171: {  	v55 =	vld [tilespmem:s6+$0x27A0];
	_ =	sdelay $0x5  }
0x172: {  	v56 =	vpop (erf)  }
0x173: {  	v57 =	vld [tilespmem:s6+$0x20];
	[tilespmem:s6+$0x4F10] =	vst v56  }
0x174: {  	v0 =	vld.idx.msk [tilespmem:v55+s7+$0x0], $0xffff;
	_ =	sdelay $0x4  }
0x175: {  	v0 =	vsub.f32 v57, v0;
	_ =	sdelay $0x1  }
0x176: {  	v0 =	vmul.f32 $1.442695020e+00, v0;
	_ =	sdelay $0x1  }
0x177: {  	(erf) = vpow2.f32 v0;
	_ =	sdelay $0x2  }
0x178: {  	v58 =	vld [tilespmem:s6+$0x27B0];
	_ =	sdelay $0x5  }
0x179: {  	v59 =	vpop (erf)  }
0x17a: {  	v60 =	vld [tilespmem:s6+$0x30];
	[tilespmem:s6+$0x4F20] =	vst v59  }
0x17b: {  	v0 =	vld.idx.msk [tilespmem:v58+s7+$0x0], $0xffff;
	_ =	sdelay $0x4  }
0x17c: {  	v0 =	vsub.f32 v60, v0;
	_ =	sdelay $0x1  }
0x17d: {  	v0 =	vmul.f32 $1.442695020e+00, v0;
	_ =	sdelay $0x1  }
0x17e: {  	(erf) = vpow2.f32 v0;
	_ =	sdelay $0x2  }
0x17f: {  	v61 =	vld [tilespmem:s6+$0x27C0];
	_ =	sdelay $0x5  }
0x180: {  	v62 =	vpop (erf)  }
0x181: {  	v63 =	vld [tilespmem:s6+$0x40];
	[tilespmem:s6+$0x4F30] =	vst v62  }
0x182: {  	v0 =	vld.idx.msk [tilespmem:v61+s7+$0x0], $0xffff;
	_ =	sdelay $0x4  }
0x183: {  	v0 =	vsub.f32 v63, v0;
	_ =	sdelay $0x1  }
0x184: {  	v0 =	vmul.f32 $1.442695020e+00, v0;
	_ =	sdelay $0x1  }
0x185: {  	(erf) = vpow2.f32 v0;
	_ =	sdelay $0x1  }
0x186: {  	s8 =	simm.s32 $0x280;
	s9 =	simm.s32 $0x50  }
.LBB2_7:
0x187: {  	p0 =	sne.s32 s8, $0x9B00;
	v0 =	vld [tilespmem:s9+$0x2780];
	_ =	sdelay $0x5  }
0x188: {  	v1 =	vpop (erf)  }
0x189: {  	[tilespmem:s6+$0x4F40] =	vst v1;
	s6 =	smov.u32 s9  }
0x18a: {  	v0 =	vld.idx.msk [tilespmem:v0+s7+$0x0], $0xffff  }
0x18b: {  	v1 =	vld [tilespmem:s6+$0x0];
	_ =	sdelay $0x4  }
0x18c: {  	v0 =	vsub.f32 v1, v0;
	_ =	sdelay $0x1  }
0x18d: {  	v0 =	vmul.f32 $1.442695020e+00, v0;
	_ =	sdelay $0x1  }
0x18e: {  	(erf) = vpow2.f32 v0;
	_ =	sdelay $0x2  }
0x18f: {  	v0 =	vld [tilespmem:s6+$0x2790];
	_ =	sdelay $0x5  }
0x190: {  	v1 =	vpop (erf)  }
0x191: {  	[tilespmem:s6+$0x4F00] =	vst v1  }
0x192: {  	v0 =	vld.idx.msk [tilespmem:v0+s7+$0x0], $0xffff  }
0x193: {  	v1 =	vld [tilespmem:s6+$0x10];
	_ =	sdelay $0x4  }
0x194: {  	v0 =	vsub.f32 v1, v0;
	_ =	sdelay $0x1  }
0x195: {  	v0 =	vmul.f32 $1.442695020e+00, v0;
	_ =	sdelay $0x1  }
0x196: {  	(erf) = vpow2.f32 v0;
	_ =	sdelay $0x2  }
0x197: {  	v0 =	vld [tilespmem:s6+$0x27A0];
	_ =	sdelay $0x5  }
0x198: {  	v1 =	vpop (erf)  }
0x199: {  	[tilespmem:s6+$0x4F10] =	vst v1  }
0x19a: {  	v0 =	vld.idx.msk [tilespmem:v0+s7+$0x0], $0xffff  }
0x19b: {  	v1 =	vld [tilespmem:s6+$0x20];
	_ =	sdelay $0x4  }
0x19c: {  	v0 =	vsub.f32 v1, v0;
	_ =	sdelay $0x1  }
0x19d: {  	v0 =	vmul.f32 $1.442695020e+00, v0;
	_ =	sdelay $0x1  }
0x19e: {  	(erf) = vpow2.f32 v0;
	_ =	sdelay $0x2  }
0x19f: {  	v0 =	vld [tilespmem:s6+$0x27B0];
	_ =	sdelay $0x5  }
0x1a0: {  	v1 =	vpop (erf)  }
0x1a1: {  	[tilespmem:s6+$0x4F20] =	vst v1  }
0x1a2: {  	v0 =	vld.idx.msk [tilespmem:v0+s7+$0x0], $0xffff  }
0x1a3: {  	v1 =	vld [tilespmem:s6+$0x30];
	_ =	sdelay $0x4  }
0x1a4: {  	v0 =	vsub.f32 v1, v0;
	_ =	sdelay $0x1  }
0x1a5: {  	v0 =	vmul.f32 $1.442695020e+00, v0;
	_ =	sdelay $0x1  }
0x1a6: {  	(erf) = vpow2.f32 v0;
	_ =	sdelay $0x2  }
0x1a7: {  	v0 =	vld [tilespmem:s6+$0x27C0];
	_ =	sdelay $0x5  }
0x1a8: {  	v1 =	vpop (erf)  }
0x1a9: {  	[tilespmem:s6+$0x4F30] =	vst v1  }
0x1aa: {  	v0 =	vld.idx.msk [tilespmem:v0+s7+$0x0], $0xffff  }
0x1ab: {  	v1 =	vld [tilespmem:s6+$0x40];
	_ =	sdelay $0x4  }
0x1ac: {  	v0 =	vsub.f32 v1, v0;
	_ =	sdelay $0x1  }
.Ltmp3:
0x1ad: {  	v0 =	vmul.f32 $1.442695020e+00, v0;
	(pc) =	sbr.rel @p0 .LBB2_7-.Ltmp3, $3  }
0x1ae: {  	_ = 	snop  }
0x1af: {  	(erf) = vpow2.f32 v0;
	_ =	sdelay $0x1  }
0x1b0: {  	s9 =	sshra.s32 s8, $0x2;
	s8 =	sadd.s32 $0x140, s8  }
0x1b1: {  	v0 =	vld [tilespmem:s9+$0x2780];
	_ =	sdelay $0x5  }
0x1b2: {  	v1 =	vpop (erf)  }
0x1b3: {  	[tilespmem:s6+$0x4F40] =	vst v1  }
0x1b4: {  	v0 =	vld.idx.msk [tilespmem:v0+s7+$0x0], $0xffff  }
0x1b5: {  	v1 =	vld [tilespmem:s9+$0x0];
	_ =	sdelay $0x4  }
0x1b6: {  	v0 =	vsub.f32 v1, v0;
	_ =	sdelay $0x1  }
0x1b7: {  	v0 =	vmul.f32 $1.442695020e+00, v0;
	_ =	sdelay $0x1  }
0x1b8: {  	(erf) = vpow2.f32 v0;
	_ =	sdelay $0x2  }
0x1b9: {  	v0 =	vld [tilespmem:s9+$0x2790];
	_ =	sdelay $0x5  }
0x1ba: {  	v1 =	vpop (erf)  }
0x1bb: {  	[tilespmem:s9+$0x4F00] =	vst v1;
	v1 =	vld [tilespmem:s9+$0x10]  }
0x1bc: {  	v0 =	vld.idx.msk [tilespmem:v0+s7+$0x0], $0xffff;
	_ =	sdelay $0x4  }
0x1bd: {  	v0 =	vsub.f32 v1, v0;
	_ =	sdelay $0x1  }
0x1be: {  	v0 =	vmul.f32 $1.442695020e+00, v0;
	_ =	sdelay $0x1  }
0x1bf: {  	(erf) = vpow2.f32 v0;
	_ =	sdelay $0x2  }
0x1c0: {  	v0 =	vld [tilespmem:s9+$0x27A0];
	_ =	sdelay $0x5  }
0x1c1: {  	v1 =	vpop (erf)  }
0x1c2: {  	[tilespmem:s9+$0x4F10] =	vst v1;
	v1 =	vld [tilespmem:s9+$0x20]  }
0x1c3: {  	v0 =	vld.idx.msk [tilespmem:v0+s7+$0x0], $0xffff;
	_ =	sdelay $0x4  }
0x1c4: {  	v0 =	vsub.f32 v1, v0;
	_ =	sdelay $0x1  }
0x1c5: {  	v0 =	vmul.f32 $1.442695020e+00, v0;
	_ =	sdelay $0x1  }
0x1c6: {  	(erf) = vpow2.f32 v0;
	_ =	sdelay $0x2  }
0x1c7: {  	v0 =	vld [tilespmem:s9+$0x27B0];
	_ =	sdelay $0x5  }
0x1c8: {  	v1 =	vpop (erf)  }
0x1c9: {  	[tilespmem:s9+$0x4F20] =	vst v1;
	v1 =	vld [tilespmem:s9+$0x30]  }
0x1ca: {  	v0 =	vld.idx.msk [tilespmem:v0+s7+$0x0], $0xffff;
	_ =	sdelay $0x4  }
0x1cb: {  	v0 =	vsub.f32 v1, v0;
	_ =	sdelay $0x1  }
0x1cc: {  	v0 =	vmul.f32 $1.442695020e+00, v0;
	_ =	sdelay $0x1  }
0x1cd: {  	(erf) = vpow2.f32 v0;
	_ =	sdelay $0x2  }
0x1ce: {  	v0 =	vld [tilespmem:s9+$0x27C0];
	_ =	sdelay $0x5  }
0x1cf: {  	v1 =	vpop (erf)  }
0x1d0: {  	[tilespmem:s9+$0x4F30] =	vst v1;
	v1 =	vld [tilespmem:s9+$0x40]  }
0x1d1: {  	v0 =	vld.idx.msk [tilespmem:v0+s7+$0x0], $0xffff;
	_ =	sdelay $0x4  }
0x1d2: {  	v0 =	vsub.f32 v1, v0;
	_ =	sdelay $0x1  }
0x1d3: {  	v0 =	vmul.f32 $1.442695020e+00, v0;
	_ =	sdelay $0x1  }
0x1d4: {  	(erf) = vpow2.f32 v0;
	_ =	sdelay $0x8  }
0x1d5: {  	v0 =	vpop (erf)  }
0x1d6: {  	[tilespmem:s9+$0x4F40] =	vst v0  }
0x1d7: {  	s28 =	simm.s32 $0x2710;
	s29 =	simm.s32 $0x2780;
	_ =	strace $0x9000004C  }
0x1d8: {  	s8 =	simm.s32 $0x4F00;
	s30 =	simm.s32 $0x1;
	_ =	strace $0x8000004D  }
0x1d9: {  	[spmem:s3] =	stream.indirect.scatter.add.f32 [tilespmem:s8], [sflag:$0x1], $0x1, s29, s28, $0x2000b8;
	[tilespmem:$0x12380] =	vst v63  }
0x1da: {  	_ =	swait.ge [sflag:s30], $0x2710  }
0x1db: {  	[sflag:s30] =	ssyncset.done $0x0  }
0x1dc: {  	[sflag:s30] =	ssyncadd.s32 $0xFFFFD8F0  }
0x1dd: {  	s6 =	simm.s32 $0x9E80;
	[bflag:$0x0] =	sbarrier.arrive $0xFFFF  }
0x1de: {  	[tilespmem:s6], [sflag:$0x1] =	stream.linear.gather [spmem:s3], $0x2800, $0x200038;
	[tilespmem:$0x12380] =	vst v63  }
0x1df: {  	_ =	swait.ge [sflag:s30], $0x2800  }
0x1e0: {  	[sflag:s30] =	ssyncset.done $0x0  }
0x1e1: {  	[sflag:s30] =	ssyncadd.s32 $0xFFFFD800  }
0x1e2: {  	_ =	strace $0x9000004D  }
0x1e3: {  	s31 =	simm.s32 $0x0;
	_ =	strace $0x8000004E  }
0x1e4: {  	v0 =	vld [tilespmem:s31+$0x2780];
	_ =	sdelay $0x1  }
0x1e5: {  	v1 =	vld [tilespmem:s31+$0x2790];
	_ =	sdelay $0x2  }
0x1e6: {  	v2 =	vld [tilespmem:s31+$0x27A0];
	_ =	sdelay $0x1  }
0x1e7: {  	v3 =	vld [tilespmem:s31+$0x27B0]  }
0x1e8: {  	v0 =	vld.idx.msk [tilespmem:v0+s6+$0x0], $0xffff  }
0x1e9: {  	v4 =	vld [tilespmem:s31+$0x27C0]  }
0x1ea: {  	v1 =	vld.idx.msk [tilespmem:v1+s6+$0x0], $0xffff;
	_ =	sdelay $0x1  }
0x1eb: {  	v6 =	vld [tilespmem:s31+$0x4F20]  }
0x1ec: {  	s3 =	simm.s32 $0x50;
	v2 =	vld.idx.msk [tilespmem:v2+s6+$0x0], $0xffff;
	(erf) = vrcp.f32 v0  }
0x1ed: {  	v0 =	vld [tilespmem:s3+$0x2780]  }
0x1ee: {  	v3 =	vld.idx.msk [tilespmem:v3+s6+$0x0], $0xffff;
	(erf) = vrcp.f32 v1  }
0x1ef: {  	v5 =	vld [tilespmem:s31+$0x4F00]  }
0x1f0: {  	v7 =	vld.idx.msk [tilespmem:v4+s6+$0x0], $0xffff  }
0x1f1: {  	v4 =	vld [tilespmem:s3+$0x2790];
	(erf) = vrcp.f32 v2  }
0x1f2: {  	v8 =	vld [tilespmem:s3+$0x27A0]  }
0x1f3: {  	v9 =	vld [tilespmem:s31+$0x4F10];
	(erf) = vrcp.f32 v3  }
0x1f4: {  	v10 =	vld [tilespmem:s3+$0x27B0]  }
0x1f5: {  	v11 =	vld.idx.msk [tilespmem:v0+s6+$0x0], $0xffff;
	v0 =	vpop (erf);
	(erf) = vrcp.f32 v7  }
0x1f6: {  	v1 =	vld [tilespmem:s3+$0x27C0]  }
0x1f7: {  	v2 =	vld [tilespmem:s31+$0x4F40];
	v0 =	vmul.f32 v0, v5;
	v12 =	vpop (erf)  }
0x1f8: {  	v3 =	vld [tilespmem:s31+$0x4F30];
	v5 =	vimm.f32 $0.0e+00;
	v9 =	vmul.f32 v12, v9  }
0x1f9: {  	v4 =	vld.idx.msk [tilespmem:v4+s6+$0x0], $0xffff;
	v13 =	vadd.f32 v0, v5  }
0x1fa: {  	v5 =	vld.idx.msk [tilespmem:v8+s6+$0x0], $0xffff;
	v8 =	vpop (erf)  }
0x1fb: {  	v0 =	vld [tilespmem:s3+$0x4F20];
	v8 =	vmul.f32 v8, v6;
	v7 =	vadd.f32 v9, v13  }
0x1fc: {  	s7 =	simm.s32 $0xA0;
	s8 =	simm.s32 $0x3C0;
	v6 =	vld.idx.msk [tilespmem:v10+s6+$0x0], $0xffff;
	(erf) = vrcp.f32 v11;
	v9 =	vpop (erf)  }
.LBB2_9:
0x1fd: {  	p0 =	sne.s32 s8, $0x9B00;
	v10 =	vld [tilespmem:s7+$0x2780];
	v7 =	vadd.f32 v8, v7;
	v3 =	vmul.f32 v9, v3  }
0x1fe: {  	v8 =	vld.idx.msk [tilespmem:v1+s6+$0x0], $0xffff;
	(erf) = vrcp.f32 v4;
	v1 =	vpop (erf)  }
0x1ff: {  	v4 =	vld [tilespmem:s7+$0x2790];
	v3 =	vadd.f32 v3, v7;
	v1 =	vmul.f32 v1, v2  }
0x200: {  	v2 =	vld [tilespmem:s3+$0x4F00];
	(erf) = vrcp.f32 v5  }
0x201: {  	v5 =	vld [tilespmem:s7+$0x27A0];
	v7 =	vadd.f32 v1, v3  }
0x202: {  	v9 =	vld [tilespmem:s3+$0x4F10];
	(erf) = vrcp.f32 v6  }
0x203: {  	v6 =	vld [tilespmem:s7+$0x27B0]  }
0x204: {  	v1 =	vld [tilespmem:s7+$0x27C0];
	(erf) = vrcp.f32 v8  }
0x205: {  	v10 =	vld.idx.msk [tilespmem:v10+s6+$0x0], $0xffff;
	v3 =	vpop (erf)  }
0x206: {  	v2 =	vmul.f32 v3, v2;
	v3 =	vld [tilespmem:s3+$0x4F30]  }
.Ltmp4:
0x207: {  	v4 =	vld.idx.msk [tilespmem:v4+s6+$0x0], $0xffff;
	v8 =	vpop (erf);
	(pc) =	sbr.rel @p0 .LBB2_9-.Ltmp4, $4  }
0x208: {  	v7 =	vadd.f32 v2, v7;
	v8 =	vmul.f32 v8, v9;
	v2 =	vld [tilespmem:s3+$0x4F40];
	s3 =	smov.u32 s7  }
0x209: {  	v5 =	vld.idx.msk [tilespmem:v5+s6+$0x0], $0xffff;
	v9 =	vpop (erf)  }
0x20a: {  	v7 =	vadd.f32 v8, v7;
	v8 =	vmul.f32 v9, v0;
	v0 =	vld [tilespmem:s3+$0x4F20]  }
0x20b: {  	s7 =	sshra.s32 s8, $0x2;
	s8 =	sadd.s32 $0x140, s8;
	v6 =	vld.idx.msk [tilespmem:v6+s6+$0x0], $0xffff;
	(erf) = vrcp.f32 v10;
	v9 =	vpop (erf)  }
0x20c: {  	_ = 	snop  }
0x20d: {  	v10 =	vld [tilespmem:s7+$0x2780];
	_ =	sdelay $0x1  }
0x20e: {  	v11 =	vld [tilespmem:s7+$0x2790]  }
0x20f: {  	v1 =	vld.idx.msk [tilespmem:v1+s6+$0x0], $0xffff  }
0x210: {  	v12 =	vld [tilespmem:s7+$0x27A0]  }
0x211: {  	(erf) = vrcp.f32 v4;
	v32 =	vld [tilespmem:s3+$0x4F00]  }
0x212: {  	v13 =	vld [tilespmem:s7+$0x27B0]  }
0x213: {  	v33 =	vld [tilespmem:s7+$0x27C0];
	(erf) = vrcp.f32 v5  }
0x214: {  	v10 =	vld.idx.msk [tilespmem:v10+s6+$0x0], $0xffff  }
0x215: {  	v7 =	vadd.f32 v8, v7;
	v3 =	vmul.f32 v9, v3;
	v34 =	vld [tilespmem:s3+$0x4F10];
	(erf) = vrcp.f32 v6  }
0x216: {  	v35 =	vpop (erf);
	v36 =	vld.idx.msk [tilespmem:v11+s6+$0x0], $0xffff  }
0x217: {  	v3 =	vadd.f32 v3, v7;
	v2 =	vmul.f32 v35, v2;
	(erf) = vrcp.f32 v1  }
0x218: {  	v37 =	vpop (erf);
	v38 =	vld.idx.msk [tilespmem:v12+s6+$0x0], $0xffff  }
0x219: {  	v39 =	vld [tilespmem:s3+$0x4F30];
	v2 =	vadd.f32 v2, v3;
	v1 =	vmul.f32 v37, v32;
	(erf) = vrcp.f32 v10  }
0x21a: {  	v41 =	vld.idx.msk [tilespmem:v13+s6+$0x0], $0xffff;
	v40 =	vpop (erf)  }
0x21b: {  	v43 =	vld [tilespmem:s3+$0x4F40];
	v42 =	vmul.f32 v40, v34;
	v1 =	vadd.f32 v1, v2;
	(erf) = vrcp.f32 v36  }
0x21c: {  	v5 =	vld.idx.msk [tilespmem:v33+s6+$0x0], $0xffff;
	v44 =	vpop (erf)  }
0x21d: {  	v0 =	vmul.f32 v44, v0;
	v1 =	vadd.f32 v42, v1;
	(erf) = vrcp.f32 v38  }
0x21e: {  	v46 =	vld [tilespmem:s7+$0x4F00];
	v45 =	vpop (erf)  }
0x21f: {  	v47 =	vmul.f32 v45, v39;
	v0 =	vadd.f32 v0, v1;
	(erf) = vrcp.f32 v41  }
0x220: {  	v49 =	vld [tilespmem:s7+$0x4F10];
	v48 =	vpop (erf)  }
0x221: {  	v50 =	vmul.f32 v48, v43;
	v0 =	vadd.f32 v47, v0;
	(erf) = vrcp.f32 v5  }
0x222: {  	v51 =	vld [tilespmem:s7+$0x4F20];
	v52 =	vpop (erf)  }
0x223: {  	v0 =	vadd.f32 v50, v0;
	v53 =	vmul.f32 v52, v46  }
0x224: {  	v54 =	vld [tilespmem:s7+$0x4F30];
	v55 =	vpop (erf)  }
0x225: {  	v56 =	vmul.f32 v55, v49;
	v0 =	vadd.f32 v53, v0  }
0x226: {  	v57 =	vld [tilespmem:s7+$0x4F40];
	v58 =	vpop (erf)  }
0x227: {  	v59 =	vmul.f32 v58, v51;
	v0 =	vadd.f32 v56, v0  }
0x228: {  	v60 =	vpop (erf)  }
0x229: {  	v61 =	vmul.f32 v60, v54;
	v0 =	vadd.f32 v59, v0  }
0x22a: {  	v62 =	vpop (erf)  }
0x22b: {  	v63 =	vmul.f32 v62, v57;
	v0 =	vadd.f32 v61, v0  }
0x22c: {  	s28 =	sshll.u32 s4, $0xA  }
0x22d: {  	s3 =	sor.u32 s5, s28;
	v0 =	vadd.f32 v63, v0  }
0x22e: {  	s29 =	simm.s32 $0x0;
	s3 =	sshrl.u32 s3, $0x3  }
0x22f: {  	s30 =	simm.s32 $0xF600;
	s31 =	simm.s32 $0x1;
	s2 =	sadd.s32 s2, s3;
	[tilespmem:$0xF600] =	vst v0  }
0x230: {  	[hbm4b:s2+s29] =	stream.linear.scatter [tilespmem:s30], [sflag:$0x1], $0x80, $0x200038;
	[tilespmem:$0x12380] =	vst v63  }
0x231: {  	_ =	swait.ge [sflag:s31], $0x80  }
0x232: {  	[sflag:s31] =	ssyncset.done $0x0  }
0x233: {  	[sflag:s31] =	ssyncadd.s32 $0xFFFFFF80  }
0x234: {  	_ =	strace $0x9000004E  }
0x235: {  	_ =	sfence.sel $0x180000  }
0x236: {  	[bflag:$0x0] =	sbarrier.arrive $0xFFFF  }
0x237: {  	p0 =	sne.s32 s1, $0x0;
	_ =	strace $0x90000047  }
0x238: {  	s0 =	sadd.s32 @!p0 $0x100000, s0;
	[bflag:$0x2] =	sbarrier.arrive $0xFFFF  }
0x239: {  	[sflag:s0] =	ssyncadd.tile.s32 @!p0 $0x1;
	_ =	shalt  }
.Lfunc_end2:
_tile_overlayer_lowered:
.L_overlay_start_2:
0x23a: {  	(tag) =	ssettag $0x2  }
0x23b: {  	s0 =	rddreg [dreg:$0x0];
	s2 =	stileid.u32  }
0x23c: {  	s1 =	rddreg [dreg:$0x1];
	p0 =	sne.s32 s2, $0x0  }
0x23d: {  	s3 =	rddreg [dreg:$0x2];
	[bflag:$0x3] =	sbarrier.arrive $0xFFFF;
	s2 =	simm.s32 @!p0 $0x1C01  }
0x23e: {  	[timem:s3], [sflag:s2] =	dma.local @!p0 [hbm:s0], s1  }
0x23f: {  	s0 =	simm.s32 @!p0 $0x1  }
0x240: {  	_ =	swait.ge @!p0 [sflag:s0], s1  }
0x241: {  	s1 =	ssub.s32 @!p0 $0x0, s1;
	[sflag:s0] =	ssyncset.done @!p0 $0x0  }
0x242: {  	[sflag:s0] =	ssyncadd.s32 @!p0 s1  }
0x243: {  	[bflag:$0x3] =	sbarrier.arrive $0xFFFF  }
0x244: {  	_ =	shalt  }

// kernel: kernel.5.cloned.1.call-start
scs
__scs_entry_jumppad:
0x0: {  	(pc) =	sbr.rel $0x88, $3  }
0x1: {  	(tag) =	ssettag $0x0;
	lr =	simm.s32 $0x1  }
0x2: {  	[smem:$0x3F9D] =	sst lr;
	_ =	strace $0xD0000000  }
0x3: {  	_ = 	snop  }
0x4: {  	_ = 	snop  }
0x5: {  	_ = 	snop  }
0x6: {  	_ = 	snop  }
0x7: {  	_ = 	snop  }
__scs_overlays_trampoline_lowered:
0x8: {  	[smem:$0x3FAC] =	sst s0  }
0x9: {  	[smem:$0x3FAD] =	sst s1  }
0xa: {  	[smem:$0x3FAE] =	sst s2  }
0xb: {  	[smem:$0x3FAF] =	sst s3  }
0xc: {  	[smem:$0x3FB0] =	sst s4  }
0xd: {  	[smem:$0x3FB1] =	sst s5  }
0xe: {  	[smem:$0x3FB2] =	sst s6  }
0xf: {  	[smem:$0x3FB3] =	sst s7  }
0x10: {  	[smem:$0x3FB4] =	sst s8  }
0x11: {  	[smem:$0x3FB5] =	sst s9;
	s0 =	simm.s32 @!p0 $0x0  }
0x12: {  	s1 =	sld [smem:$0x3F9B];
	s0 =	simm.s32 @p0 $0x1  }
0x13: {  	[smem:$0x3FB6] =	sst s0;
	s0 =	simm.s32 @!p1 $0x0  }
0x14: {  	s2 =	sld [smem:$0x3F9A];
	s0 =	simm.s32 @p1 $0x1  }
0x15: {  	[smem:$0x3FB7] =	sst s0;
	s0 =	simm.s32 @!p2 $0x0  }
0x16: {  	s3 =	sld [smem:$0x3FDB];
	s0 =	simm.s32 @p2 $0x1  }
0x17: {  	s4 =	simm.s32 $0x1BF5;
	[smem:$0x3FB9] =	sst s0  }
0x18: {  	s0 =	sld [smem:$0x3F9C];
	_ =	swait.ge [sflag:s4], $0x0  }
0x19: {  	s7 =	sld [smem:$0x3F9D]  }
0x1a: {  	s8 =	sadd.s32 $0xFFFFE003, lr  }
0x1b: {  	s9 =	sadd.s32 $0xFFFFFEF7, lr;
	s5 =	simm.s32 $0xFFFFFFFF;
	p2 =	slt.u32 s8, $0xFFFFF086  }
0x1c: {  	p1 =	slt.u32 s9, $0xF7A;
	s5 =	simm.s32 @!p2 $0x0  }
0x1d: {  	s5 =	simm.s32 @p1 $0x1;
	p0 =	seq.s32 s7, s2  }
0x1e: {  	s7 =	smul.u32 @!p0 $0xF7A, s2;
	p2 =	seq.s32 @!p0 s5, $0x0  }
0x1f: {  	s9 =	smul.u32 $0xF7A, s1;
	s8 =	simm.s32 @!p0 $0x1BF5;
	p2 =	por !p2, p0  }
0x20: {  	[sflag:s8] =	ssyncset.s32 @!p0 $0xFFFFF086;
	s6 =	sadd.s32 @!p0 s3, s7;
	s7 =	simm.s32 @!p0 $0x108  }
0x21: {  	s3 =	sadd.s32 s3, s9;
	s6 =	sadd.s32 @!p0 $0x88, s6;
	s7 =	simm.s32 @p2 $0x1082  }
0x22: {  	[simem:s7], [sflag:s8] =	dma.local @!p0 [hbm:s6], $0xF7A  }
0x23: {  	s9 =	sor.u32 $0xD0000000, s2;
	s6 =	simm.s32 $0x108;
	_ =	swait.ge @!p0 [sflag:s8], $0x0  }
0x24: {  	s3 =	sadd.s32 $0x88, s3;
	s6 =	simm.s32 @!p1 $0x1082;
	[sflag:s4] =	ssyncset.s32 $0xFFFFF086  }
0x25: {  	[simem:s6], [sflag:s4] =	dma.local [hbm:s3], $0xF7A  }
0x26: {  	[smem:$0x3F9D] =	sst s1;
	(tag) =	ssettag s2;
	_ =	strace s9  }
0x27: {  	s1 =	sld [smem:$0x3FAD]  }
0x28: {  	s2 =	sld [smem:$0x3FAE]  }
0x29: {  	s4 =	sld [smem:$0x3FB0]  }
0x2a: {  	p0 =	seq.s32 s5, $0x0;
	s5 =	sld [smem:$0x3FB1]  }
0x2b: {  	s6 =	sld [smem:$0x3FB2]  }
0x2c: {  	s7 =	sld [smem:$0x3FB3]  }
0x2d: {  	s3 =	simm.s32 $0x108;
	s8 =	sld [smem:$0x3FB4]  }
0x2e: {  	s3 =	simm.s32 @!p0 $0x1082;
	s9 =	sld [smem:$0x3FB5]  }
0x2f: {  	lr =	sadd.s32 s0, s3;
	s0 =	sld [smem:$0x3FAC]  }
0x30: {  	s3 =	sld [smem:$0x3FAF]  }
0x31: {  	[smem:$0x3FB8] =	sst s10  }
0x32: {  	s10 =	sld [smem:$0x3FB6];
	_ =	sdelay $0x3  }
0x33: {  	p0 =	seq.s32 s10, $0x1;
	s10 =	sld [smem:$0x3FB8];
	_ =	sdelay $0x3  }
0x34: {  	[smem:$0x3FB8] =	sst s10  }
0x35: {  	s10 =	sld [smem:$0x3FB7];
	_ =	sdelay $0x3  }
0x36: {  	p1 =	seq.s32 s10, $0x1;
	s10 =	sld [smem:$0x3FB8];
	_ =	sdelay $0x3  }
0x37: {  	[smem:$0x3FB8] =	sst s10  }
0x38: {  	s10 =	sld [smem:$0x3FB9]  }
0x39: {  	_ = 	snop;
	(pc) =	sbr.ind lr, $3  }
0x3a: {  	_ = 	snop  }
0x3b: {  	_ = 	snop  }
0x3c: {  	p2 =	seq.s32 s10, $0x1;
	s10 =	sld [smem:$0x3FB8]  }
0x3d: {  	_ =	shalt  }
0x3e: {  	_ =	shalt  }
0x3f: {  	_ =	shalt  }
0x40: {  	_ =	shalt  }
0x41: {  	_ =	shalt  }
0x42: {  	_ =	shalt  }
0x43: {  	_ =	shalt  }
0x44: {  	_ =	shalt  }
0x45: {  	_ =	shalt  }
0x46: {  	_ =	shalt  }
0x47: {  	_ =	shalt  }
0x48: {  	_ =	shalt  }
0x49: {  	_ =	shalt  }
0x4a: {  	_ =	shalt  }
0x4b: {  	_ =	shalt  }
0x4c: {  	_ =	shalt  }
0x4d: {  	_ =	shalt  }
0x4e: {  	_ =	shalt  }
0x4f: {  	_ =	shalt  }
0x50: {  	_ =	shalt  }
0x51: {  	_ =	shalt  }
0x52: {  	_ =	shalt  }
0x53: {  	_ =	shalt  }
0x54: {  	_ =	shalt  }
0x55: {  	_ =	shalt  }
0x56: {  	_ =	shalt  }
0x57: {  	_ =	shalt  }
0x58: {  	_ =	shalt  }
0x59: {  	_ =	shalt  }
0x5a: {  	_ =	shalt  }
0x5b: {  	_ =	shalt  }
0x5c: {  	_ =	shalt  }
0x5d: {  	_ =	shalt  }
0x5e: {  	_ =	shalt  }
0x5f: {  	_ =	shalt  }
0x60: {  	_ =	shalt  }
0x61: {  	_ =	shalt  }
0x62: {  	_ =	shalt  }
0x63: {  	_ =	shalt  }
0x64: {  	_ =	shalt  }
0x65: {  	_ =	shalt  }
0x66: {  	_ =	shalt  }
0x67: {  	_ =	shalt  }
0x68: {  	_ =	shalt  }
0x69: {  	_ =	shalt  }
0x6a: {  	_ =	shalt  }
0x6b: {  	_ =	shalt  }
0x6c: {  	_ =	shalt  }
0x6d: {  	_ =	shalt  }
0x6e: {  	_ =	shalt  }
0x6f: {  	_ =	shalt  }
0x70: {  	_ =	shalt  }
0x71: {  	_ =	shalt  }
0x72: {  	_ =	shalt  }
0x73: {  	_ =	shalt  }
0x74: {  	_ =	shalt  }
0x75: {  	_ =	shalt  }
0x76: {  	_ =	shalt  }
0x77: {  	_ =	shalt  }
0x78: {  	_ =	shalt  }
0x79: {  	_ =	shalt  }
0x7a: {  	_ =	shalt  }
0x7b: {  	_ =	shalt  }
0x7c: {  	_ =	shalt  }
0x7d: {  	_ =	shalt  }
0x7e: {  	_ =	shalt  }
0x7f: {  	_ =	shalt  }
0x80: {  	_ =	shalt  }
0x81: {  	_ =	shalt  }
0x82: {  	_ =	shalt  }
0x83: {  	_ =	shalt  }
0x84: {  	_ =	shalt  }
0x85: {  	_ =	shalt  }
0x86: {  	_ =	shalt  }
0x87: {  	_ =	shalt  }
.Lfunc_end0:
.L_simem_size_0:
called_computation.1_lowered:
.L_overlay_start_0:
0x88: {  	s0 =	sld [smem:$0x3FD9]  }
0x89: {  	s1 =	sld [smem:$0x3FFE];
	_ =	sdelay $0x3  }
0x8a: {  	s0 =	sadd.s32 s1, s0  }
0x8b: {  	[smem:$0x3FC4] =	sst s0  }
0x8c: {  	_ = 	snop  }
0x8d: {  	s0 =	sld [smem:$0x3FD0];
	(tm) =	ssettm $0x1  }
0x8e: {  	s16 =	sld [smem:$0x3FFB];
	_ =	sdelay $0x3  }
0x8f: {  	_ =	strace s16  }
0x90: {  	s1 =	sld [smem:$0x3FFC];
	_ =	sdelay $0x3  }
0x91: {  	_ =	strace s1  }
0x92: {  	s1 =	sld [smem:$0x3FFD];
	_ =	sdelay $0x3  }
0x93: {  	_ =	strace s1  }
0x94: {  	_ =	strace $0x8FFFFFFF  }
0x95: {  	s17 =	sld [smem:$0x3FDB];
	_ =	sdelay $0x1  }
0x96: {  	s2 =	simm.s32 $_scs_section_size  }
0x97: {  	s3 =	simm.s32 $_size__tile_overlayer_lowered;
	s4 =	simm.s32 $_tile_overlayer_lowered  }
0x98: {  	s20 =	simm.s32 $0x1BFF;
	s19 =	sshll.u32 s4, $0x1;
	s1 =	sadd.s32 s2, s17  }
0x99: {  	s5 =	simm.s32 $0x0;
	s18 =	sshll.u32 s3, $0x1;
	s3 =	sadd.s32 s19, s1  }
0x9a: {  	[timem:s5], [sflag:s20] =	dma.local [hbm:s3], s18  }
0x9b: {  	_ =	swait.ge [sflag:s20], s18  }
0x9c: {  	s2 =	ssub.s32 $0x0, s18;
	[sflag:s20] =	ssyncset.done $0x0  }
0x9d: {  	[sflag:s20] =	ssyncadd.s32 s2;
	_ =	sdelay $0x1  }
0x9e: {  	s21 =	simm.s32 $0x1B8B  }
0x9f: {  	_ =	swait.ge [sflag:s21], $0x1  }
0xa0: {  	[sflag:s21] =	ssyncset.done $0x0  }
0xa1: {  	s23 =	simm.s32 $0x1B8E;
	s22 =	sld [smem:$0x3FFE];
	[sflag:s21] =	ssyncadd.s32 $0xFFFFFFFF  }
0xa2: {  	s24 =	simm.s32 $execute0_lowered;
	[smem:$0x3FD2] =	sst s23  }
0xa3: {  	s3 =	sshll.u32 s24, $0x1;
	_ =	strace $0x80000050;
	[dreg:$0x1] =	wrdreg $0xFFFFFFFF  }
0xa4: {  	s25 =	simm.s32 $_size_execute0_lowered;
	s1 =	sadd.s32 s1, s3;
	[dreg:$0x0] =	wrdreg $0x0  }
0xa5: {  	s3 =	sshll.u32 s25, $0x1;
	[dreg:$0x2] =	wrdreg s1  }
0xa6: {  	[dreg:$0x3] =	wrdreg s3  }
0xa7: {  	[dreg:$0x4] =	wrdreg $0xC0  }
0xa8: {  	_ =	task [dreg:s5], $0x5FFFF  }
0xa9: {  	[dreg:$0x1] =	wrdreg $0xFFFFFFFF  }
0xaa: {  	[dreg:$0x0] =	wrdreg $0x60  }
0xab: {  	[dreg:$0x2] =	wrdreg s0  }
0xac: {  	[dreg:$0x3] =	wrdreg s22  }
0xad: {  	[dreg:$0x4] =	wrdreg $0xAA800  }
0xae: {  	[dreg:$0x5] =	wrdreg $0xAA900  }
0xaf: {  	[dreg:$0x6] =	wrdreg $0x9  }
0xb0: {  	_ =	task.clear_ibuf [dreg:s5], $0x7FFFF;
	_ =	strace $0x90000050  }
0xb1: {  	s26 =	simm.s32 $0x9;
	_ =	strace $0x80000052  }
0xb2: {  	_ =	swait.ge [sflag:s26], $0x1  }
0xb3: {  	[sflag:s26] =	ssyncadd.s32 $0xFFFFFFFF  }
0xb4: {  	_ =	strace $0x90000052  }
0xb5: {  	_ =	sfence  }
0xb6: {  	s28 =	sld [smem:$0x0];
	_ =	sdelay $0x1  }
0xb7: {  	s29 =	srdreg.scid  }
0xb8: {  	s30 =	sshll.u32 s29, $0xD;
	s31 =	sshrl.u32 s29, $0x2  }
0xb9: {  	s2 =	sand.u32 $0x4000, s30;
	s1 =	sand.u32 $0x1, s29;
	s0 =	sadd.s32 s31, s28  }
0xba: {  	s1 =	sor.u32 s2, s1;
	s0 =	sshll.u32 s0, $0x11  }
0xbb: {  	s0 =	sor.u32 s0, s1  }
0xbc: {  	s0 =	sadd.s32 $0x8F2B, s0  }
0xbd: {  	[sflag:s0] =	ssyncadd.remote.s32 $0x1  }
0xbe: {  	_ =	sfence.sel $0xFFFF  }
0xbf: {  	[dreg:$0x0] =	wrdreg $0xFFFFFFFF;
	(pc) =	sbr.abs _section_cstart, $3  }
0xc0: {  	[dreg:$0x1] =	wrdreg $0xFFFFFFFF  }
0xc1: {  	_ =	task.clear_ibuf [dreg:s5], $0x2FFFF;
	_ =	strace $0x9FFFFFFF  }
0xc2: {  	(tm) =	ssettm $0x7FFFFFFF  }
0xc3: {  	_ =	shalt  }
tec
execute0_lowered:
.L_overlay_start_1:
0x0: {  	(tag) =	ssettag $0x1  }
0x1: {  	s2 =	rddreg [dreg:$0x0]  }
0x2: {  	s6 =	rddreg [dreg:$0x1]  }
0x3: {  	s5 =	rddreg [dreg:$0x2]  }
0x4: {  	s4 =	rddreg [dreg:$0x3];
	s1 =	stileid.u32  }
0x5: {  	s0 =	rddreg [dreg:$0x4];
	s3 =	simm.s32 $0x0;
	s7 =	smul.u32 $0x4E2, s1  }
0x6: {  	[smem:$0x7FF] =	sst s3  }
0x7: {  	s30 =	simm.s32 $0x1;
	_ =	strace $0x80000051;
	s2 =	sadd.s32 s2, s7  }
0x8: {  	[tilespmem:s3], [sflag:$0x1] =	stream.linear.gather [hbm4b:s2+s3], $0x2710, $0x38;
	[tilespmem:$0xAD10] =	vst v63  }
0x9: {  	_ =	swait.ge [sflag:s30], $0x2710  }
0xa: {  	s7 =	sadd.s32 s7, s6;
	[sflag:s30] =	ssyncset.done $0x0  }
0xb: {  	s8 =	simm.s32 $0x2780;
	s7 =	sadd.s32 $0x1C00, s7;
	[sflag:s30] =	ssyncadd.s32 $0xFFFFD8F0  }
0xc: {  	[tilespmem:s8], [sflag:$0x1] =	stream.linear.gather [hbm4b:s7+s3], $0x2710, $0x38;
	[tilespmem:$0xAD10] =	vst v63  }
0xd: {  	_ =	swait.ge [sflag:s30], $0x2710  }
0xe: {  	[sflag:s30] =	ssyncset.done $0x0  }
0xf: {  	s31 =	simm.s32 $0x0;
	[sflag:s30] =	ssyncadd.s32 $0xFFFFD8F0  }
0x10: {  	v0 =	vld [tilespmem:s31+$0x0]  }
0x11: {  	v1 =	vld [tilespmem:s31+$0x10]  }
0x12: {  	v2 =	vld [tilespmem:s31+$0x20]  }
0x13: {  	v3 =	vld [tilespmem:s31+$0x30]  }
0x14: {  	v5 =	vimm.f32 $-Inf;
	s2 =	sadd.s32 $0x6C00, s6;
	s3 =	sadd.s32 $0x6E00, s6;
	s6 =	simm.s32 $0x140;
	v4 =	vld [tilespmem:s31+$0x40]  }
.LBB2_1:
0x15: {  	s7 =	sshra.s32 s6, $0x2;
	p0 =	sne.s32 s6, $0x9B00;
	s6 =	sadd.s32 $0x140, s6;
	v5 =	vmax.f32 v5, v0  }
.Ltmp0:
0x16: {  	v0 =	vld [tilespmem:s7+$0x0];
	v5 =	vmax.f32 v5, v1;
	(pc) =	sbr.rel @p0 .LBB2_1-.Ltmp0, $4  }
0x17: {  	v1 =	vld [tilespmem:s7+$0x10];
	v5 =	vmax.f32 v5, v2  }
0x18: {  	v2 =	vld [tilespmem:s7+$0x20];
	v5 =	vmax.f32 v5, v3  }
0x19: {  	v3 =	vld [tilespmem:s7+$0x30];
	v5 =	vmax.f32 v5, v4  }
0x1a: {  	v4 =	vld [tilespmem:s7+$0x40]  }
0x1b: {  	v0 =	vmax.f32 v5, v0  }
0x1c: {  	v0 =	vmax.f32 v0, v1  }
0x1d: {  	v0 =	vmax.f32 v0, v2  }
0x1e: {  	v0 =	vmax.f32 v0, v3  }
0x1f: {  	s6 =	sshll.u32 s1, $0x7;
	v0 =	vmax.f32 v0, v4  }
0x20: {  	s7 =	simm.s32 $0xA100;
	s29 =	simm.s32 $0x1;
	s6 =	sadd.s32 s6, s5;
	[tilespmem:$0xA100] =	vst v0  }
0x21: {  	[spmem:s6] =	stream.linear.scatter [tilespmem:s7], [sflag:$0x1], $0x80, $0x38;
	[tilespmem:$0xAD10] =	vst v63  }
0x22: {  	_ =	swait.ge [sflag:s29], $0x80  }
0x23: {  	[sflag:s29] =	ssyncset.done $0x0  }
0x24: {  	v0 =	vimm.f32 $0.0e+00;
	[sflag:s29] =	ssyncadd.s32 $0xFFFFFF80  }
0x25: {  	[tilespmem:$0x9E80] =	vst v0  }
0x26: {  	[tilespmem:$0x9E90] =	vst v0  }
0x27: {  	[tilespmem:$0x9EA0] =	vst v0  }
0x28: {  	[tilespmem:$0x9EB0] =	vst v0  }
0x29: {  	[tilespmem:$0x9EC0] =	vst v0  }
0x2a: {  	[tilespmem:$0x9ED0] =	vst v0  }
0x2b: {  	[tilespmem:$0x9EE0] =	vst v0  }
0x2c: {  	[tilespmem:$0x9EF0] =	vst v0  }
0x2d: {  	[tilespmem:$0x9F00] =	vst v0  }
0x2e: {  	[tilespmem:$0x9F10] =	vst v0  }
0x2f: {  	[tilespmem:$0x9F20] =	vst v0  }
0x30: {  	[tilespmem:$0x9F30] =	vst v0  }
0x31: {  	[tilespmem:$0x9F40] =	vst v0  }
0x32: {  	[tilespmem:$0x9F50] =	vst v0  }
0x33: {  	[tilespmem:$0x9F60] =	vst v0  }
0x34: {  	[tilespmem:$0x9F70] =	vst v0  }
0x35: {  	[tilespmem:$0x9F80] =	vst v0  }
0x36: {  	[tilespmem:$0x9F90] =	vst v0  }
0x37: {  	[tilespmem:$0x9FA0] =	vst v0  }
0x38: {  	[tilespmem:$0x9FB0] =	vst v0  }
0x39: {  	[tilespmem:$0x9FC0] =	vst v0  }
0x3a: {  	[tilespmem:$0x9FD0] =	vst v0  }
0x3b: {  	[tilespmem:$0x9FE0] =	vst v0  }
0x3c: {  	[tilespmem:$0x9FF0] =	vst v0  }
0x3d: {  	[tilespmem:$0xA000] =	vst v0  }
0x3e: {  	[tilespmem:$0xA010] =	vst v0  }
0x3f: {  	[tilespmem:$0xA020] =	vst v0  }
0x40: {  	[tilespmem:$0xA030] =	vst v0  }
0x41: {  	[tilespmem:$0xA040] =	vst v0  }
0x42: {  	[tilespmem:$0xA050] =	vst v0  }
0x43: {  	[tilespmem:$0xA060] =	vst v0  }
0x44: {  	[tilespmem:$0xA070] =	vst v0  }
0x45: {  	[tilespmem:$0xA080] =	vst v0  }
0x46: {  	[tilespmem:$0xA090] =	vst v0  }
0x47: {  	[tilespmem:$0xA0A0] =	vst v0  }
0x48: {  	[tilespmem:$0xA0B0] =	vst v0  }
0x49: {  	s30 =	smul.u32 $0xA00, s1;
	[tilespmem:$0xA0C0] =	vst v0  }
0x4a: {  	[tilespmem:$0xA0D0] =	vst v0  }
0x4b: {  	s7 =	sshrl.u32 s30, $0x2;
	[tilespmem:$0xA0E0] =	vst v0  }
0x4c: {  	s8 =	simm.s32 $0x9E80;
	s7 =	sadd.s32 s7, s4;
	[tilespmem:$0xA0F0] =	vst v0  }
0x4d: {  	[spmem:s7] =	stream.linear.scatter [tilespmem:s8], [sflag:$0x1], $0x280, $0x38;
	[tilespmem:$0xAD10] =	vst v63  }
0x4e: {  	_ =	swait.ge [sflag:s29], $0x280  }
0x4f: {  	[sflag:s29] =	ssyncset.done $0x0  }
0x50: {  	[sflag:s29] =	ssyncadd.s32 $0xFFFFFD80  }
0x51: {  	s31 =	simm.s32 $0xA280;
	[bflag:$0x0] =	sbarrier.arrive $0xFFFF  }
0x52: {  	[tilespmem:s31], [sflag:$0x1] =	stream.linear.gather [spmem:s5], $0x800, $0x38;
	[tilespmem:$0xAD10] =	vst v63  }
0x53: {  	_ =	swait.ge [sflag:s29], $0x800  }
0x54: {  	[sflag:s29] =	ssyncset.done $0x0  }
0x55: {  	[sflag:s29] =	ssyncadd.s32 $0xFFFFF800  }
0x56: {  	v0 =	vld [tilespmem:$0xA280]  }
0x57: {  	v1 =	vld [tilespmem:$0xA300]  }
0x58: {  	v2 =	vld [tilespmem:$0xA380]  }
0x59: {  	v3 =	vld [tilespmem:$0xA400]  }
0x5a: {  	v4 =	vld [tilespmem:$0xA480]  }
0x5b: {  	v5 =	vld [tilespmem:$0xA500]  }
0x5c: {  	v0 =	vmax.f32 v0, v1;
	v1 =	vld [tilespmem:$0xA580]  }
0x5d: {  	v0 =	vmax.f32 v0, v2;
	v2 =	vld [tilespmem:$0xA600]  }
0x5e: {  	v0 =	vmax.f32 v0, v3;
	v3 =	vld [tilespmem:$0xA680]  }
0x5f: {  	v0 =	vmax.f32 v0, v4;
	v4 =	vld [tilespmem:$0xA700]  }
0x60: {  	v0 =	vmax.f32 v0, v5;
	v5 =	vld [tilespmem:$0xA780]  }
0x61: {  	v0 =	vmax.f32 v0, v1;
	v1 =	vld [tilespmem:$0xA800]  }
0x62: {  	v0 =	vmax.f32 v0, v2;
	v2 =	vld [tilespmem:$0xA880]  }
0x63: {  	v0 =	vmax.f32 v0, v3;
	v3 =	vld [tilespmem:$0xA900]  }
0x64: {  	v0 =	vmax.f32 v0, v4;
	v4 =	vld [tilespmem:$0xA980]  }
0x65: {  	v0 =	vmax.f32 v0, v5;
	v5 =	vld [tilespmem:$0xAA00]  }
0x66: {  	v0 =	vmax.f32 v0, v1  }
0x67: {  	v0 =	vmax.f32 v0, v2  }
0x68: {  	v0 =	vmax.f32 v0, v3  }
0x69: {  	v0 =	vmax.f32 v0, v4  }
0x6a: {  	v0 =	vmax.f32 v0, v5  }
0x6b: {  	(xrf0) =	vmax.scan.msk.f32 $0xffff, v0;
	_ =	sdelay $0x2  }
0x6c: {  	s8 =	simm.s32 $0x0  }
0x6d: {  	v1 =	vld [tilespmem:s8+$0x40];
	_ =	sdelay $0x1  }
0x6e: {  	v2 =	vld [tilespmem:s8+$0x0];
	v0, _, _ =	vpop (xrf0)  }
0x6f: {  	v0 =	vbroadcast v0, $0xF  }
0x70: {  	v3 =	vld [tilespmem:s8+$0x10]  }
0x71: {  	v1 =	vsub.f32 v1, v0  }
0x72: {  	s5 =	simm.s32 $0x50;
	v4 =	vld [tilespmem:s8+$0x20]  }
0x73: {  	v6 =	vld [tilespmem:s5+$0x40];
	v2 =	vsub.f32 v2, v0;
	v1 =	vmul.f32 $1.442695020e+00, v1  }
0x74: {  	v5 =	vld [tilespmem:s8+$0x30]  }
0x75: {  	v7 =	vld [tilespmem:s5+$0x0];
	v3 =	vsub.f32 v3, v0;
	v2 =	vmul.f32 $1.442695020e+00, v2;
	(erf) = vpow2.f32 v1  }
0x76: {  	v9 =	vld [tilespmem:s5+$0x20]  }
0x77: {  	v8 =	vld [tilespmem:s5+$0x10];
	v3 =	vmul.f32 $1.442695020e+00, v3;
	v1 =	vsub.f32 v4, v0;
	(erf) = vpow2.f32 v2;
	_ =	sdelay $0x1  }
0x78: {  	s7 =	simm.s32 $0xA0;
	v4 =	vld [tilespmem:s5+$0x30];
	v2 =	vsub.f32 v5, v0;
	v1 =	vmul.f32 $1.442695020e+00, v1;
	(erf) = vpow2.f32 v3  }
0x79: {  	v6 =	vsub.f32 v6, v0;
	v7 =	vsub.f32 v7, v0;
	v5 =	vld [tilespmem:s7+$0x40]  }
0x7a: {  	v9 =	vsub.f32 v9, v0;
	v3 =	vld [tilespmem:s7+$0x0];
	v2 =	vmul.f32 $1.442695020e+00, v2;
	(erf) = vpow2.f32 v1  }
0x7b: {  	v8 =	vsub.f32 v8, v0;
	v6 =	vmul.f32 $1.442695020e+00, v6;
	v7 =	vmul.f32 $1.442695020e+00, v7  }
0x7c: {  	v10 =	vld [tilespmem:s7+$0x10];
	v9 =	vmul.f32 $1.442695020e+00, v9;
	(erf) = vpow2.f32 v2  }
0x7d: {  	v11 =	vld [tilespmem:s7+$0x20];
	v13 =	vpop (erf);
	(erf) = vpow2.f32 v6;
	v6 =	vmul.f32 $1.442695020e+00, v8;
	v8 =	vsub.f32 v4, v0  }
0x7e: {  	s6 =	simm.s32 $0xF0;
	v12 =	vld [tilespmem:s7+$0x30];
	v5 =	vsub.f32 v5, v0;
	(erf) = vpow2.f32 v7  }
0x7f: {  	v1 =	vld [tilespmem:s6+$0x40];
	v7 =	vpop (erf);
	(erf) = vpow2.f32 v6;
	v6 =	vmul.f32 $1.442695020e+00, v8;
	v8 =	vsub.f32 v3, v0  }
0x80: {  	v2 =	vld [tilespmem:s6+$0x0];
	v5 =	vmul.f32 $1.442695020e+00, v5;
	[tilespmem:s8+$0x4F40] =	vst v13;
	(erf) = vpow2.f32 v9  }
0x81: {  	v4 =	vld [tilespmem:s6+$0x10];
	[tilespmem:s8+$0x4F00] =	vst v7;
	v7 =	vsub.f32 v10, v0;
	v9 =	vpop (erf);
	(erf) = vpow2.f32 v6;
	v10 =	vmul.f32 $1.442695020e+00, v8  }
0x82: {  	(erf) = vpow2.f32 v5  }
0x83: {  	v3 =	vld [tilespmem:s6+$0x20];
	[tilespmem:s8+$0x4F10] =	vst v9;
	v9 =	vpop (erf);
	(erf) = vpow2.f32 v10  }
0x84: {  	v11 =	vsub.f32 v11, v0  }
0x85: {  	v6 =	vmul.f32 $1.442695020e+00, v7;
	v8 =	vsub.f32 v12, v0  }
0x86: {  	s9 =	simm.s32 $0x500;
	v7 =	vmul.f32 $1.442695020e+00, v11;
	v5 =	vld [tilespmem:s6+$0x30];
	[tilespmem:s8+$0x4F20] =	vst v9;
	v9 =	vpop (erf)  }
.LBB2_3:
0x87: {  	s10 =	sshra.s32 s9, $0x2;
	p0 =	sne.s32 s9, $0x9B00;
	s9 =	sadd.s32 $0x140, s9;
	v10 =	vsub.f32 v1, v0;
	v8 =	vmul.f32 $1.442695020e+00, v8;
	(erf) = vpow2.f32 v6;
	[tilespmem:s8+$0x4F30] =	vst v9  }
.Ltmp1:
0x88: {  	s8 =	smov.u32 s5;
	s5 =	smov.u32 s7;
	v1 =	vld [tilespmem:s10+$0x40];
	v6 =	vsub.f32 v2, v0;
	(erf) = vpow2.f32 v7;
	v7 =	vpop (erf);
	(pc) =	sbr.rel @p0 .LBB2_3-.Ltmp1, $4  }
0x89: {  	s7 =	smov.u32 s6;
	s6 =	smov.u32 s10;
	v2 =	vld [tilespmem:s10+$0x0];
	v13 =	vsub.f32 v4, v0;
	v10 =	vmul.f32 $1.442695020e+00, v10;
	(erf) = vpow2.f32 v8;
	[tilespmem:s8+$0x4F40] =	vst v7;
	v7 =	vpop (erf)  }
0x8a: {  	v4 =	vld [tilespmem:s6+$0x10];
	v11 =	vmul.f32 $1.442695020e+00, v6;
	v12 =	vsub.f32 v3, v0;
	[tilespmem:s8+$0x4F00] =	vst v7;
	v7 =	vpop (erf)  }
0x8b: {  	v3 =	vld [tilespmem:s6+$0x20];
	v6 =	vmul.f32 $1.442695020e+00, v13;
	v8 =	vsub.f32 v5, v0;
	(erf) = vpow2.f32 v10;
	[tilespmem:s8+$0x4F10] =	vst v7;
	v9 =	vpop (erf)  }
0x8c: {  	v5 =	vld [tilespmem:s6+$0x30];
	v7 =	vmul.f32 $1.442695020e+00, v12;
	(erf) = vpow2.f32 v11;
	[tilespmem:s8+$0x4F20] =	vst v9;
	v9 =	vpop (erf)  }
0x8d: {  	v1 =	vsub.f32 v1, v0  }
0x8e: {  	v8 =	vmul.f32 $1.442695020e+00, v8;
	(erf) = vpow2.f32 v6;
	v2 =	vsub.f32 v2, v0  }
0x8f: {  	(erf) = vpow2.f32 v7;
	v4 =	vsub.f32 v4, v0;
	v1 =	vmul.f32 $1.442695020e+00, v1  }
0x90: {  	v6 =	vpop (erf);
	(erf) = vpow2.f32 v8;
	v3 =	vsub.f32 v3, v0  }
0x91: {  	[tilespmem:s8+$0x4F30] =	vst v9;
	v2 =	vmul.f32 $1.442695020e+00, v2;
	v4 =	vmul.f32 $1.442695020e+00, v4;
	v0 =	vsub.f32 v5, v0  }
0x92: {  	[tilespmem:s5+$0x4F40] =	vst v6;
	v6 =	vpop (erf);
	(erf) = vpow2.f32 v1;
	v3 =	vmul.f32 $1.442695020e+00, v3  }
0x93: {  	[tilespmem:s5+$0x4F00] =	vst v6;
	v1 =	vpop (erf);
	(erf) = vpow2.f32 v2;
	v0 =	vmul.f32 $1.442695020e+00, v0  }
0x94: {  	[tilespmem:s5+$0x4F10] =	vst v1;
	v1 =	vpop (erf);
	(erf) = vpow2.f32 v4  }
0x95: {  	[tilespmem:s5+$0x4F20] =	vst v1;
	v1 =	vpop (erf);
	(erf) = vpow2.f32 v3  }
0x96: {  	[tilespmem:s5+$0x4F30] =	vst v1;
	v1 =	vpop (erf);
	(erf) = vpow2.f32 v0  }
0x97: {  	[tilespmem:s7+$0x4F40] =	vst v1;
	v0 =	vpop (erf)  }
0x98: {  	[tilespmem:s7+$0x4F00] =	vst v0;
	v0 =	vpop (erf)  }
0x99: {  	[tilespmem:s7+$0x4F10] =	vst v0;
	v0 =	vpop (erf)  }
0x9a: {  	[tilespmem:s7+$0x4F20] =	vst v0;
	v0 =	vpop (erf)  }
0x9b: {  	[tilespmem:s7+$0x4F30] =	vst v0;
	v0 =	vpop (erf)  }
0x9c: {  	[tilespmem:s6+$0x4F40] =	vst v0;
	v0 =	vpop (erf)  }
0x9d: {  	[tilespmem:s6+$0x4F00] =	vst v0;
	v0 =	vpop (erf)  }
0x9e: {  	[tilespmem:s6+$0x4F10] =	vst v0;
	v0 =	vpop (erf)  }
0x9f: {  	s26 =	simm.s32 $0x2710;
	[tilespmem:s6+$0x4F20] =	vst v0;
	v0 =	vpop (erf)  }
0xa0: {  	s28 =	simm.s32 $0x2780;
	s29 =	simm.s32 $0x4F00;
	s30 =	simm.s32 $0x1;
	[tilespmem:s6+$0x4F30] =	vst v0  }
0xa1: {  	[spmem:s4] =	stream.indirect.scatter.add.f32 [tilespmem:s29], [sflag:$0x1], $0x1, s28, s26, $0xb8;
	[tilespmem:$0xAD10] =	vst v63  }
0xa2: {  	_ =	swait.ge [sflag:s30], $0x2710  }
0xa3: {  	[sflag:s30] =	ssyncset.done $0x0  }
0xa4: {  	[sflag:s30] =	ssyncadd.s32 $0xFFFFD8F0  }
0xa5: {  	s5 =	simm.s32 $0x7680;
	[bflag:$0x0] =	sbarrier.arrive $0xFFFF  }
0xa6: {  	[tilespmem:s5], [sflag:$0x1] =	stream.linear.gather [spmem:s4], $0x2800, $0x38;
	[tilespmem:$0xAD10] =	vst v63  }
0xa7: {  	_ =	swait.ge [sflag:s30], $0x2800  }
0xa8: {  	[sflag:s30] =	ssyncset.done $0x0  }
0xa9: {  	s31 =	simm.s32 $0x0;
	[sflag:s30] =	ssyncadd.s32 $0xFFFFD800  }
0xaa: {  	v0 =	vld [tilespmem:s31+$0x27A0]  }
0xab: {  	v1 =	vld [tilespmem:s31+$0x2780];
	_ =	sdelay $0x2  }
0xac: {  	v2 =	vld [tilespmem:s31+$0x2790];
	_ =	sdelay $0x2  }
0xad: {  	v3 =	vld [tilespmem:s31+$0x27B0]  }
0xae: {  	v5 =	vld.idx.msk [tilespmem:v0+s5+$0x0], $0xffff  }
0xaf: {  	v6 =	vld.idx.msk [tilespmem:v1+s5+$0x0], $0xffff;
	_ =	sdelay $0x1  }
0xb0: {  	v4 =	vld [tilespmem:s31+$0x27C0]  }
0xb1: {  	v2 =	vld.idx.msk [tilespmem:v2+s5+$0x0], $0xffff  }
0xb2: {  	(erf) = vrcp.f32 v5  }
0xb3: {  	s6 =	simm.s32 $0x50;
	v8 =	vld [tilespmem:s31+$0x4F00];
	(erf) = vrcp.f32 v6  }
0xb4: {  	v0 =	vld [tilespmem:s6+$0x27A0]  }
0xb5: {  	v7 =	vld.idx.msk [tilespmem:v3+s5+$0x0], $0xffff  }
0xb6: {  	v3 =	vld [tilespmem:s6+$0x2780];
	(erf) = vrcp.f32 v2  }
0xb7: {  	v1 =	vld [tilespmem:s6+$0x2790]  }
0xb8: {  	v9 =	vld.idx.msk [tilespmem:v4+s5+$0x0], $0xffff  }
0xb9: {  	v10 =	vld [tilespmem:s31+$0x4F20]  }
0xba: {  	v11 =	vld [tilespmem:s31+$0x4F10]  }
0xbb: {  	v12 =	vld [tilespmem:s6+$0x27B0];
	(erf) = vrcp.f32 v7;
	v13 =	vpop (erf)  }
0xbc: {  	v4 =	vld [tilespmem:s6+$0x27C0];
	v15 =	vpop (erf)  }
0xbd: {  	vm0 =	vgt.f32 v6, $0.0e+00;
	v0 =	vld.idx.msk [tilespmem:v0+s5+$0x0], $0xffff;
	(erf) = vrcp.f32 v9;
	v6 =	vmul.f32 v15, v8  }
0xbe: {  	vm2 =	vmneg vm0;
	v3 =	vld.idx.msk [tilespmem:v3+s5+$0x0], $0xffff  }
0xbf: {  	v14 =	vimm.f32 $0.0e+00;
	vm0 =	vgt.f32 v9, $0.0e+00;
	v1 =	vld.idx.msk [tilespmem:v1+s5+$0x0], $0xffff;
	v62 =	vpop (erf);
	v9 =	vsel vm2, $0x0, v6  }
0xc0: {  	s4 =	simm.s32 $0xA0;
	vm4 =	vgt.f32 v2, $0.0e+00;
	v8 =	vld [tilespmem:s31+$0x4F30];
	v2 =	vmul.f32 v62, v11;
	v11 =	vadd.f32 v9, v14  }
0xc1: {  	vm5 =	vgt.f32 v5, $0.0e+00;
	v5 =	vld [tilespmem:s4+$0x2790]  }
0xc2: {  	vm1 =	vmxor vm1, vm1;
	vm3 =	vgt.f32 v7, $0.0e+00;
	vm4 =	vmneg vm4;
	v7 =	vld [tilespmem:s31+$0x4F40]  }
0xc3: {  	(erf) = vrcp.f32 v0;
	v6 =	vld [tilespmem:s4+$0x27A0];
	v63 =	vsel vm4, $0x0, v2;
	v9 =	vmul.f32 v13, v10  }
0xc4: {  	s7 =	simm.s32 $0x3C0;
	vm5 =	vmneg vm5;
	(erf) = vrcp.f32 v3;
	v2 =	vld.idx.msk [tilespmem:v12+s5+$0x0], $0xffff;
	v10 =	vadd.f32 v63, v11;
	v11 =	vpop (erf)  }
.LBB2_5:
0xc5: {  	p0 =	sne.s32 s7, $0x9B00;
	v12 =	vld [tilespmem:s4+$0x2780];
	(erf) = vrcp.f32 v1;
	v9 =	vsel vm5, $0x0, v9;
	v8 =	vmul.f32 v11, v8;
	v11 =	vmovc v3;
	v13 =	vmovc v1  }
0xc6: {  	vm1 =	vmor vm1, vm2;
	vm2 =	vmneg vm3;
	v14 =	vld.idx.msk [tilespmem:v4+s5+$0x0], $0xffff;
	v1 =	vadd.f32 v9, v10;
	v3 =	vpop (erf)  }
0xc7: {  	vm1 =	vmor vm1, vm4;
	v9 =	vld [tilespmem:s6+$0x4F20];
	v4 =	vsel vm2, $0x0, v8;
	v3 =	vmul.f32 v3, v7  }
0xc8: {  	vm0 =	vmneg vm0;
	vm1 =	vmor vm1, vm5;
	v7 =	vld [tilespmem:s6+$0x4F10];
	v1 =	vadd.f32 v4, v1  }
0xc9: {  	vm1 =	vmor vm1, vm2;
	v8 =	vld [tilespmem:s6+$0x4F00];
	v3 =	vsel vm0, $0x0, v3  }
0xca: {  	vm1 =	vmor vm1, vm0;
	v4 =	vld [tilespmem:s4+$0x27C0];
	(erf) = vrcp.f32 v2;
	v10 =	vadd.f32 v3, v1  }
0xcb: {  	v15 =	vld [tilespmem:s4+$0x27B0]  }
0xcc: {  	v16 =	vld.idx.msk [tilespmem:v6+s5+$0x0], $0xffff;
	v17 =	vpop (erf);
	(erf) = vrcp.f32 v14  }
0xcd: {  	v3 =	vld.idx.msk [tilespmem:v12+s5+$0x0], $0xffff;
	v6 =	vpop (erf)  }
0xce: {  	vm0 =	vgt.f32 v11, $0.0e+00;
	v1 =	vld.idx.msk [tilespmem:v5+s5+$0x0], $0xffff;
	v5 =	vmul.f32 v6, v8;
	v6 =	vpop (erf)  }
.Ltmp2:
0xcf: {  	vm3 =	vgt.f32 v2, $0.0e+00;
	vm2 =	vmneg vm0;
	vm0 =	vgt.f32 v14, $0.0e+00;
	v8 =	vld [tilespmem:s6+$0x4F30];
	(pc) =	sbr.rel @p0 .LBB2_5-.Ltmp2, $4  }
0xd0: {  	vm4 =	vgt.f32 v13, $0.0e+00;
	v13 =	vmul.f32 v6, v7;
	v2 =	vsel vm2, $0x0, v5;
	v7 =	vld [tilespmem:s6+$0x4F40];
	s6 =	smov.u32 s4;
	s4 =	sshra.s32 s7, $0x2  }
0xd1: {  	vm4 =	vmneg vm4;
	vm5 =	vgt.f32 v0, $0.0e+00;
	v6 =	vld [tilespmem:s4+$0x27A0];
	v10 =	vadd.f32 v2, v10  }
0xd2: {  	v9 =	vmul.f32 v17, v9;
	v12 =	vsel vm4, $0x0, v13;
	v0 =	vmovc v16;
	v5 =	vld [tilespmem:s4+$0x2790];
	(erf) = vrcp.f32 v16  }
0xd3: {  	vm5 =	vmneg vm5;
	s7 =	sadd.s32 $0x140, s7;
	v2 =	vld.idx.msk [tilespmem:v15+s5+$0x0], $0xffff;
	(erf) = vrcp.f32 v3;
	v10 =	vadd.f32 v12, v10;
	v11 =	vpop (erf)  }
0xd4: {  	_ = 	snop  }
0xd5: {  	v12 =	vld [tilespmem:s4+$0x2780];
	_ =	sdelay $0x2  }
0xd6: {  	v4 =	vld.idx.msk [tilespmem:v4+s5+$0x0], $0xffff  }
0xd7: {  	v13 =	vld [tilespmem:s6+$0x4F00]  }
0xd8: {  	(erf) = vrcp.f32 v1;
	v14 =	vld [tilespmem:s4+$0x27C0]  }
0xd9: {  	v15 =	vld [tilespmem:s4+$0x27B0];
	v8 =	vmul.f32 v11, v8  }
0xda: {  	v9 =	vsel vm5, $0x0, v9;
	vm1 =	vmor vm1, vm2;
	vm8 =	vmneg vm3;
	v6 =	vld.idx.msk [tilespmem:v6+s5+$0x0], $0xffff  }
0xdb: {  	vm9 =	vgt.f32 v3, $0.0e+00;
	vm0 =	vmneg vm0;
	vm10 =	vgt.f32 v1, $0.0e+00;
	v34 =	vld.idx.msk [tilespmem:v12+s5+$0x0], $0xffff  }
0xdc: {  	v36 =	vld [tilespmem:s6+$0x4F10];
	vm12 =	vgt.f32 v0, $0.0e+00;
	v9 =	vadd.f32 v9, v10;
	v35 =	vpop (erf);
	(erf) = vrcp.f32 v2  }
0xdd: {  	vm1 =	vmor vm1, vm4;
	vm2 =	vmneg vm9;
	v8 =	vsel vm8, $0x0, v8;
	v5 =	vld.idx.msk [tilespmem:v5+s5+$0x0], $0xffff  }
0xde: {  	v7 =	vmul.f32 v35, v7;
	vm1 =	vmor vm1, vm5;
	v37 =	vpop (erf);
	(erf) = vrcp.f32 v4  }
0xdf: {  	v39 =	vld [tilespmem:s6+$0x4F20];
	v8 =	vadd.f32 v8, v9;
	vm1 =	vmor vm1, vm8;
	v38 =	vpop (erf);
	(erf) = vrcp.f32 v6  }
0xe0: {  	v40 =	vld [tilespmem:s6+$0x4F30];
	v7 =	vsel vm0, $0x0, v7;
	v11 =	vmul.f32 v38, v13;
	(erf) = vrcp.f32 v34  }
0xe1: {  	vm4 =	vmneg vm12;
	vm0 =	vmor vm1, vm0;
	v7 =	vadd.f32 v7, v8;
	v15 =	vld.idx.msk [tilespmem:v15+s5+$0x0], $0xffff;
	v41 =	vpop (erf)  }
0xe2: {  	v43 =	vld [tilespmem:s6+$0x4F40];
	v42 =	vmul.f32 v41, v36;
	v11 =	vsel vm2, $0x0, v11;
	(erf) = vrcp.f32 v5  }
0xe3: {  	vm11 =	vgt.f32 v2, $0.0e+00;
	vm1 =	vmneg vm10;
	v45 =	vld.idx.msk [tilespmem:v14+s5+$0x0], $0xffff;
	v44 =	vadd.f32 v11, v7  }
0xe4: {  	vm13 =	vgt.f32 v4, $0.0e+00;
	v47 =	vmul.f32 v37, v39;
	v46 =	vsel vm1, $0x0, v42  }
0xe5: {  	v49 =	vld [tilespmem:s4+$0x4F00];
	vm0 =	vmor vm0, vm2;
	vm14 =	vmneg vm11;
	v48 =	vpop (erf);
	v0 =	vadd.f32 v46, v44  }
0xe6: {  	v1 =	vsel vm4, $0x0, v47;
	v2 =	vmul.f32 v48, v40;
	(erf) = vrcp.f32 v15  }
0xe7: {  	v51 =	vld [tilespmem:s4+$0x4F10];
	vm0 =	vmor vm0, vm1;
	vm15 =	vmneg vm13;
	v50 =	vpop (erf);
	v0 =	vadd.f32 v1, v0  }
0xe8: {  	v2 =	vsel vm14, $0x0, v2;
	(erf) = vrcp.f32 v45;
	v4 =	vmul.f32 v50, v43;
	v52 =	vpop (erf)  }
0xe9: {  	v53 =	vld [tilespmem:s4+$0x4F20];
	vm0 =	vmor vm0, vm4;
	vm11 =	vgt.f32 v6, $0.0e+00;
	v0 =	vadd.f32 v2, v0;
	v54 =	vpop (erf)  }
0xea: {  	vm8 =	vgt.f32 v34, $0.0e+00;
	v4 =	vsel vm15, $0x0, v4;
	v2 =	vmul.f32 v54, v49  }
0xeb: {  	v56 =	vld [tilespmem:s4+$0x4F30];
	vm9 =	vgt.f32 v5, $0.0e+00;
	vm3 =	vmneg vm8;
	v0 =	vadd.f32 v4, v0;
	v55 =	vpop (erf)  }
0xec: {  	vm0 =	vmor vm0, vm14;
	v1 =	vmul.f32 v55, v51;
	v2 =	vsel vm3, $0x0, v2  }
0xed: {  	v57 =	vld [tilespmem:s4+$0x4F40];
	vm12 =	vmneg vm11;
	vm10 =	vmneg vm9;
	v0 =	vadd.f32 v2, v0  }
0xee: {  	vm13 =	vgt.f32 v15, $0.0e+00;
	v58 =	vmul.f32 v52, v53;
	v1 =	vsel vm10, $0x0, v1  }
0xef: {  	vm0 =	vmor vm0, vm15;
	vm4 =	vmneg vm13;
	v59 =	vpop (erf);
	v0 =	vadd.f32 v1, v0  }
0xf0: {  	vm0 =	vmor vm0, vm3;
	v2 =	vsel vm12, $0x0, v58;
	v1 =	vmul.f32 v59, v56  }
0xf1: {  	vm14 =	vgt.f32 v45, $0.0e+00;
	vm0 =	vmor vm0, vm10;
	v60 =	vpop (erf);
	v0 =	vadd.f32 v2, v0  }
0xf2: {  	vm0 =	vmor vm0, vm12;
	v1 =	vsel vm4, $0x0, v1;
	v2 =	vmul.f32 v60, v57  }
0xf3: {  	vm0 =	vmor vm0, vm4;
	vm15 =	vmneg vm14;
	v0 =	vadd.f32 v1, v0  }
0xf4: {  	v62 =	vimm.f32 $0.0e+00;
	vm0 =	vmor vm0, vm15;
	v61 =	vsel vm15, $0x0, v2  }
0xf5: {  	v63 =	vsel vm0, $0x3F800000, v62;
	v0 =	vadd.f32 v61, v0  }
0xf6: {  	s26 =	sshll.u32 s1, $0x4;
	s28 =	simm.s32 $0x0;
	[tilespmem:$0xA200] =	vst v63  }
0xf7: {  	s29 =	simm.s32 $0xA180;
	s30 =	simm.s32 $0x1;
	s3 =	sadd.s32 s3, s26;
	[tilespmem:$0xA180] =	vst v0  }
0xf8: {  	[hbm4b:s3+s28] =	stream.linear.scatter [tilespmem:s29], [sflag:$0x1], $0x80, $0x38;
	[tilespmem:$0xAD10] =	vst v63  }
0xf9: {  	_ =	swait.ge [sflag:s30], $0x80  }
0xfa: {  	[sflag:s30] =	ssyncset.done $0x0  }
0xfb: {  	s31 =	simm.s32 $0xA200;
	s2 =	sadd.s32 s2, s26;
	[sflag:s30] =	ssyncadd.s32 $0xFFFFFF80  }
0xfc: {  	[hbm4b:s2+s28] =	stream.linear.scatter [tilespmem:s31], [sflag:$0x1], $0x80, $0x38;
	[tilespmem:$0xAD10] =	vst v63  }
0xfd: {  	_ =	swait.ge [sflag:s30], $0x80  }
0xfe: {  	[sflag:s30] =	ssyncset.done $0x0  }
0xff: {  	[sflag:s30] =	ssyncadd.s32 $0xFFFFFF80  }
0x100: {  	_ =	sfence.sel $0x180000  }
0x101: {  	[bflag:$0x0] =	sbarrier.arrive $0xFFFF  }
0x102: {  	p0 =	sne.s32 s1, $0x0;
	_ =	strace $0x90000051  }
0x103: {  	s0 =	sadd.s32 @!p0 $0x100000, s0;
	[bflag:$0x2] =	sbarrier.arrive $0xFFFF  }
0x104: {  	[sflag:s0] =	ssyncadd.tile.s32 @!p0 $0x1;
	_ =	shalt  }
.Lfunc_end2:
_tile_overlayer_lowered:
.L_overlay_start_2:
0x105: {  	(tag) =	ssettag $0x2  }
0x106: {  	s0 =	rddreg [dreg:$0x0];
	s2 =	stileid.u32  }
0x107: {  	s1 =	rddreg [dreg:$0x1];
	p0 =	sne.s32 s2, $0x0  }
0x108: {  	s3 =	rddreg [dreg:$0x2];
	[bflag:$0x3] =	sbarrier.arrive $0xFFFF;
	s2 =	simm.s32 @!p0 $0x1C01  }
0x109: {  	[timem:s3], [sflag:s2] =	dma.local @!p0 [hbm:s0], s1  }
0x10a: {  	s0 =	simm.s32 @!p0 $0x1  }
0x10b: {  	_ =	swait.ge @!p0 [sflag:s0], s1  }
0x10c: {  	s1 =	ssub.s32 @!p0 $0x0, s1;
	[sflag:s0] =	ssyncset.done @!p0 $0x0  }
0x10d: {  	[sflag:s0] =	ssyncadd.s32 @!p0 s1  }
0x10e: {  	[bflag:$0x3] =	sbarrier.arrive $0xFFFF  }
0x10f: {  	_ =	shalt  }

</sc_bundles>
